<compile_context>
chip_gen: v7x
topology: tpu7x:2x2x1
jax: 0.10.2.dev20260603
libtpu: 0.0.44.dev20260713+nightly
codegen_flags: <defaults>
</compile_context>

<pallas_src>
import jax
import jax.numpy as jnp
from jax import lax
from jax.experimental import pallas as pl
from jax.experimental.pallas import tpu as pltpu
from jax.experimental.pallas import tpu_sc as plsc

B, N, D = 4, 8192, 1024
MAXK = 2048
NC, NS, L = 2, 16, 16
NVEC = N // L
ROWS_PER_TILE = (B * MAXK) // (NC * NS)
CHUNK = 32
SCORE_BLK = 2048
SIGN = -2 ** 31


def _score_body(emb_ref, wt_ref, maskf_ref, b_ref, score_out, key_out):
    bb = pl.program_id(1)
    acc = lax.dot_general(wt_ref[...], emb_ref[0],
                          (((1,), (1,)), ((), ())),
                          preferred_element_type=jnp.float32)
    sv = acc + b_ref[0, 0]
    mv = maskf_ref[pl.ds(bb, 1), :]
    sv = jnp.where(mv != 0, sv, jnp.float32(-1e20))
    score_out[pl.ds(bb, 1), :] = sv
    bi = lax.bitcast_convert_type(sv, jnp.int32)
    key_out[pl.ds(bb, 1), :] = jnp.where(bi < 0, ~bi ^ jnp.int32(SIGN), bi)


def _scores_tc(embeddings, W, maskf, b):
    return pl.pallas_call(
        _score_body,
        grid=(N // SCORE_BLK, B),
        in_specs=[
            pl.BlockSpec((1, SCORE_BLK, D), lambda i, bb: (bb, i, 0)),
            pl.BlockSpec((1, D), lambda i, bb: (0, 0)),
            pl.BlockSpec((B, SCORE_BLK), lambda i, bb: (0, i)),
            pl.BlockSpec(memory_space=pltpu.SMEM),
        ],
        out_specs=[
            pl.BlockSpec((B, SCORE_BLK), lambda i, bb: (0, i)),
            pl.BlockSpec((B, SCORE_BLK), lambda i, bb: (0, i)),
        ],
        out_shape=[
            jax.ShapeDtypeStruct((B, N), jnp.float32),
            jax.ShapeDtypeStruct((B, N), jnp.int32),
        ],
    )(embeddings, W.reshape(1, D), maskf, b.reshape(1, 1))


def _scalar(v):
    return lax.reduce_max(v, (0,))


def _popcount(m):
    return _scalar(plsc.all_reduce_population_count(m))


def _sc_body(scores_hbm, keys_hbm, mask_hbm, emb_hbm,
             idx_out, mask_out, score_out, emb_out,
             scores_v, mask_v, keys_v, akeys_v, hist_v, cum_v,
             oidx_v, oscr_v, omsk_v, gidx_v, rows_a, rows_b, sem_g, sem_s):
    c = lax.axis_index("c")
    s = lax.axis_index("s")

    @pl.when(s < 2)
    def _selection():
        batch = 2 * c + s
        pltpu.sync_copy(scores_hbm.at[batch], scores_v)
        pltpu.sync_copy(keys_hbm.at[batch], keys_v)
        pltpu.sync_copy(mask_hbm.at[batch], mask_v)

        ones = jnp.ones((L,), jnp.int32)

        def scan_hist(k_rem, shift):
            def cumchunk(j, carry_tot):
                sl = pl.ds(j * L, L)
                cm = plsc.cumsum(hist_v[sl]) + carry_tot
                cum_v[sl] = cm
                return _scalar(cm)

            total = lax.fori_loop(0, 256 // L, cumchunk, jnp.int32(0))

            def count_chunk(j, bs):
                cm = cum_v[pl.ds(j * L, L)]
                return bs + _popcount((total - cm) >= k_rem)

            bstar = lax.fori_loop(0, 256 // L, count_chunk, jnp.int32(0))
            c_b = _scalar(plsc.load_gather(cum_v, [jnp.full((L,), bstar,
                                                            jnp.int32)]))
            k_rem = k_rem - (total - c_b)
            return k_rem, bstar

        iota16 = lax.iota(jnp.int32, L)
        zero_v = jnp.zeros((L,), jnp.int32)

        for j in range(256 // L):
            hist_v[pl.ds(j * L, L)] = zero_v

        def hist0(i, carry):
            for t in range(8):
                sl = pl.ds((i * 8 + t) * L, L)
                bucket = ((keys_v[sl] >> 24) & jnp.int32(0xFF)) ^ jnp.int32(0x80)
                plsc.addupdate_scatter(hist_v, [bucket], ones)
            return carry

        lax.fori_loop(0, NVEC // 8, hist0, 0)
        k_rem, bstar = scan_hist(jnp.int32(MAXK), 24)
        prefix = (bstar ^ 0x80) << 24

        pfx_hi = prefix >> 24

        def acomp(i, pos_v):
            ms = []
            for t in range(4):
                sl = pl.ds((i * 4 + t) * L, L)
                ms.append((keys_v[sl] >> 24) == pfx_hi)
            anym = jnp.any(ms[0] | ms[1] | ms[2] | ms[3])

            def rare(pv):
                for t in range(4):
                    sl = pl.ds((i * 4 + t) * L, L)
                    u = keys_v[sl]
                    m = (u >> 24) == pfx_hi
                    mi = m.astype(jnp.int32)
                    m_incl = plsc.cumsum(mi)
                    posvec = pv + m_incl - mi
                    plsc.store_scatter(akeys_v, [posvec], u, mask=m)
                    pv = pv + plsc.all_reduce_population_count(m)
                return pv

            return lax.cond(anym, rare, lambda pv: pv, pos_v)

        act_v = lax.fori_loop(0, NVEC // 4, acomp, zero_v)
        act = _scalar(act_v)
        plsc.store_scatter(akeys_v, [act_v + iota16],
                           jnp.full((L,), ~prefix, jnp.int32))
        nact = (act + (L - 1)) // L

        for r in range(1, 4):
            shift = 8 * (3 - r)
            hi = shift + 8
            for j in range(256 // L):
                hist_v[pl.ds(j * L, L)] = zero_v

            def hist_round(i, carry, hi=hi, shift=shift, prefix=prefix):
                sl = pl.ds(i * L, L)
                u = akeys_v[sl]
                active = (u >> hi) == (prefix >> hi)
                bucket = (u >> shift) & jnp.int32(0xFF)
                plsc.addupdate_scatter(hist_v, [bucket], ones, mask=active)
                return carry

            lax.fori_loop(0, nact, hist_round, 0)
            k_rem, bstar = scan_hist(k_rem, shift)
            prefix = prefix | (bstar << shift)

        krem_v = jnp.full((L,), k_rem, jnp.int32)

        def compact(i, carry):
            pos_v, eqc_v = carry
            for t in range(4):
                ii = i * 4 + t
                sl = pl.ds(ii * L, L)
                u = keys_v[sl]
                gt = u > prefix
                eq = u == prefix
                eqi = eq.astype(jnp.int32)
                eq_incl = plsc.cumsum(eqi)
                keep = gt | (eq & ((eq_incl - eqi + eqc_v) < krem_v))
                ki = keep.astype(jnp.int32)
                k_incl = plsc.cumsum(ki)
                posvec = pos_v + k_incl - ki
                iv = iota16 + ii * L
                mv = jnp.where(mask_v[sl] != 0, 1, 0)
                plsc.store_scatter(oidx_v, [posvec], iv, mask=keep)
                plsc.store_scatter(oscr_v, [posvec], scores_v[sl], mask=keep)
                plsc.store_scatter(omsk_v, [posvec], mv, mask=keep)
                pos_v = pos_v + plsc.all_reduce_population_count(keep)
                eqc_v = eqc_v + plsc.all_reduce_population_count(eq)
            return pos_v, eqc_v

        lax.fori_loop(0, NVEC // 4, compact, (zero_v, zero_v))

        pltpu.sync_copy(oidx_v, idx_out.at[batch])
        pltpu.sync_copy(oscr_v, score_out.at[batch])
        pltpu.sync_copy(omsk_v, mask_out.at[batch])

    plsc.subcore_barrier()

    batch_g = 2 * c + s // 8
    base = (s % 8) * ROWS_PER_TILE
    pltpu.sync_copy(idx_out.at[batch_g, pl.ds(base, ROWS_PER_TILE)], gidx_v)
    for j in range(ROWS_PER_TILE // L):
        sl = pl.ds(j * L, L)
        gidx_v[sl] = gidx_v[sl] + batch_g * N

    nchunk = ROWS_PER_TILE // CHUNK
    rows = (rows_a, rows_b)
    obase = batch_g * MAXK + base

    def g_start(k):
        return pltpu.async_copy(
            emb_hbm.at[gidx_v.at[pl.ds(k * CHUNK, CHUNK)]],
            rows[k % 2], sem_g)

    gh = g_start(0)
    sh = [None, None]
    for k in range(nchunk):
        gh.wait()
        if sh[k % 2] is not None:
            sh[k % 2].wait()
        if k + 1 < nchunk:
            gh = g_start(k + 1)
        sh[k % 2] = pltpu.async_copy(
            rows[k % 2], emb_out.at[pl.ds(obase + k * CHUNK, CHUNK)], sem_s)
    sh[0].wait()
    sh[1].wait()


_prune_sc = pl.kernel(
    _sc_body,
    out_type=(
        jax.ShapeDtypeStruct((B, MAXK), jnp.int32),
        jax.ShapeDtypeStruct((B, MAXK), jnp.int32),
        jax.ShapeDtypeStruct((B, MAXK), jnp.float32),
        jax.ShapeDtypeStruct((B * MAXK, D), jnp.float32),
    ),
    mesh=plsc.VectorSubcoreMesh(core_axis_name="c", subcore_axis_name="s"),
    compiler_params=pltpu.CompilerParams(needs_layout_passes=False),
    scratch_types=[
        pltpu.VMEM((N,), jnp.float32),
        pltpu.VMEM((N,), jnp.int32),
        pltpu.VMEM((N,), jnp.int32),
        pltpu.VMEM((N + L,), jnp.int32),
        pltpu.VMEM((256,), jnp.int32),
        pltpu.VMEM((256,), jnp.int32),
        pltpu.VMEM((MAXK,), jnp.int32),
        pltpu.VMEM((MAXK,), jnp.float32),
        pltpu.VMEM((MAXK,), jnp.int32),
        pltpu.VMEM((ROWS_PER_TILE,), jnp.int32),
        pltpu.VMEM((CHUNK, D), jnp.float32),
        pltpu.VMEM((CHUNK, D), jnp.float32),
        pltpu.SemaphoreType.DMA,
        pltpu.SemaphoreType.DMA,
    ],
)


def kernel(embeddings, mask, W, b, num_items_to_keep):
    maskf = mask.astype(jnp.float32)
    scores, keys = _scores_tc(embeddings, W, maskf, b)
    top_idx, top_mask, top_scores, top_emb = _prune_sc(
        scores, keys, mask, embeddings.reshape(B * N, D))
    return (top_emb.reshape(B, MAXK, D), top_mask, top_idx,
            top_scores[..., None])

# --- scband reference (transcript-rebuilt; emitter-appended) ---
"""Pipeline reference for scband-pruner-1881195676112 (READ-ONLY COPY).

The authoritative reference and input builder live on the scoring server;
editing this copy changes nothing except your own understanding.
"""

import jax, jax.numpy as jnp
import numpy as np


def setup_inputs(seed: int = 0) -> dict:
    key = jax.random.key(seed)
    k1, k2, k3 = jax.random.split(key, 3)
    embeddings = jax.random.normal(k1, (4, 8192, 1024), dtype=jnp.float32)
    mask = jnp.ones((4, 8192), dtype=jnp.int32)
    # scorer = torch.nn.Linear(1024, 1): weight W (1024, 1) and bias b (1,)
    W = jax.random.normal(k2, (1024, 1), dtype=jnp.float32) / np.sqrt(1024.0)
    b = jax.random.normal(k3, (1,), dtype=jnp.float32) * 0.01
    return {"embeddings": embeddings, "mask": mask, "W": W, "b": b, "num_items_to_keep": 2048}


def reference(embeddings, mask, W, b, num_items_to_keep):
    batch_size, num_items, _ = embeddings.shape
    max_k = 2048
    nik = jnp.full((batch_size,), num_items_to_keep, dtype=jnp.int32)
    # score each item: (B, N, 1)
    scores = jnp.einsum('bnd,do->bno', embeddings, W) + b
    # replace masked values with a very negative number
    mask3 = mask[..., None].astype(bool)
    scores = jnp.where(mask3, scores, jnp.float32(-1e20))
    # top-k over the item dimension
    _, top_indices = jax.lax.top_k(scores.squeeze(-1), max_k)  # (B, max_k)
    # mask for rows that keep fewer than max_k items
    top_indices_mask = jnp.arange(max_k)[None, :] < nik[:, None]  # (B, max_k) bool
    # fill invalid slots with each row's max index
    fill_value = jnp.max(top_indices, axis=1, keepdims=True)
    top_indices = jnp.where(top_indices_mask, top_indices, fill_value)
    # restore original ordering
    top_indices = jnp.sort(top_indices, axis=1)
    # batched index select (gathers)
    top_embeddings = jnp.take_along_axis(embeddings, top_indices[..., None], axis=1)
    sequence_mask = jnp.take_along_axis(mask, top_indices, axis=1).astype(bool)
    top_mask = (top_indices_mask & sequence_mask).astype(jnp.int32)
    top_scores = jnp.take_along_axis(scores, top_indices[..., None], axis=1)
    return (top_embeddings, top_mask, top_indices, top_scores)

if __name__ == "__main__":
    import jax
    _d = setup_inputs()
    print(jax.jit(kernel)(*tuple(_d.values())))

</pallas_src>

<mosaic_0001>
#map = affine_map<(d0, d1) -> (0, 0)>
module attributes {stable_mosaic.version = 14 : i64} {
  func.func @_sc_body(%arg0: i32, %arg1: i32, %arg2: memref<4x8192xf32, #tpu.memory_space<hbm>>, %arg3: memref<4x8192xi32, #tpu.memory_space<hbm>>, %arg4: memref<4x8192xi32, #tpu.memory_space<hbm>>, %arg5: memref<32768x1024xf32, #tpu.memory_space<hbm>>, %arg6: memref<4x2048xi32, #tpu.memory_space<hbm>>, %arg7: memref<4x2048xi32, #tpu.memory_space<hbm>>, %arg8: memref<4x2048xf32, #tpu.memory_space<hbm>>, %arg9: memref<8192x1024xf32, #tpu.memory_space<hbm>>, %arg10: memref<8192xf32, #tpu.memory_space<vmem>>, %arg11: memref<8192xi32, #tpu.memory_space<vmem>>, %arg12: memref<8192xi32, #tpu.memory_space<vmem>>, %arg13: memref<8208xi32, #tpu.memory_space<vmem>>, %arg14: memref<256xi32, #tpu.memory_space<vmem>>, %arg15: memref<256xi32, #tpu.memory_space<vmem>>, %arg16: memref<2048xi32, #tpu.memory_space<vmem>>, %arg17: memref<2048xf32, #tpu.memory_space<vmem>>, %arg18: memref<2048xi32, #tpu.memory_space<vmem>>, %arg19: memref<256xi32, #tpu.memory_space<vmem>>, %arg20: memref<32x1024xf32, #tpu.memory_space<vmem>>, %arg21: memref<32x1024xf32, #tpu.memory_space<vmem>>, %arg22: memref<!tpu.dma_semaphore, #tpu.memory_space<semaphore_mem>>, %arg23: memref<!tpu.dma_semaphore, #tpu.memory_space<semaphore_mem>>) attributes {dimension_semantics = [#tpu.dimension_semantics<core_parallel>, #tpu.dimension_semantics<subcore_parallel>], iteration_bounds = array<i64: 2, 16>, scalar_prefetch = 0 : i64, scratch_operands = 14 : i64, tpu.core_type = #tpu.core_type<sc_vector_subcore>, window_params = [{transform_indices = #map}, {transform_indices = #map}, {transform_indices = #map}, {transform_indices = #map}, {transform_indices = #map}, {transform_indices = #map}, {transform_indices = #map}, {transform_indices = #map}]} {
    %lt3A = arith.constant 2 : i32
    %lt3A_0 = arith.cmpi slt, %arg1, %lt3A : i32
    %convert_element_type3A = arith.extui %lt3A_0 : i1 to i32
    %cond3A = arith.constant 0 : i32
    %cond3A_1 = arith.cmpi ne, %convert_element_type3A, %cond3A : i32
    scf.if %cond3A_1 {
      %mul3A_323 = arith.constant 2 : i32
      %mul3A_324 = arith.muli %mul3A_323, %arg0 : i32
      %add3A_325 = arith.addi %mul3A_324, %arg1 : i32
      "tpu.region"() ({
        %run_scoped3A = tpu.sem_alloc : memref<!tpu.dma_semaphore, #tpu.memory_space<semaphore_mem>>
        %dma_start3A_656 = arith.constant 0 : i32
        %dma_start3A_657 = tpu.memref_slice %arg2[%add3A_325, %dma_start3A_656] : memref<4x8192xf32, #tpu.memory_space<hbm>> -> memref<1x8192xf32, #tpu.memory_space<hbm>>
        %dma_start3A_658 = tpu.memref_squeeze %dma_start3A_657 : memref<1x8192xf32, #tpu.memory_space<hbm>> -> memref<8192xf32, #tpu.memory_space<hbm>>
        %dma_start3A_659 = arith.constant 0 : i32
        %dma_start3A_660 = tpu.memref_slice %arg2[%add3A_325, %dma_start3A_659] : memref<4x8192xf32, #tpu.memory_space<hbm>> -> memref<1x8192xf32, #tpu.memory_space<hbm>>
        %dma_start3A_661 = tpu.memref_squeeze %dma_start3A_660 : memref<1x8192xf32, #tpu.memory_space<hbm>> -> memref<8192xf32, #tpu.memory_space<hbm>>
        tpu.enqueue_dma source(%dma_start3A_661 : memref<8192xf32, #tpu.memory_space<hbm>>) target(%arg10 : memref<8192xf32, #tpu.memory_space<vmem>>) target_semaphore(%run_scoped3A : memref<!tpu.dma_semaphore, #tpu.memory_space<semaphore_mem>>)
        %dma_wait3A_662 = arith.constant 0 : i32
        %dma_wait3A_663 = tpu.memref_slice %arg2[%add3A_325, %dma_wait3A_662] : memref<4x8192xf32, #tpu.memory_space<hbm>> -> memref<1x8192xf32, #tpu.memory_space<hbm>>
        %dma_wait3A_664 = tpu.memref_squeeze %dma_wait3A_663 : memref<1x8192xf32, #tpu.memory_space<hbm>> -> memref<8192xf32, #tpu.memory_space<hbm>>
        %dma_wait3A_665 = arith.constant 0 : i32
        %dma_wait3A_666 = tpu.memref_slice %arg2[%add3A_325, %dma_wait3A_665] : memref<4x8192xf32, #tpu.memory_space<hbm>> -> memref<1x8192xf32, #tpu.memory_space<hbm>>
        %dma_wait3A_667 = tpu.memref_squeeze %dma_wait3A_666 : memref<1x8192xf32, #tpu.memory_space<hbm>> -> memref<8192xf32, #tpu.memory_space<hbm>>
        tpu.wait_dma2 semaphore(%run_scoped3A : memref<!tpu.dma_semaphore, #tpu.memory_space<semaphore_mem>>) src(%dma_wait3A_667 : memref<8192xf32, #tpu.memory_space<hbm>>) dst(%arg10 : memref<8192xf32, #tpu.memory_space<vmem>>)
        tpu.yield
      }) : () -> ()
      "tpu.region"() ({
        %run_scoped3A = tpu.sem_alloc : memref<!tpu.dma_semaphore, #tpu.memory_space<semaphore_mem>>
        %dma_start3A_656 = arith.constant 0 : i32
        %dma_start3A_657 = tpu.memref_slice %arg3[%add3A_325, %dma_start3A_656] : memref<4x8192xi32, #tpu.memory_space<hbm>> -> memref<1x8192xi32, #tpu.memory_space<hbm>>
        %dma_start3A_658 = tpu.memref_squeeze %dma_start3A_657 : memref<1x8192xi32, #tpu.memory_space<hbm>> -> memref<8192xi32, #tpu.memory_space<hbm>>
        %dma_start3A_659 = arith.constant 0 : i32
        %dma_start3A_660 = tpu.memref_slice %arg3[%add3A_325, %dma_start3A_659] : memref<4x8192xi32, #tpu.memory_space<hbm>> -> memref<1x8192xi32, #tpu.memory_space<hbm>>
        %dma_start3A_661 = tpu.memref_squeeze %dma_start3A_660 : memref<1x8192xi32, #tpu.memory_space<hbm>> -> memref<8192xi32, #tpu.memory_space<hbm>>
        tpu.enqueue_dma source(%dma_start3A_661 : memref<8192xi32, #tpu.memory_space<hbm>>) target(%arg12 : memref<8192xi32, #tpu.memory_space<vmem>>) target_semaphore(%run_scoped3A : memref<!tpu.dma_semaphore, #tpu.memory_space<semaphore_mem>>)
        %dma_wait3A_662 = arith.constant 0 : i32
        %dma_wait3A_663 = tpu.memref_slice %arg3[%add3A_325, %dma_wait3A_662] : memref<4x8192xi32, #tpu.memory_space<hbm>> -> memref<1x8192xi32, #tpu.memory_space<hbm>>
        %dma_wait3A_664 = tpu.memref_squeeze %dma_wait3A_663 : memref<1x8192xi32, #tpu.memory_space<hbm>> -> memref<8192xi32, #tpu.memory_space<hbm>>
        %dma_wait3A_665 = arith.constant 0 : i32
        %dma_wait3A_666 = tpu.memref_slice %arg3[%add3A_325, %dma_wait3A_665] : memref<4x8192xi32, #tpu.memory_space<hbm>> -> memref<1x8192xi32, #tpu.memory_space<hbm>>
        %dma_wait3A_667 = tpu.memref_squeeze %dma_wait3A_666 : memref<1x8192xi32, #tpu.memory_space<hbm>> -> memref<8192xi32, #tpu.memory_space<hbm>>
        tpu.wait_dma2 semaphore(%run_scoped3A : memref<!tpu.dma_semaphore, #tpu.memory_space<semaphore_mem>>) src(%dma_wait3A_667 : memref<8192xi32, #tpu.memory_space<hbm>>) dst(%arg12 : memref<8192xi32, #tpu.memory_space<vmem>>)
        tpu.yield
      }) : () -> ()
      "tpu.region"() ({
        %run_scoped3A = tpu.sem_alloc : memref<!tpu.dma_semaphore, #tpu.memory_space<semaphore_mem>>
        %dma_start3A_656 = arith.constant 0 : i32
        %dma_start3A_657 = tpu.memref_slice %arg4[%add3A_325, %dma_start3A_656] : memref<4x8192xi32, #tpu.memory_space<hbm>> -> memref<1x8192xi32, #tpu.memory_space<hbm>>
        %dma_start3A_658 = tpu.memref_squeeze %dma_start3A_657 : memref<1x8192xi32, #tpu.memory_space<hbm>> -> memref<8192xi32, #tpu.memory_space<hbm>>
        %dma_start3A_659 = arith.constant 0 : i32
        %dma_start3A_660 = tpu.memref_slice %arg4[%add3A_325, %dma_start3A_659] : memref<4x8192xi32, #tpu.memory_space<hbm>> -> memref<1x8192xi32, #tpu.memory_space<hbm>>
        %dma_start3A_661 = tpu.memref_squeeze %dma_start3A_660 : memref<1x8192xi32, #tpu.memory_space<hbm>> -> memref<8192xi32, #tpu.memory_space<hbm>>
        tpu.enqueue_dma source(%dma_start3A_661 : memref<8192xi32, #tpu.memory_space<hbm>>) target(%arg11 : memref<8192xi32, #tpu.memory_space<vmem>>) target_semaphore(%run_scoped3A : memref<!tpu.dma_semaphore, #tpu.memory_space<semaphore_mem>>)
        %dma_wait3A_662 = arith.constant 0 : i32
        %dma_wait3A_663 = tpu.memref_slice %arg4[%add3A_325, %dma_wait3A_662] : memref<4x8192xi32, #tpu.memory_space<hbm>> -> memref<1x8192xi32, #tpu.memory_space<hbm>>
        %dma_wait3A_664 = tpu.memref_squeeze %dma_wait3A_663 : memref<1x8192xi32, #tpu.memory_space<hbm>> -> memref<8192xi32, #tpu.memory_space<hbm>>
        %dma_wait3A_665 = arith.constant 0 : i32
        %dma_wait3A_666 = tpu.memref_slice %arg4[%add3A_325, %dma_wait3A_665] : memref<4x8192xi32, #tpu.memory_space<hbm>> -> memref<1x8192xi32, #tpu.memory_space<hbm>>
        %dma_wait3A_667 = tpu.memref_squeeze %dma_wait3A_666 : memref<1x8192xi32, #tpu.memory_space<hbm>> -> memref<8192xi32, #tpu.memory_space<hbm>>
        tpu.wait_dma2 semaphore(%run_scoped3A : memref<!tpu.dma_semaphore, #tpu.memory_space<semaphore_mem>>) src(%dma_wait3A_667 : memref<8192xi32, #tpu.memory_space<hbm>>) dst(%arg11 : memref<8192xi32, #tpu.memory_space<vmem>>)
        tpu.yield
      }) : () -> ()
      %broadcast_in_dim3A = arith.constant 1 : i32
      %broadcast_in_dim3A_326 = vector.broadcast %broadcast_in_dim3A : i32 to vector<16xi32>
      %iota3A = tpu.iota {dimensions = array<i32: 0>} : vector<16xi32>
      %broadcast_in_dim3A_327 = arith.constant 0 : i32
      %broadcast_in_dim3A_328 = vector.broadcast %broadcast_in_dim3A_327 : i32 to vector<16xi32>
      %swap3A_329 = arith.constant 0 : index
      %swap3A_330 = tpu.vector_load %arg14[%swap3A_329] {strides = array<i32>} : memref<256xi32, #tpu.memory_space<vmem>>, vector<16xi32>,
      tpu.vector_store %arg14[%swap3A_329], %broadcast_in_dim3A_328 {strides = array<i32>} : memref<256xi32, #tpu.memory_space<vmem>>, vector<16xi32>,
      %swap3A_331 = arith.constant 16 : index
      %swap3A_332 = tpu.vector_load %arg14[%swap3A_331] {strides = array<i32>} : memref<256xi32, #tpu.memory_space<vmem>>, vector<16xi32>,
      tpu.vector_store %arg14[%swap3A_331], %broadcast_in_dim3A_328 {strides = array<i32>} : memref<256xi32, #tpu.memory_space<vmem>>, vector<16xi32>,
      %swap3A_333 = arith.constant 32 : index
      %swap3A_334 = tpu.vector_load %arg14[%swap3A_333] {strides = array<i32>} : memref<256xi32, #tpu.memory_space<vmem>>, vector<16xi32>,
      tpu.vector_store %arg14[%swap3A_333], %broadcast_in_dim3A_328 {strides = array<i32>} : memref<256xi32, #tpu.memory_space<vmem>>, vector<16xi32>,
      %swap3A_335 = arith.constant 48 : index
      %swap3A_336 = tpu.vector_load %arg14[%swap3A_335] {strides = array<i32>} : memref<256xi32, #tpu.memory_space<vmem>>, vector<16xi32>,
      tpu.vector_store %arg14[%swap3A_335], %broadcast_in_dim3A_328 {strides = array<i32>} : memref<256xi32, #tpu.memory_space<vmem>>, vector<16xi32>,
      %swap3A_337 = arith.constant 64 : index
      %swap3A_338 = tpu.vector_load %arg14[%swap3A_337] {strides = array<i32>} : memref<256xi32, #tpu.memory_space<vmem>>, vector<16xi32>,
      tpu.vector_store %arg14[%swap3A_337], %broadcast_in_dim3A_328 {strides = array<i32>} : memref<256xi32, #tpu.memory_space<vmem>>, vector<16xi32>,
      %swap3A_339 = arith.constant 80 : index
      %swap3A_340 = tpu.vector_load %arg14[%swap3A_339] {strides = array<i32>} : memref<256xi32, #tpu.memory_space<vmem>>, vector<16xi32>,
      tpu.vector_store %arg14[%swap3A_339], %broadcast_in_dim3A_328 {strides = array<i32>} : memref<256xi32, #tpu.memory_space<vmem>>, vector<16xi32>,
      %swap3A_341 = arith.constant 96 : index
      %swap3A_342 = tpu.vector_load %arg14[%swap3A_341] {strides = array<i32>} : memref<256xi32, #tpu.memory_space<vmem>>, vector<16xi32>,
      tpu.vector_store %arg14[%swap3A_341], %broadcast_in_dim3A_328 {strides = array<i32>} : memref<256xi32, #tpu.memory_space<vmem>>, vector<16xi32>,
      %swap3A_343 = arith.constant 112 : index
      %swap3A_344 = tpu.vector_load %arg14[%swap3A_343] {strides = array<i32>} : memref<256xi32, #tpu.memory_space<vmem>>, vector<16xi32>,
      tpu.vector_store %arg14[%swap3A_343], %broadcast_in_dim3A_328 {strides = array<i32>} : memref<256xi32, #tpu.memory_space<vmem>>, vector<16xi32>,
      %swap3A_345 = arith.constant 128 : index
      %swap3A_346 = tpu.vector_load %arg14[%swap3A_345] {strides = array<i32>} : memref<256xi32, #tpu.memory_space<vmem>>, vector<16xi32>,
      tpu.vector_store %arg14[%swap3A_345], %broadcast_in_dim3A_328 {strides = array<i32>} : memref<256xi32, #tpu.memory_space<vmem>>, vector<16xi32>,
      %swap3A_347 = arith.constant 144 : index
      %swap3A_348 = tpu.vector_load %arg14[%swap3A_347] {strides = array<i32>} : memref<256xi32, #tpu.memory_space<vmem>>, vector<16xi32>,
      tpu.vector_store %arg14[%swap3A_347], %broadcast_in_dim3A_328 {strides = array<i32>} : memref<256xi32, #tpu.memory_space<vmem>>, vector<16xi32>,
      %swap3A_349 = arith.constant 160 : index
      %swap3A_350 = tpu.vector_load %arg14[%swap3A_349] {strides = array<i32>} : memref<256xi32, #tpu.memory_space<vmem>>, vector<16xi32>,
      tpu.vector_store %arg14[%swap3A_349], %broadcast_in_dim3A_328 {strides = array<i32>} : memref<256xi32, #tpu.memory_space<vmem>>, vector<16xi32>,
      %swap3A_351 = arith.constant 176 : index
      %swap3A_352 = tpu.vector_load %arg14[%swap3A_351] {strides = array<i32>} : memref<256xi32, #tpu.memory_space<vmem>>, vector<16xi32>,
      tpu.vector_store %arg14[%swap3A_351], %broadcast_in_dim3A_328 {strides = array<i32>} : memref<256xi32, #tpu.memory_space<vmem>>, vector<16xi32>,
      %swap3A_353 = arith.constant 192 : index
      %swap3A_354 = tpu.vector_load %arg14[%swap3A_353] {strides = array<i32>} : memref<256xi32, #tpu.memory_space<vmem>>, vector<16xi32>,
      tpu.vector_store %arg14[%swap3A_353], %broadcast_in_dim3A_328 {strides = array<i32>} : memref<256xi32, #tpu.memory_space<vmem>>, vector<16xi32>,
      %swap3A_355 = arith.constant 208 : index
      %swap3A_356 = tpu.vector_load %arg14[%swap3A_355] {strides = array<i32>} : memref<256xi32, #tpu.memory_space<vmem>>, vector<16xi32>,
      tpu.vector_store %arg14[%swap3A_355], %broadcast_in_dim3A_328 {strides = array<i32>} : memref<256xi32, #tpu.memory_space<vmem>>, vector<16xi32>,
      %swap3A_357 = arith.constant 224 : index
      %swap3A_358 = tpu.vector_load %arg14[%swap3A_357] {strides = array<i32>} : memref<256xi32, #tpu.memory_space<vmem>>, vector<16xi32>,
      tpu.vector_store %arg14[%swap3A_357], %broadcast_in_dim3A_328 {strides = array<i32>} : memref<256xi32, #tpu.memory_space<vmem>>, vector<16xi32>,
      %swap3A_359 = arith.constant 240 : index
      %swap3A_360 = tpu.vector_load %arg14[%swap3A_359] {strides = array<i32>} : memref<256xi32, #tpu.memory_space<vmem>>, vector<16xi32>,
      tpu.vector_store %arg14[%swap3A_359], %broadcast_in_dim3A_328 {strides = array<i32>} : memref<256xi32, #tpu.memory_space<vmem>>, vector<16xi32>,
      %scan3A = arith.constant 0 : i32
      %scan3A_361 = arith.constant 0 : i32
      %scan3A_362 = arith.constant 64 : i32
      %scan3A_363 = arith.addi %scan3A_361, %scan3A_362 : i32
      %scan3A_364 = arith.constant 1 : i32
      scf.for %scan3A_656 = %scan3A_361 to %scan3A_363 step %scan3A_364  : i32 {
        %mul3A_657 = arith.constant 8 : i32
        %mul3A_658 = arith.muli %scan3A_656, %mul3A_657 : i32
        %add3A_659 = arith.constant 0 : i32
        %add3A_660 = arith.addi %mul3A_658, %add3A_659 : i32
        %mul3A_661 = arith.constant 16 : i32
        %mul3A_662 = arith.muli %add3A_660, %mul3A_661 : i32
        %get3A_663 = arith.index_cast %mul3A_662 : i32 to index
        %get3A_664 = tpu.vector_load %arg12[%get3A_663] {strides = array<i32>} : memref<8192xi32, #tpu.memory_space<vmem>>, vector<16xi32>,
        %shift_right_arithmetic3A_665 = arith.constant 24 : i32
        %shift_right_arithmetic3A_666 = vector.broadcast %shift_right_arithmetic3A_665 : i32 to vector<16xi32>
        %shift_right_arithmetic3A_667 = arith.shrsi %get3A_664, %shift_right_arithmetic3A_666 : vector<16xi32>
        %and3A_668 = arith.constant 255 : i32
        %and3A_669 = vector.broadcast %and3A_668 : i32 to vector<16xi32>
        %and3A_670 = arith.andi %shift_right_arithmetic3A_667, %and3A_669 : vector<16xi32>
        %xor3A_671 = arith.constant 128 : i32
        %xor3A_672 = vector.broadcast %xor3A_671 : i32 to vector<16xi32>
        %xor3A_673 = arith.xori %and3A_670, %xor3A_672 : vector<16xi32>
        tpu.vector_store_idx %arg14[%xor3A_673], %broadcast_in_dim3A_326 {add = true} : memref<256xi32, #tpu.memory_space<vmem>>[vector<16xi32>], vector<16xi32>,
        %mul3A_674 = arith.constant 8 : i32
        %mul3A_675 = arith.muli %scan3A_656, %mul3A_674 : i32
        %add3A_676 = arith.constant 1 : i32
        %add3A_677 = arith.addi %mul3A_675, %add3A_676 : i32
        %mul3A_678 = arith.constant 16 : i32
        %mul3A_679 = arith.muli %add3A_677, %mul3A_678 : i32
        %get3A_680 = arith.index_cast %mul3A_679 : i32 to index
        %get3A_681 = tpu.vector_load %arg12[%get3A_680] {strides = array<i32>} : memref<8192xi32, #tpu.memory_space<vmem>>, vector<16xi32>,
        %shift_right_arithmetic3A_682 = arith.constant 24 : i32
        %shift_right_arithmetic3A_683 = vector.broadcast %shift_right_arithmetic3A_682 : i32 to vector<16xi32>
        %shift_right_arithmetic3A_684 = arith.shrsi %get3A_681, %shift_right_arithmetic3A_683 : vector<16xi32>
        %and3A_685 = arith.constant 255 : i32
        %and3A_686 = vector.broadcast %and3A_685 : i32 to vector<16xi32>
        %and3A_687 = arith.andi %shift_right_arithmetic3A_684, %and3A_686 : vector<16xi32>
        %xor3A_688 = arith.constant 128 : i32
        %xor3A_689 = vector.broadcast %xor3A_688 : i32 to vector<16xi32>
        %xor3A_690 = arith.xori %and3A_687, %xor3A_689 : vector<16xi32>
        tpu.vector_store_idx %arg14[%xor3A_690], %broadcast_in_dim3A_326 {add = true} : memref<256xi32, #tpu.memory_space<vmem>>[vector<16xi32>], vector<16xi32>,
        %mul3A_691 = arith.constant 8 : i32
        %mul3A_692 = arith.muli %scan3A_656, %mul3A_691 : i32
        %add3A_693 = arith.constant 2 : i32
        %add3A_694 = arith.addi %mul3A_692, %add3A_693 : i32
        %mul3A_695 = arith.constant 16 : i32
        %mul3A_696 = arith.muli %add3A_694, %mul3A_695 : i32
        %get3A_697 = arith.index_cast %mul3A_696 : i32 to index
        %get3A_698 = tpu.vector_load %arg12[%get3A_697] {strides = array<i32>} : memref<8192xi32, #tpu.memory_space<vmem>>, vector<16xi32>,
        %shift_right_arithmetic3A_699 = arith.constant 24 : i32
        %shift_right_arithmetic3A_700 = vector.broadcast %shift_right_arithmetic3A_699 : i32 to vector<16xi32>
        %shift_right_arithmetic3A_701 = arith.shrsi %get3A_698, %shift_right_arithmetic3A_700 : vector<16xi32>
        %and3A_702 = arith.constant 255 : i32
        %and3A_703 = vector.broadcast %and3A_702 : i32 to vector<16xi32>
        %and3A_704 = arith.andi %shift_right_arithmetic3A_701, %and3A_703 : vector<16xi32>
        %xor3A_705 = arith.constant 128 : i32
        %xor3A_706 = vector.broadcast %xor3A_705 : i32 to vector<16xi32>
        %xor3A_707 = arith.xori %and3A_704, %xor3A_706 : vector<16xi32>
        tpu.vector_store_idx %arg14[%xor3A_707], %broadcast_in_dim3A_326 {add = true} : memref<256xi32, #tpu.memory_space<vmem>>[vector<16xi32>], vector<16xi32>,
        %mul3A_708 = arith.constant 8 : i32
        %mul3A_709 = arith.muli %scan3A_656, %mul3A_708 : i32
        %add3A_710 = arith.constant 3 : i32
        %add3A_711 = arith.addi %mul3A_709, %add3A_710 : i32
        %mul3A_712 = arith.constant 16 : i32
        %mul3A_713 = arith.muli %add3A_711, %mul3A_712 : i32
        %get3A_714 = arith.index_cast %mul3A_713 : i32 to index
        %get3A_715 = tpu.vector_load %arg12[%get3A_714] {strides = array<i32>} : memref<8192xi32, #tpu.memory_space<vmem>>, vector<16xi32>,
        %shift_right_arithmetic3A_716 = arith.constant 24 : i32
        %shift_right_arithmetic3A_717 = vector.broadcast %shift_right_arithmetic3A_716 : i32 to vector<16xi32>
        %shift_right_arithmetic3A_718 = arith.shrsi %get3A_715, %shift_right_arithmetic3A_717 : vector<16xi32>
        %and3A_719 = arith.constant 255 : i32
        %and3A_720 = vector.broadcast %and3A_719 : i32 to vector<16xi32>
        %and3A_721 = arith.andi %shift_right_arithmetic3A_718, %and3A_720 : vector<16xi32>
        %xor3A_722 = arith.constant 128 : i32
        %xor3A_723 = vector.broadcast %xor3A_722 : i32 to vector<16xi32>
        %xor3A_724 = arith.xori %and3A_721, %xor3A_723 : vector<16xi32>
        tpu.vector_store_idx %arg14[%xor3A_724], %broadcast_in_dim3A_326 {add = true} : memref<256xi32, #tpu.memory_space<vmem>>[vector<16xi32>], vector<16xi32>,
        %mul3A_725 = arith.constant 8 : i32
        %mul3A_726 = arith.muli %scan3A_656, %mul3A_725 : i32
        %add3A_727 = arith.constant 4 : i32
        %add3A_728 = arith.addi %mul3A_726, %add3A_727 : i32
        %mul3A_729 = arith.constant 16 : i32
        %mul3A_730 = arith.muli %add3A_728, %mul3A_729 : i32
        %get3A_731 = arith.index_cast %mul3A_730 : i32 to index
        %get3A_732 = tpu.vector_load %arg12[%get3A_731] {strides = array<i32>} : memref<8192xi32, #tpu.memory_space<vmem>>, vector<16xi32>,
        %shift_right_arithmetic3A_733 = arith.constant 24 : i32
        %shift_right_arithmetic3A_734 = vector.broadcast %shift_right_arithmetic3A_733 : i32 to vector<16xi32>
        %shift_right_arithmetic3A_735 = arith.shrsi %get3A_732, %shift_right_arithmetic3A_734 : vector<16xi32>
        %and3A_736 = arith.constant 255 : i32
        %and3A_737 = vector.broadcast %and3A_736 : i32 to vector<16xi32>
        %and3A_738 = arith.andi %shift_right_arithmetic3A_735, %and3A_737 : vector<16xi32>
        %xor3A_739 = arith.constant 128 : i32
        %xor3A_740 = vector.broadcast %xor3A_739 : i32 to vector<16xi32>
        %xor3A_741 = arith.xori %and3A_738, %xor3A_740 : vector<16xi32>
        tpu.vector_store_idx %arg14[%xor3A_741], %broadcast_in_dim3A_326 {add = true} : memref<256xi32, #tpu.memory_space<vmem>>[vector<16xi32>], vector<16xi32>,
        %mul3A_742 = arith.constant 8 : i32
        %mul3A_743 = arith.muli %scan3A_656, %mul3A_742 : i32
        %add3A_744 = arith.constant 5 : i32
        %add3A_745 = arith.addi %mul3A_743, %add3A_744 : i32
        %mul3A_746 = arith.constant 16 : i32
        %mul3A_747 = arith.muli %add3A_745, %mul3A_746 : i32
        %get3A_748 = arith.index_cast %mul3A_747 : i32 to index
        %get3A_749 = tpu.vector_load %arg12[%get3A_748] {strides = array<i32>} : memref<8192xi32, #tpu.memory_space<vmem>>, vector<16xi32>,
        %shift_right_arithmetic3A_750 = arith.constant 24 : i32
        %shift_right_arithmetic3A_751 = vector.broadcast %shift_right_arithmetic3A_750 : i32 to vector<16xi32>
        %shift_right_arithmetic3A_752 = arith.shrsi %get3A_749, %shift_right_arithmetic3A_751 : vector<16xi32>
        %and3A_753 = arith.constant 255 : i32
        %and3A_754 = vector.broadcast %and3A_753 : i32 to vector<16xi32>
        %and3A_755 = arith.andi %shift_right_arithmetic3A_752, %and3A_754 : vector<16xi32>
        %xor3A_756 = arith.constant 128 : i32
        %xor3A_757 = vector.broadcast %xor3A_756 : i32 to vector<16xi32>
        %xor3A_758 = arith.xori %and3A_755, %xor3A_757 : vector<16xi32>
        tpu.vector_store_idx %arg14[%xor3A_758], %broadcast_in_dim3A_326 {add = true} : memref<256xi32, #tpu.memory_space<vmem>>[vector<16xi32>], vector<16xi32>,
        %mul3A_759 = arith.constant 8 : i32
        %mul3A_760 = arith.muli %scan3A_656, %mul3A_759 : i32
        %add3A_761 = arith.constant 6 : i32
        %add3A_762 = arith.addi %mul3A_760, %add3A_761 : i32
        %mul3A_763 = arith.constant 16 : i32
        %mul3A_764 = arith.muli %add3A_762, %mul3A_763 : i32
        %get3A_765 = arith.index_cast %mul3A_764 : i32 to index
        %get3A_766 = tpu.vector_load %arg12[%get3A_765] {strides = array<i32>} : memref<8192xi32, #tpu.memory_space<vmem>>, vector<16xi32>,
        %shift_right_arithmetic3A_767 = arith.constant 24 : i32
        %shift_right_arithmetic3A_768 = vector.broadcast %shift_right_arithmetic3A_767 : i32 to vector<16xi32>
        %shift_right_arithmetic3A_769 = arith.shrsi %get3A_766, %shift_right_arithmetic3A_768 : vector<16xi32>
        %and3A_770 = arith.constant 255 : i32
        %and3A_771 = vector.broadcast %and3A_770 : i32 to vector<16xi32>
        %and3A_772 = arith.andi %shift_right_arithmetic3A_769, %and3A_771 : vector<16xi32>
        %xor3A_773 = arith.constant 128 : i32
        %xor3A_774 = vector.broadcast %xor3A_773 : i32 to vector<16xi32>
        %xor3A_775 = arith.xori %and3A_772, %xor3A_774 : vector<16xi32>
        tpu.vector_store_idx %arg14[%xor3A_775], %broadcast_in_dim3A_326 {add = true} : memref<256xi32, #tpu.memory_space<vmem>>[vector<16xi32>], vector<16xi32>,
        %mul3A_776 = arith.constant 8 : i32
        %mul3A_777 = arith.muli %scan3A_656, %mul3A_776 : i32
        %add3A_778 = arith.constant 7 : i32
        %add3A_779 = arith.addi %mul3A_777, %add3A_778 : i32
        %mul3A_780 = arith.constant 16 : i32
        %mul3A_781 = arith.muli %add3A_779, %mul3A_780 : i32
        %get3A_782 = arith.index_cast %mul3A_781 : i32 to index
        %get3A_783 = tpu.vector_load %arg12[%get3A_782] {strides = array<i32>} : memref<8192xi32, #tpu.memory_space<vmem>>, vector<16xi32>,
        %shift_right_arithmetic3A_784 = arith.constant 24 : i32
        %shift_right_arithmetic3A_785 = vector.broadcast %shift_right_arithmetic3A_784 : i32 to vector<16xi32>
        %shift_right_arithmetic3A_786 = arith.shrsi %get3A_783, %shift_right_arithmetic3A_785 : vector<16xi32>
        %and3A_787 = arith.constant 255 : i32
        %and3A_788 = vector.broadcast %and3A_787 : i32 to vector<16xi32>
        %and3A_789 = arith.andi %shift_right_arithmetic3A_786, %and3A_788 : vector<16xi32>
        %xor3A_790 = arith.constant 128 : i32
        %xor3A_791 = vector.broadcast %xor3A_790 : i32 to vector<16xi32>
        %xor3A_792 = arith.xori %and3A_789, %xor3A_791 : vector<16xi32>
        tpu.vector_store_idx %arg14[%xor3A_792], %broadcast_in_dim3A_326 {add = true} : memref<256xi32, #tpu.memory_space<vmem>>[vector<16xi32>], vector<16xi32>,
      }
      %scan3A_365 = arith.constant 64 : i32
      %scan3A_366 = arith.constant 0 : i32
      %scan3A_367 = arith.constant 0 : i32
      %scan3A_368 = arith.constant 16 : i32
      %scan3A_369 = arith.addi %scan3A_367, %scan3A_368 : i32
      %scan3A_370 = arith.constant 1 : i32
      %scan3A_371 = scf.for %scan3A_656 = %scan3A_367 to %scan3A_369 step %scan3A_370 iter_args(%scan3A_657 = %scan3A_366) -> (i32)  : i32 {
        %mul3A_658 = arith.constant 16 : i32
        %mul3A_659 = arith.muli %scan3A_656, %mul3A_658 : i32
        %get3A_660 = arith.index_cast %mul3A_659 : i32 to index
        %get3A_661 = tpu.vector_load %arg14[%get3A_660] {strides = array<i32>} : memref<256xi32, #tpu.memory_space<vmem>>, vector<16xi32>,
        %broadcast_in_dim3A_662 = arith.constant true
        %broadcast_in_dim3A_663 = vector.broadcast %broadcast_in_dim3A_662 : i1 to vector<16xi1>
        %masked_cumsum3A = tpu.scan <sum>, %get3A_661 masked %broadcast_in_dim3A_663 : vector<16xi32>, vector<16xi1> -> vector<16xi32>
        %add3A_664 = vector.broadcast %scan3A_657 : i32 to vector<16xi32>
        %add3A_665 = arith.addi %masked_cumsum3A, %add3A_664 : vector<16xi32>
        %swap3A_666 = arith.index_cast %mul3A_659 : i32 to index
        %swap3A_667 = tpu.vector_load %arg15[%swap3A_666] {strides = array<i32>} : memref<256xi32, #tpu.memory_space<vmem>>, vector<16xi32>,
        tpu.vector_store %arg15[%swap3A_666], %add3A_665 {strides = array<i32>} : memref<256xi32, #tpu.memory_space<vmem>>, vector<16xi32>,
        %reduce_max3A_668 = arith.constant true
        %reduce_max3A_669 = vector.broadcast %reduce_max3A_668 : i1 to vector<16xi1>
        %reduce_max3A_670 = arith.constant -2147483648 : i32
        %reduce_max3A_671 = vector.broadcast %reduce_max3A_670 : i32 to vector<16xi32>
        %reduce_max3A_672 = arith.xori %add3A_665, %reduce_max3A_671 : vector<16xi32>
        %reduce_max3A_673 = tpu.scan <max>, %reduce_max3A_672 masked %reduce_max3A_669 : vector<16xi32>, vector<16xi1> -> vector<16xi32>
        %reduce_max3A_674 = arith.xori %reduce_max3A_673, %reduce_max3A_671 : vector<16xi32>
        %reduce_max3A_675 = vector.extract %reduce_max3A_674[15] : i32 from vector<16xi32>
        scf.yield %reduce_max3A_675 : i32
      }
      %scan3A_372 = arith.constant 16 : i32
      %scan3A_373 = arith.constant 2048 : i32
      %scan3A_374 = arith.constant 0 : i32
      %scan3A_375 = arith.constant 0 : i32
      %scan3A_376 = arith.constant 16 : i32
      %scan3A_377 = arith.addi %scan3A_375, %scan3A_376 : i32
      %scan3A_378 = arith.constant 1 : i32
      %scan3A_379 = scf.for %scan3A_656 = %scan3A_375 to %scan3A_377 step %scan3A_378 iter_args(%scan3A_657 = %scan3A_374) -> (i32)  : i32 {
        %mul3A_658 = arith.constant 16 : i32
        %mul3A_659 = arith.muli %scan3A_656, %mul3A_658 : i32
        %get3A_660 = arith.index_cast %mul3A_659 : i32 to index
        %get3A_661 = tpu.vector_load %arg15[%get3A_660] {strides = array<i32>} : memref<256xi32, #tpu.memory_space<vmem>>, vector<16xi32>,
        %sub3A_662 = vector.broadcast %scan3A_371 : i32 to vector<16xi32>
        %sub3A_663 = arith.subi %sub3A_662, %get3A_661 : vector<16xi32>
        %ge3A = vector.broadcast %scan3A_373 : i32 to vector<16xi32>
        %ge3A_664 = arith.cmpi sge, %sub3A_663, %ge3A : vector<16xi32>
        %all_reduce_population_count3A = tpu.all_reduce %ge3A_664 {dim = 0 : i64, kind = #tpu.reduction_kind<sum>} : vector<16xi1> -> vector<16xi32>
        %reduce_max3A_665 = arith.constant true
        %reduce_max3A_666 = vector.broadcast %reduce_max3A_665 : i1 to vector<16xi1>
        %reduce_max3A_667 = arith.constant -2147483648 : i32
        %reduce_max3A_668 = vector.broadcast %reduce_max3A_667 : i32 to vector<16xi32>
        %reduce_max3A_669 = arith.xori %all_reduce_population_count3A, %reduce_max3A_668 : vector<16xi32>
        %reduce_max3A_670 = tpu.scan <max>, %reduce_max3A_669 masked %reduce_max3A_666 : vector<16xi32>, vector<16xi1> -> vector<16xi32>
        %reduce_max3A_671 = arith.xori %reduce_max3A_670, %reduce_max3A_668 : vector<16xi32>
        %reduce_max3A_672 = vector.extract %reduce_max3A_671[15] : i32 from vector<16xi32>
        %add3A_673 = arith.addi %scan3A_657, %reduce_max3A_672 : i32
        scf.yield %add3A_673 : i32
      }
      %scan3A_380 = arith.constant 16 : i32
      %broadcast_in_dim3A_381 = vector.broadcast %scan3A_379 : i32 to vector<16xi32>
      %gather3A = tpu.vector_load_idx %arg15[%broadcast_in_dim3A_381] : memref<256xi32, #tpu.memory_space<vmem>>[vector<16xi32>], vector<16xi32>,
      %reduce_max3A = arith.constant true
      %reduce_max3A_382 = vector.broadcast %reduce_max3A : i1 to vector<16xi1>
      %reduce_max3A_383 = arith.constant -2147483648 : i32
      %reduce_max3A_384 = vector.broadcast %reduce_max3A_383 : i32 to vector<16xi32>
      %reduce_max3A_385 = arith.xori %gather3A, %reduce_max3A_384 : vector<16xi32>
      %reduce_max3A_386 = tpu.scan <max>, %reduce_max3A_385 masked %reduce_max3A_382 : vector<16xi32>, vector<16xi1> -> vector<16xi32>
      %reduce_max3A_387 = arith.xori %reduce_max3A_386, %reduce_max3A_384 : vector<16xi32>
      %reduce_max3A_388 = vector.extract %reduce_max3A_387[15] : i32 from vector<16xi32>
      %sub3A_389 = arith.subi %scan3A_371, %reduce_max3A_388 : i32
      %sub3A_390 = arith.constant 2048 : i32
      %sub3A_391 = arith.subi %sub3A_390, %sub3A_389 : i32
      %xor3A = arith.constant 128 : i32
      %xor3A_392 = arith.xori %scan3A_379, %xor3A : i32
      %shift_left3A = arith.constant 24 : i32
      %shift_left3A_393 = arith.shli %xor3A_392, %shift_left3A : i32
      %shift_right_arithmetic3A = arith.constant 24 : i32
      %shift_right_arithmetic3A_394 = arith.shrsi %shift_left3A_393, %shift_right_arithmetic3A : i32
      %scan3A_395 = arith.constant 0 : i32
      %scan3A_396 = arith.constant 128 : i32
      %scan3A_397 = arith.addi %scan3A_395, %scan3A_396 : i32
      %scan3A_398 = arith.constant 1 : i32
      %scan3A_399 = scf.for %scan3A_656 = %scan3A_395 to %scan3A_397 step %scan3A_398 iter_args(%scan3A_657 = %broadcast_in_dim3A_328) -> (vector<16xi32>)  : i32 {
        %mul3A_658 = arith.constant 4 : i32
        %mul3A_659 = arith.muli %scan3A_656, %mul3A_658 : i32
        %add3A_660 = arith.constant 0 : i32
        %add3A_661 = arith.addi %mul3A_659, %add3A_660 : i32
        %mul3A_662 = arith.constant 16 : i32
        %mul3A_663 = arith.muli %add3A_661, %mul3A_662 : i32
        %get3A_664 = arith.index_cast %mul3A_663 : i32 to index
        %get3A_665 = tpu.vector_load %arg12[%get3A_664] {strides = array<i32>} : memref<8192xi32, #tpu.memory_space<vmem>>, vector<16xi32>,
        %shift_right_arithmetic3A_666 = arith.constant 24 : i32
        %shift_right_arithmetic3A_667 = vector.broadcast %shift_right_arithmetic3A_666 : i32 to vector<16xi32>
        %shift_right_arithmetic3A_668 = arith.shrsi %get3A_665, %shift_right_arithmetic3A_667 : vector<16xi32>
        %eq3A_669 = vector.broadcast %shift_right_arithmetic3A_394 : i32 to vector<16xi32>
        %eq3A_670 = arith.cmpi eq, %shift_right_arithmetic3A_668, %eq3A_669 : vector<16xi32>
        %mul3A_671 = arith.constant 4 : i32
        %mul3A_672 = arith.muli %scan3A_656, %mul3A_671 : i32
        %add3A_673 = arith.constant 1 : i32
        %add3A_674 = arith.addi %mul3A_672, %add3A_673 : i32
        %mul3A_675 = arith.constant 16 : i32
        %mul3A_676 = arith.muli %add3A_674, %mul3A_675 : i32
        %get3A_677 = arith.index_cast %mul3A_676 : i32 to index
        %get3A_678 = tpu.vector_load %arg12[%get3A_677] {strides = array<i32>} : memref<8192xi32, #tpu.memory_space<vmem>>, vector<16xi32>,
        %shift_right_arithmetic3A_679 = arith.constant 24 : i32
        %shift_right_arithmetic3A_680 = vector.broadcast %shift_right_arithmetic3A_679 : i32 to vector<16xi32>
        %shift_right_arithmetic3A_681 = arith.shrsi %get3A_678, %shift_right_arithmetic3A_680 : vector<16xi32>
        %eq3A_682 = vector.broadcast %shift_right_arithmetic3A_394 : i32 to vector<16xi32>
        %eq3A_683 = arith.cmpi eq, %shift_right_arithmetic3A_681, %eq3A_682 : vector<16xi32>
        %mul3A_684 = arith.constant 4 : i32
        %mul3A_685 = arith.muli %scan3A_656, %mul3A_684 : i32
        %add3A_686 = arith.constant 2 : i32
        %add3A_687 = arith.addi %mul3A_685, %add3A_686 : i32
        %mul3A_688 = arith.constant 16 : i32
        %mul3A_689 = arith.muli %add3A_687, %mul3A_688 : i32
        %get3A_690 = arith.index_cast %mul3A_689 : i32 to index
        %get3A_691 = tpu.vector_load %arg12[%get3A_690] {strides = array<i32>} : memref<8192xi32, #tpu.memory_space<vmem>>, vector<16xi32>,
        %shift_right_arithmetic3A_692 = arith.constant 24 : i32
        %shift_right_arithmetic3A_693 = vector.broadcast %shift_right_arithmetic3A_692 : i32 to vector<16xi32>
        %shift_right_arithmetic3A_694 = arith.shrsi %get3A_691, %shift_right_arithmetic3A_693 : vector<16xi32>
        %eq3A_695 = vector.broadcast %shift_right_arithmetic3A_394 : i32 to vector<16xi32>
        %eq3A_696 = arith.cmpi eq, %shift_right_arithmetic3A_694, %eq3A_695 : vector<16xi32>
        %mul3A_697 = arith.constant 4 : i32
        %mul3A_698 = arith.muli %scan3A_656, %mul3A_697 : i32
        %add3A_699 = arith.constant 3 : i32
        %add3A_700 = arith.addi %mul3A_698, %add3A_699 : i32
        %mul3A_701 = arith.constant 16 : i32
        %mul3A_702 = arith.muli %add3A_700, %mul3A_701 : i32
        %get3A_703 = arith.index_cast %mul3A_702 : i32 to index
        %get3A_704 = tpu.vector_load %arg12[%get3A_703] {strides = array<i32>} : memref<8192xi32, #tpu.memory_space<vmem>>, vector<16xi32>,
        %shift_right_arithmetic3A_705 = arith.constant 24 : i32
        %shift_right_arithmetic3A_706 = vector.broadcast %shift_right_arithmetic3A_705 : i32 to vector<16xi32>
        %shift_right_arithmetic3A_707 = arith.shrsi %get3A_704, %shift_right_arithmetic3A_706 : vector<16xi32>
        %eq3A_708 = vector.broadcast %shift_right_arithmetic3A_394 : i32 to vector<16xi32>
        %eq3A_709 = arith.cmpi eq, %shift_right_arithmetic3A_707, %eq3A_708 : vector<16xi32>
        %or3A_710 = arith.ori %eq3A_670, %eq3A_683 : vector<16xi1>
        %or3A_711 = arith.ori %or3A_710, %eq3A_696 : vector<16xi1>
        %or3A_712 = arith.ori %or3A_711, %eq3A_709 : vector<16xi1>
        %reduce_or3A = arith.constant 1.000000e+00 : f32
        %reduce_or3A_713 = arith.constant 0.000000e+00 : f32
        %reduce_or3A_714 = vector.broadcast %reduce_or3A : f32 to vector<16xf32>
        %reduce_or3A_715 = vector.broadcast %reduce_or3A_713 : f32 to vector<16xf32>
        %reduce_or3A_716 = arith.select %or3A_712, %reduce_or3A_714, %reduce_or3A_715 : vector<16xi1>, vector<16xf32>
        %reduce_or3A_717 = arith.constant true
        %reduce_or3A_718 = vector.broadcast %reduce_or3A_717 : i1 to vector<16xi1>
        %reduce_or3A_719 = tpu.scan <max>, %reduce_or3A_716 masked %reduce_or3A_718 : vector<16xf32>, vector<16xi1> -> vector<16xf32>
        %reduce_or3A_720 = vector.extract %reduce_or3A_719[15] : f32 from vector<16xf32>
        %reduce_or3A_721 = arith.constant 0.000000e+00 : f32
        %reduce_or3A_722 = arith.cmpf ogt, %reduce_or3A_720, %reduce_or3A_721 : f32
        %convert_element_type3A_723 = arith.extui %reduce_or3A_722 : i1 to i32
        %cond3A_724 = arith.constant 0 : i32
        %cond3A_725 = arith.cmpi ne, %convert_element_type3A_723, %cond3A_724 : i32
        %cond3A_726 = scf.if %cond3A_725 -> (vector<16xi32>) {
          %mul3A_727 = arith.constant 4 : i32
          %mul3A_728 = arith.muli %scan3A_656, %mul3A_727 : i32
          %add3A_729 = arith.constant 0 : i32
          %add3A_730 = arith.addi %mul3A_728, %add3A_729 : i32
          %mul3A_731 = arith.constant 16 : i32
          %mul3A_732 = arith.muli %add3A_730, %mul3A_731 : i32
          %get3A_733 = arith.index_cast %mul3A_732 : i32 to index
          %get3A_734 = tpu.vector_load %arg12[%get3A_733] {strides = array<i32>} : memref<8192xi32, #tpu.memory_space<vmem>>, vector<16xi32>,
          %shift_right_arithmetic3A_735 = arith.constant 24 : i32
          %shift_right_arithmetic3A_736 = vector.broadcast %shift_right_arithmetic3A_735 : i32 to vector<16xi32>
          %shift_right_arithmetic3A_737 = arith.shrsi %get3A_734, %shift_right_arithmetic3A_736 : vector<16xi32>
          %eq3A_738 = vector.broadcast %shift_right_arithmetic3A_394 : i32 to vector<16xi32>
          %eq3A_739 = arith.cmpi eq, %shift_right_arithmetic3A_737, %eq3A_738 : vector<16xi32>
          %convert_element_type3A_740 = arith.extui %eq3A_739 : vector<16xi1> to vector<16xi32>
          %broadcast_in_dim3A_741 = arith.constant true
          %broadcast_in_dim3A_742 = vector.broadcast %broadcast_in_dim3A_741 : i1 to vector<16xi1>
          %masked_cumsum3A = tpu.scan <sum>, %convert_element_type3A_740 masked %broadcast_in_dim3A_742 : vector<16xi32>, vector<16xi1> -> vector<16xi32>
          %add3A_743 = arith.addi %scan3A_657, %masked_cumsum3A : vector<16xi32>
          %sub3A_744 = arith.subi %add3A_743, %convert_element_type3A_740 : vector<16xi32>
          tpu.vector_store_idx %arg13[%sub3A_744], %get3A_734 masked %eq3A_739 : memref<8208xi32, #tpu.memory_space<vmem>>[vector<16xi32>], vector<16xi32>, vector<16xi1>
          %all_reduce_population_count3A = tpu.all_reduce %eq3A_739 {dim = 0 : i64, kind = #tpu.reduction_kind<sum>} : vector<16xi1> -> vector<16xi32>
          %add3A_745 = arith.addi %scan3A_657, %all_reduce_population_count3A : vector<16xi32>
          %mul3A_746 = arith.constant 4 : i32
          %mul3A_747 = arith.muli %scan3A_656, %mul3A_746 : i32
          %add3A_748 = arith.constant 1 : i32
          %add3A_749 = arith.addi %mul3A_747, %add3A_748 : i32
          %mul3A_750 = arith.constant 16 : i32
          %mul3A_751 = arith.muli %add3A_749, %mul3A_750 : i32
          %get3A_752 = arith.index_cast %mul3A_751 : i32 to index
          %get3A_753 = tpu.vector_load %arg12[%get3A_752] {strides = array<i32>} : memref<8192xi32, #tpu.memory_space<vmem>>, vector<16xi32>,
          %shift_right_arithmetic3A_754 = arith.constant 24 : i32
          %shift_right_arithmetic3A_755 = vector.broadcast %shift_right_arithmetic3A_754 : i32 to vector<16xi32>
          %shift_right_arithmetic3A_756 = arith.shrsi %get3A_753, %shift_right_arithmetic3A_755 : vector<16xi32>
          %eq3A_757 = vector.broadcast %shift_right_arithmetic3A_394 : i32 to vector<16xi32>
          %eq3A_758 = arith.cmpi eq, %shift_right_arithmetic3A_756, %eq3A_757 : vector<16xi32>
          %convert_element_type3A_759 = arith.extui %eq3A_758 : vector<16xi1> to vector<16xi32>
          %broadcast_in_dim3A_760 = arith.constant true
          %broadcast_in_dim3A_761 = vector.broadcast %broadcast_in_dim3A_760 : i1 to vector<16xi1>
          %masked_cumsum3A_762 = tpu.scan <sum>, %convert_element_type3A_759 masked %broadcast_in_dim3A_761 : vector<16xi32>, vector<16xi1> -> vector<16xi32>
          %add3A_763 = arith.addi %add3A_745, %masked_cumsum3A_762 : vector<16xi32>
          %sub3A_764 = arith.subi %add3A_763, %convert_element_type3A_759 : vector<16xi32>
          tpu.vector_store_idx %arg13[%sub3A_764], %get3A_753 masked %eq3A_758 : memref<8208xi32, #tpu.memory_space<vmem>>[vector<16xi32>], vector<16xi32>, vector<16xi1>
          %all_reduce_population_count3A_765 = tpu.all_reduce %eq3A_758 {dim = 0 : i64, kind = #tpu.reduction_kind<sum>} : vector<16xi1> -> vector<16xi32>
          %add3A_766 = arith.addi %add3A_745, %all_reduce_population_count3A_765 : vector<16xi32>
          %mul3A_767 = arith.constant 4 : i32
          %mul3A_768 = arith.muli %scan3A_656, %mul3A_767 : i32
          %add3A_769 = arith.constant 2 : i32
          %add3A_770 = arith.addi %mul3A_768, %add3A_769 : i32
          %mul3A_771 = arith.constant 16 : i32
          %mul3A_772 = arith.muli %add3A_770, %mul3A_771 : i32
          %get3A_773 = arith.index_cast %mul3A_772 : i32 to index
          %get3A_774 = tpu.vector_load %arg12[%get3A_773] {strides = array<i32>} : memref<8192xi32, #tpu.memory_space<vmem>>, vector<16xi32>,
          %shift_right_arithmetic3A_775 = arith.constant 24 : i32
          %shift_right_arithmetic3A_776 = vector.broadcast %shift_right_arithmetic3A_775 : i32 to vector<16xi32>
          %shift_right_arithmetic3A_777 = arith.shrsi %get3A_774, %shift_right_arithmetic3A_776 : vector<16xi32>
          %eq3A_778 = vector.broadcast %shift_right_arithmetic3A_394 : i32 to vector<16xi32>
          %eq3A_779 = arith.cmpi eq, %shift_right_arithmetic3A_777, %eq3A_778 : vector<16xi32>
          %convert_element_type3A_780 = arith.extui %eq3A_779 : vector<16xi1> to vector<16xi32>
          %broadcast_in_dim3A_781 = arith.constant true
          %broadcast_in_dim3A_782 = vector.broadcast %broadcast_in_dim3A_781 : i1 to vector<16xi1>
          %masked_cumsum3A_783 = tpu.scan <sum>, %convert_element_type3A_780 masked %broadcast_in_dim3A_782 : vector<16xi32>, vector<16xi1> -> vector<16xi32>
          %add3A_784 = arith.addi %add3A_766, %masked_cumsum3A_783 : vector<16xi32>
          %sub3A_785 = arith.subi %add3A_784, %convert_element_type3A_780 : vector<16xi32>
          tpu.vector_store_idx %arg13[%sub3A_785], %get3A_774 masked %eq3A_779 : memref<8208xi32, #tpu.memory_space<vmem>>[vector<16xi32>], vector<16xi32>, vector<16xi1>
          %all_reduce_population_count3A_786 = tpu.all_reduce %eq3A_779 {dim = 0 : i64, kind = #tpu.reduction_kind<sum>} : vector<16xi1> -> vector<16xi32>
          %add3A_787 = arith.addi %add3A_766, %all_reduce_population_count3A_786 : vector<16xi32>
          %mul3A_788 = arith.constant 4 : i32
          %mul3A_789 = arith.muli %scan3A_656, %mul3A_788 : i32
          %add3A_790 = arith.constant 3 : i32
          %add3A_791 = arith.addi %mul3A_789, %add3A_790 : i32
          %mul3A_792 = arith.constant 16 : i32
          %mul3A_793 = arith.muli %add3A_791, %mul3A_792 : i32
          %get3A_794 = arith.index_cast %mul3A_793 : i32 to index
          %get3A_795 = tpu.vector_load %arg12[%get3A_794] {strides = array<i32>} : memref<8192xi32, #tpu.memory_space<vmem>>, vector<16xi32>,
          %shift_right_arithmetic3A_796 = arith.constant 24 : i32
          %shift_right_arithmetic3A_797 = vector.broadcast %shift_right_arithmetic3A_796 : i32 to vector<16xi32>
          %shift_right_arithmetic3A_798 = arith.shrsi %get3A_795, %shift_right_arithmetic3A_797 : vector<16xi32>
          %eq3A_799 = vector.broadcast %shift_right_arithmetic3A_394 : i32 to vector<16xi32>
          %eq3A_800 = arith.cmpi eq, %shift_right_arithmetic3A_798, %eq3A_799 : vector<16xi32>
          %convert_element_type3A_801 = arith.extui %eq3A_800 : vector<16xi1> to vector<16xi32>
          %broadcast_in_dim3A_802 = arith.constant true
          %broadcast_in_dim3A_803 = vector.broadcast %broadcast_in_dim3A_802 : i1 to vector<16xi1>
          %masked_cumsum3A_804 = tpu.scan <sum>, %convert_element_type3A_801 masked %broadcast_in_dim3A_803 : vector<16xi32>, vector<16xi1> -> vector<16xi32>
          %add3A_805 = arith.addi %add3A_787, %masked_cumsum3A_804 : vector<16xi32>
          %sub3A_806 = arith.subi %add3A_805, %convert_element_type3A_801 : vector<16xi32>
          tpu.vector_store_idx %arg13[%sub3A_806], %get3A_795 masked %eq3A_800 : memref<8208xi32, #tpu.memory_space<vmem>>[vector<16xi32>], vector<16xi32>, vector<16xi1>
          %all_reduce_population_count3A_807 = tpu.all_reduce %eq3A_800 {dim = 0 : i64, kind = #tpu.reduction_kind<sum>} : vector<16xi1> -> vector<16xi32>
          %add3A_808 = arith.addi %add3A_787, %all_reduce_population_count3A_807 : vector<16xi32>
          scf.yield %add3A_808 : vector<16xi32>
        } else {
          scf.yield %scan3A_657 : vector<16xi32>
        }
        scf.yield %cond3A_726 : vector<16xi32>
      }
      %scan3A_400 = arith.constant 128 : i32
      %reduce_max3A_401 = arith.constant true
      %reduce_max3A_402 = vector.broadcast %reduce_max3A_401 : i1 to vector<16xi1>
      %reduce_max3A_403 = arith.constant -2147483648 : i32
      %reduce_max3A_404 = vector.broadcast %reduce_max3A_403 : i32 to vector<16xi32>
      %reduce_max3A_405 = arith.xori %scan3A_399, %reduce_max3A_404 : vector<16xi32>
      %reduce_max3A_406 = tpu.scan <max>, %reduce_max3A_405 masked %reduce_max3A_402 : vector<16xi32>, vector<16xi1> -> vector<16xi32>
      %reduce_max3A_407 = arith.xori %reduce_max3A_406, %reduce_max3A_404 : vector<16xi32>
      %reduce_max3A_408 = vector.extract %reduce_max3A_407[15] : i32 from vector<16xi32>
      %add3A_409 = arith.addi %scan3A_399, %iota3A : vector<16xi32>
      %not3A = arith.constant -1 : i32
      %not3A_410 = arith.xori %shift_left3A_393, %not3A : i32
      %broadcast_in_dim3A_411 = vector.broadcast %not3A_410 : i32 to vector<16xi32>
      tpu.vector_store_idx %arg13[%add3A_409], %broadcast_in_dim3A_411 : memref<8208xi32, #tpu.memory_space<vmem>>[vector<16xi32>], vector<16xi32>,
      %add3A_412 = arith.constant 15 : i32
      %add3A_413 = arith.addi %reduce_max3A_408, %add3A_412 : i32
      %jit3A_414 = arith.constant 16 : i32
      %div3A_415 = arith.divsi %add3A_413, %jit3A_414 : i32
      %sign3A_416 = arith.constant 0 : i32
      %sign3A_417 = arith.cmpi sgt, %add3A_413, %sign3A_416 : i32
      %sign3A_418 = arith.extui %sign3A_417 : i1 to i32
      %sign3A_419 = arith.constant 0 : i32
      %sign3A_420 = arith.cmpi slt, %add3A_413, %sign3A_419 : i32
      %sign3A_421 = arith.extui %sign3A_420 : i1 to i32
      %sign3A_422 = arith.subi %sign3A_418, %sign3A_421 : i32
      %sign3A_423 = arith.constant 0 : i32
      %sign3A_424 = arith.cmpi sgt, %jit3A_414, %sign3A_423 : i32
      %sign3A_425 = arith.extui %sign3A_424 : i1 to i32
      %sign3A_426 = arith.constant 0 : i32
      %sign3A_427 = arith.cmpi slt, %jit3A_414, %sign3A_426 : i32
      %sign3A_428 = arith.extui %sign3A_427 : i1 to i32
      %sign3A_429 = arith.subi %sign3A_425, %sign3A_428 : i32
      %ne3A_430 = arith.cmpi ne, %sign3A_422, %sign3A_429 : i32
      %rem3A_431 = arith.remsi %add3A_413, %jit3A_414 : i32
      %ne3A_432 = arith.constant 0 : i32
      %ne3A_433 = arith.cmpi ne, %rem3A_431, %ne3A_432 : i32
      %and3A_434 = arith.andi %ne3A_430, %ne3A_433 : i1
      %sub3A_435 = arith.constant 1 : i32
      %sub3A_436 = arith.subi %div3A_415, %sub3A_435 : i32
      %select_n3A_437 = arith.select %and3A_434, %sub3A_436, %div3A_415 : i32
      %swap3A_438 = arith.constant 0 : index
      %swap3A_439 = tpu.vector_load %arg14[%swap3A_438] {strides = array<i32>} : memref<256xi32, #tpu.memory_space<vmem>>, vector<16xi32>,
      tpu.vector_store %arg14[%swap3A_438], %broadcast_in_dim3A_328 {strides = array<i32>} : memref<256xi32, #tpu.memory_space<vmem>>, vector<16xi32>,
      %swap3A_440 = arith.constant 16 : index
      %swap3A_441 = tpu.vector_load %arg14[%swap3A_440] {strides = array<i32>} : memref<256xi32, #tpu.memory_space<vmem>>, vector<16xi32>,
      tpu.vector_store %arg14[%swap3A_440], %broadcast_in_dim3A_328 {strides = array<i32>} : memref<256xi32, #tpu.memory_space<vmem>>, vector<16xi32>,
      %swap3A_442 = arith.constant 32 : index
      %swap3A_443 = tpu.vector_load %arg14[%swap3A_442] {strides = array<i32>} : memref<256xi32, #tpu.memory_space<vmem>>, vector<16xi32>,
      tpu.vector_store %arg14[%swap3A_442], %broadcast_in_dim3A_328 {strides = array<i32>} : memref<256xi32, #tpu.memory_space<vmem>>, vector<16xi32>,
      %swap3A_444 = arith.constant 48 : index
      %swap3A_445 = tpu.vector_load %arg14[%swap3A_444] {strides = array<i32>} : memref<256xi32, #tpu.memory_space<vmem>>, vector<16xi32>,
      tpu.vector_store %arg14[%swap3A_444], %broadcast_in_dim3A_328 {strides = array<i32>} : memref<256xi32, #tpu.memory_space<vmem>>, vector<16xi32>,
      %swap3A_446 = arith.constant 64 : index
      %swap3A_447 = tpu.vector_load %arg14[%swap3A_446] {strides = array<i32>} : memref<256xi32, #tpu.memory_space<vmem>>, vector<16xi32>,
      tpu.vector_store %arg14[%swap3A_446], %broadcast_in_dim3A_328 {strides = array<i32>} : memref<256xi32, #tpu.memory_space<vmem>>, vector<16xi32>,
      %swap3A_448 = arith.constant 80 : index
      %swap3A_449 = tpu.vector_load %arg14[%swap3A_448] {strides = array<i32>} : memref<256xi32, #tpu.memory_space<vmem>>, vector<16xi32>,
      tpu.vector_store %arg14[%swap3A_448], %broadcast_in_dim3A_328 {strides = array<i32>} : memref<256xi32, #tpu.memory_space<vmem>>, vector<16xi32>,
      %swap3A_450 = arith.constant 96 : index
      %swap3A_451 = tpu.vector_load %arg14[%swap3A_450] {strides = array<i32>} : memref<256xi32, #tpu.memory_space<vmem>>, vector<16xi32>,
      tpu.vector_store %arg14[%swap3A_450], %broadcast_in_dim3A_328 {strides = array<i32>} : memref<256xi32, #tpu.memory_space<vmem>>, vector<16xi32>,
      %swap3A_452 = arith.constant 112 : index
      %swap3A_453 = tpu.vector_load %arg14[%swap3A_452] {strides = array<i32>} : memref<256xi32, #tpu.memory_space<vmem>>, vector<16xi32>,
      tpu.vector_store %arg14[%swap3A_452], %broadcast_in_dim3A_328 {strides = array<i32>} : memref<256xi32, #tpu.memory_space<vmem>>, vector<16xi32>,
      %swap3A_454 = arith.constant 128 : index
      %swap3A_455 = tpu.vector_load %arg14[%swap3A_454] {strides = array<i32>} : memref<256xi32, #tpu.memory_space<vmem>>, vector<16xi32>,
      tpu.vector_store %arg14[%swap3A_454], %broadcast_in_dim3A_328 {strides = array<i32>} : memref<256xi32, #tpu.memory_space<vmem>>, vector<16xi32>,
      %swap3A_456 = arith.constant 144 : index
      %swap3A_457 = tpu.vector_load %arg14[%swap3A_456] {strides = array<i32>} : memref<256xi32, #tpu.memory_space<vmem>>, vector<16xi32>,
      tpu.vector_store %arg14[%swap3A_456], %broadcast_in_dim3A_328 {strides = array<i32>} : memref<256xi32, #tpu.memory_space<vmem>>, vector<16xi32>,
      %swap3A_458 = arith.constant 160 : index
      %swap3A_459 = tpu.vector_load %arg14[%swap3A_458] {strides = array<i32>} : memref<256xi32, #tpu.memory_space<vmem>>, vector<16xi32>,
      tpu.vector_store %arg14[%swap3A_458], %broadcast_in_dim3A_328 {strides = array<i32>} : memref<256xi32, #tpu.memory_space<vmem>>, vector<16xi32>,
      %swap3A_460 = arith.constant 176 : index
      %swap3A_461 = tpu.vector_load %arg14[%swap3A_460] {strides = array<i32>} : memref<256xi32, #tpu.memory_space<vmem>>, vector<16xi32>,
      tpu.vector_store %arg14[%swap3A_460], %broadcast_in_dim3A_328 {strides = array<i32>} : memref<256xi32, #tpu.memory_space<vmem>>, vector<16xi32>,
      %swap3A_462 = arith.constant 192 : index
      %swap3A_463 = tpu.vector_load %arg14[%swap3A_462] {strides = array<i32>} : memref<256xi32, #tpu.memory_space<vmem>>, vector<16xi32>,
      tpu.vector_store %arg14[%swap3A_462], %broadcast_in_dim3A_328 {strides = array<i32>} : memref<256xi32, #tpu.memory_space<vmem>>, vector<16xi32>,
      %swap3A_464 = arith.constant 208 : index
      %swap3A_465 = tpu.vector_load %arg14[%swap3A_464] {strides = array<i32>} : memref<256xi32, #tpu.memory_space<vmem>>, vector<16xi32>,
      tpu.vector_store %arg14[%swap3A_464], %broadcast_in_dim3A_328 {strides = array<i32>} : memref<256xi32, #tpu.memory_space<vmem>>, vector<16xi32>,
      %swap3A_466 = arith.constant 224 : index
      %swap3A_467 = tpu.vector_load %arg14[%swap3A_466] {strides = array<i32>} : memref<256xi32, #tpu.memory_space<vmem>>, vector<16xi32>,
      tpu.vector_store %arg14[%swap3A_466], %broadcast_in_dim3A_328 {strides = array<i32>} : memref<256xi32, #tpu.memory_space<vmem>>, vector<16xi32>,
      %swap3A_468 = arith.constant 240 : index
      %swap3A_469 = tpu.vector_load %arg14[%swap3A_468] {strides = array<i32>} : memref<256xi32, #tpu.memory_space<vmem>>, vector<16xi32>,
      tpu.vector_store %arg14[%swap3A_468], %broadcast_in_dim3A_328 {strides = array<i32>} : memref<256xi32, #tpu.memory_space<vmem>>, vector<16xi32>,
      %while3A = arith.constant 0 : i32
      %while3A_470 = arith.constant 0 : i32
      %while3A_471 = arith.subi %select_n3A_437, %while3A_470 : i32
      %while3A_472 = arith.addi %while3A_470, %while3A_471 : i32
      %while3A_473 = arith.constant 1 : i32
      %while3A_474 = arith.divsi %while3A_471, %while3A_473 : i32
      %while3A_475 = arith.muli %while3A_474, %while3A_473 : i32
      %while3A_476 = arith.addi %while3A_470, %while3A_475 : i32
      %while3A_477 = arith.constant 1 : i32
      scf.for %while3A_656 = %while3A_470 to %while3A_476 step %while3A_477  : i32 {
        %mul3A_657 = arith.constant 16 : i32
        %mul3A_658 = arith.muli %while3A_656, %mul3A_657 : i32
        %get3A_659 = arith.index_cast %mul3A_658 : i32 to index
        %get3A_660 = tpu.vector_load %arg13[%get3A_659] {strides = array<i32>} : memref<8208xi32, #tpu.memory_space<vmem>>, vector<16xi32>,
        %shift_right_arithmetic3A_661 = arith.constant 24 : i32
        %shift_right_arithmetic3A_662 = vector.broadcast %shift_right_arithmetic3A_661 : i32 to vector<16xi32>
        %shift_right_arithmetic3A_663 = arith.shrsi %get3A_660, %shift_right_arithmetic3A_662 : vector<16xi32>
        %shift_right_arithmetic3A_664 = arith.constant 24 : i32
        %shift_right_arithmetic3A_665 = arith.shrsi %shift_left3A_393, %shift_right_arithmetic3A_664 : i32
        %eq3A_666 = vector.broadcast %shift_right_arithmetic3A_665 : i32 to vector<16xi32>
        %eq3A_667 = arith.cmpi eq, %shift_right_arithmetic3A_663, %eq3A_666 : vector<16xi32>
        %shift_right_arithmetic3A_668 = arith.constant 16 : i32
        %shift_right_arithmetic3A_669 = vector.broadcast %shift_right_arithmetic3A_668 : i32 to vector<16xi32>
        %shift_right_arithmetic3A_670 = arith.shrsi %get3A_660, %shift_right_arithmetic3A_669 : vector<16xi32>
        %and3A_671 = arith.constant 255 : i32
        %and3A_672 = vector.broadcast %and3A_671 : i32 to vector<16xi32>
        %and3A_673 = arith.andi %shift_right_arithmetic3A_670, %and3A_672 : vector<16xi32>
        tpu.vector_store_idx %arg14[%and3A_673], %broadcast_in_dim3A_326 masked %eq3A_667 {add = true} : memref<256xi32, #tpu.memory_space<vmem>>[vector<16xi32>], vector<16xi32>, vector<16xi1>
      }
      %while3A_478 = arith.constant 1 : i32
      scf.for %while3A_656 = %while3A_476 to %while3A_472 step %while3A_478  : i32 {
        %mul3A_657 = arith.constant 16 : i32
        %mul3A_658 = arith.muli %while3A_656, %mul3A_657 : i32
        %get3A_659 = arith.index_cast %mul3A_658 : i32 to index
        %get3A_660 = tpu.vector_load %arg13[%get3A_659] {strides = array<i32>} : memref<8208xi32, #tpu.memory_space<vmem>>, vector<16xi32>,
        %shift_right_arithmetic3A_661 = arith.constant 24 : i32
        %shift_right_arithmetic3A_662 = vector.broadcast %shift_right_arithmetic3A_661 : i32 to vector<16xi32>
        %shift_right_arithmetic3A_663 = arith.shrsi %get3A_660, %shift_right_arithmetic3A_662 : vector<16xi32>
        %shift_right_arithmetic3A_664 = arith.constant 24 : i32
        %shift_right_arithmetic3A_665 = arith.shrsi %shift_left3A_393, %shift_right_arithmetic3A_664 : i32
        %eq3A_666 = vector.broadcast %shift_right_arithmetic3A_665 : i32 to vector<16xi32>
        %eq3A_667 = arith.cmpi eq, %shift_right_arithmetic3A_663, %eq3A_666 : vector<16xi32>
        %shift_right_arithmetic3A_668 = arith.constant 16 : i32
        %shift_right_arithmetic3A_669 = vector.broadcast %shift_right_arithmetic3A_668 : i32 to vector<16xi32>
        %shift_right_arithmetic3A_670 = arith.shrsi %get3A_660, %shift_right_arithmetic3A_669 : vector<16xi32>
        %and3A_671 = arith.constant 255 : i32
        %and3A_672 = vector.broadcast %and3A_671 : i32 to vector<16xi32>
        %and3A_673 = arith.andi %shift_right_arithmetic3A_670, %and3A_672 : vector<16xi32>
        tpu.vector_store_idx %arg14[%and3A_673], %broadcast_in_dim3A_326 masked %eq3A_667 {add = true} : memref<256xi32, #tpu.memory_space<vmem>>[vector<16xi32>], vector<16xi32>, vector<16xi1>
      }
      %scan3A_479 = arith.constant 0 : i32
      %scan3A_480 = arith.constant 0 : i32
      %scan3A_481 = arith.constant 16 : i32
      %scan3A_482 = arith.addi %scan3A_480, %scan3A_481 : i32
      %scan3A_483 = arith.constant 1 : i32
      %scan3A_484 = scf.for %scan3A_656 = %scan3A_480 to %scan3A_482 step %scan3A_483 iter_args(%scan3A_657 = %scan3A_479) -> (i32)  : i32 {
        %mul3A_658 = arith.constant 16 : i32
        %mul3A_659 = arith.muli %scan3A_656, %mul3A_658 : i32
        %get3A_660 = arith.index_cast %mul3A_659 : i32 to index
        %get3A_661 = tpu.vector_load %arg14[%get3A_660] {strides = array<i32>} : memref<256xi32, #tpu.memory_space<vmem>>, vector<16xi32>,
        %broadcast_in_dim3A_662 = arith.constant true
        %broadcast_in_dim3A_663 = vector.broadcast %broadcast_in_dim3A_662 : i1 to vector<16xi1>
        %masked_cumsum3A = tpu.scan <sum>, %get3A_661 masked %broadcast_in_dim3A_663 : vector<16xi32>, vector<16xi1> -> vector<16xi32>
        %add3A_664 = vector.broadcast %scan3A_657 : i32 to vector<16xi32>
        %add3A_665 = arith.addi %masked_cumsum3A, %add3A_664 : vector<16xi32>
        %swap3A_666 = arith.index_cast %mul3A_659 : i32 to index
        %swap3A_667 = tpu.vector_load %arg15[%swap3A_666] {strides = array<i32>} : memref<256xi32, #tpu.memory_space<vmem>>, vector<16xi32>,
        tpu.vector_store %arg15[%swap3A_666], %add3A_665 {strides = array<i32>} : memref<256xi32, #tpu.memory_space<vmem>>, vector<16xi32>,
        %reduce_max3A_668 = arith.constant true
        %reduce_max3A_669 = vector.broadcast %reduce_max3A_668 : i1 to vector<16xi1>
        %reduce_max3A_670 = arith.constant -2147483648 : i32
        %reduce_max3A_671 = vector.broadcast %reduce_max3A_670 : i32 to vector<16xi32>
        %reduce_max3A_672 = arith.xori %add3A_665, %reduce_max3A_671 : vector<16xi32>
        %reduce_max3A_673 = tpu.scan <max>, %reduce_max3A_672 masked %reduce_max3A_669 : vector<16xi32>, vector<16xi1> -> vector<16xi32>
        %reduce_max3A_674 = arith.xori %reduce_max3A_673, %reduce_max3A_671 : vector<16xi32>
        %reduce_max3A_675 = vector.extract %reduce_max3A_674[15] : i32 from vector<16xi32>
        scf.yield %reduce_max3A_675 : i32
      }
      %scan3A_485 = arith.constant 16 : i32
      %scan3A_486 = arith.constant 0 : i32
      %scan3A_487 = arith.constant 0 : i32
      %scan3A_488 = arith.constant 16 : i32
      %scan3A_489 = arith.addi %scan3A_487, %scan3A_488 : i32
      %scan3A_490 = arith.constant 1 : i32
      %scan3A_491 = scf.for %scan3A_656 = %scan3A_487 to %scan3A_489 step %scan3A_490 iter_args(%scan3A_657 = %scan3A_486) -> (i32)  : i32 {
        %mul3A_658 = arith.constant 16 : i32
        %mul3A_659 = arith.muli %scan3A_656, %mul3A_658 : i32
        %get3A_660 = arith.index_cast %mul3A_659 : i32 to index
        %get3A_661 = tpu.vector_load %arg15[%get3A_660] {strides = array<i32>} : memref<256xi32, #tpu.memory_space<vmem>>, vector<16xi32>,
        %sub3A_662 = vector.broadcast %scan3A_484 : i32 to vector<16xi32>
        %sub3A_663 = arith.subi %sub3A_662, %get3A_661 : vector<16xi32>
        %ge3A = vector.broadcast %sub3A_391 : i32 to vector<16xi32>
        %ge3A_664 = arith.cmpi sge, %sub3A_663, %ge3A : vector<16xi32>
        %all_reduce_population_count3A = tpu.all_reduce %ge3A_664 {dim = 0 : i64, kind = #tpu.reduction_kind<sum>} : vector<16xi1> -> vector<16xi32>
        %reduce_max3A_665 = arith.constant true
        %reduce_max3A_666 = vector.broadcast %reduce_max3A_665 : i1 to vector<16xi1>
        %reduce_max3A_667 = arith.constant -2147483648 : i32
        %reduce_max3A_668 = vector.broadcast %reduce_max3A_667 : i32 to vector<16xi32>
        %reduce_max3A_669 = arith.xori %all_reduce_population_count3A, %reduce_max3A_668 : vector<16xi32>
        %reduce_max3A_670 = tpu.scan <max>, %reduce_max3A_669 masked %reduce_max3A_666 : vector<16xi32>, vector<16xi1> -> vector<16xi32>
        %reduce_max3A_671 = arith.xori %reduce_max3A_670, %reduce_max3A_668 : vector<16xi32>
        %reduce_max3A_672 = vector.extract %reduce_max3A_671[15] : i32 from vector<16xi32>
        %add3A_673 = arith.addi %scan3A_657, %reduce_max3A_672 : i32
        scf.yield %add3A_673 : i32
      }
      %scan3A_492 = arith.constant 16 : i32
      %broadcast_in_dim3A_493 = vector.broadcast %scan3A_491 : i32 to vector<16xi32>
      %gather3A_494 = tpu.vector_load_idx %arg15[%broadcast_in_dim3A_493] : memref<256xi32, #tpu.memory_space<vmem>>[vector<16xi32>], vector<16xi32>,
      %reduce_max3A_495 = arith.constant true
      %reduce_max3A_496 = vector.broadcast %reduce_max3A_495 : i1 to vector<16xi1>
      %reduce_max3A_497 = arith.constant -2147483648 : i32
      %reduce_max3A_498 = vector.broadcast %reduce_max3A_497 : i32 to vector<16xi32>
      %reduce_max3A_499 = arith.xori %gather3A_494, %reduce_max3A_498 : vector<16xi32>
      %reduce_max3A_500 = tpu.scan <max>, %reduce_max3A_499 masked %reduce_max3A_496 : vector<16xi32>, vector<16xi1> -> vector<16xi32>
      %reduce_max3A_501 = arith.xori %reduce_max3A_500, %reduce_max3A_498 : vector<16xi32>
      %reduce_max3A_502 = vector.extract %reduce_max3A_501[15] : i32 from vector<16xi32>
      %sub3A_503 = arith.subi %scan3A_484, %reduce_max3A_502 : i32
      %sub3A_504 = arith.subi %sub3A_391, %sub3A_503 : i32
      %shift_left3A_505 = arith.constant 16 : i32
      %shift_left3A_506 = arith.shli %scan3A_491, %shift_left3A_505 : i32
      %or3A = arith.ori %shift_left3A_393, %shift_left3A_506 : i32
      %swap3A_507 = arith.constant 0 : index
      %swap3A_508 = tpu.vector_load %arg14[%swap3A_507] {strides = array<i32>} : memref<256xi32, #tpu.memory_space<vmem>>, vector<16xi32>,
      tpu.vector_store %arg14[%swap3A_507], %broadcast_in_dim3A_328 {strides = array<i32>} : memref<256xi32, #tpu.memory_space<vmem>>, vector<16xi32>,
      %swap3A_509 = arith.constant 16 : index
      %swap3A_510 = tpu.vector_load %arg14[%swap3A_509] {strides = array<i32>} : memref<256xi32, #tpu.memory_space<vmem>>, vector<16xi32>,
      tpu.vector_store %arg14[%swap3A_509], %broadcast_in_dim3A_328 {strides = array<i32>} : memref<256xi32, #tpu.memory_space<vmem>>, vector<16xi32>,
      %swap3A_511 = arith.constant 32 : index
      %swap3A_512 = tpu.vector_load %arg14[%swap3A_511] {strides = array<i32>} : memref<256xi32, #tpu.memory_space<vmem>>, vector<16xi32>,
      tpu.vector_store %arg14[%swap3A_511], %broadcast_in_dim3A_328 {strides = array<i32>} : memref<256xi32, #tpu.memory_space<vmem>>, vector<16xi32>,
      %swap3A_513 = arith.constant 48 : index
      %swap3A_514 = tpu.vector_load %arg14[%swap3A_513] {strides = array<i32>} : memref<256xi32, #tpu.memory_space<vmem>>, vector<16xi32>,
      tpu.vector_store %arg14[%swap3A_513], %broadcast_in_dim3A_328 {strides = array<i32>} : memref<256xi32, #tpu.memory_space<vmem>>, vector<16xi32>,
      %swap3A_515 = arith.constant 64 : index
      %swap3A_516 = tpu.vector_load %arg14[%swap3A_515] {strides = array<i32>} : memref<256xi32, #tpu.memory_space<vmem>>, vector<16xi32>,
      tpu.vector_store %arg14[%swap3A_515], %broadcast_in_dim3A_328 {strides = array<i32>} : memref<256xi32, #tpu.memory_space<vmem>>, vector<16xi32>,
      %swap3A_517 = arith.constant 80 : index
      %swap3A_518 = tpu.vector_load %arg14[%swap3A_517] {strides = array<i32>} : memref<256xi32, #tpu.memory_space<vmem>>, vector<16xi32>,
      tpu.vector_store %arg14[%swap3A_517], %broadcast_in_dim3A_328 {strides = array<i32>} : memref<256xi32, #tpu.memory_space<vmem>>, vector<16xi32>,
      %swap3A_519 = arith.constant 96 : index
      %swap3A_520 = tpu.vector_load %arg14[%swap3A_519] {strides = array<i32>} : memref<256xi32, #tpu.memory_space<vmem>>, vector<16xi32>,
      tpu.vector_store %arg14[%swap3A_519], %broadcast_in_dim3A_328 {strides = array<i32>} : memref<256xi32, #tpu.memory_space<vmem>>, vector<16xi32>,
      %swap3A_521 = arith.constant 112 : index
      %swap3A_522 = tpu.vector_load %arg14[%swap3A_521] {strides = array<i32>} : memref<256xi32, #tpu.memory_space<vmem>>, vector<16xi32>,
      tpu.vector_store %arg14[%swap3A_521], %broadcast_in_dim3A_328 {strides = array<i32>} : memref<256xi32, #tpu.memory_space<vmem>>, vector<16xi32>,
      %swap3A_523 = arith.constant 128 : index
      %swap3A_524 = tpu.vector_load %arg14[%swap3A_523] {strides = array<i32>} : memref<256xi32, #tpu.memory_space<vmem>>, vector<16xi32>,
      tpu.vector_store %arg14[%swap3A_523], %broadcast_in_dim3A_328 {strides = array<i32>} : memref<256xi32, #tpu.memory_space<vmem>>, vector<16xi32>,
      %swap3A_525 = arith.constant 144 : index
      %swap3A_526 = tpu.vector_load %arg14[%swap3A_525] {strides = array<i32>} : memref<256xi32, #tpu.memory_space<vmem>>, vector<16xi32>,
      tpu.vector_store %arg14[%swap3A_525], %broadcast_in_dim3A_328 {strides = array<i32>} : memref<256xi32, #tpu.memory_space<vmem>>, vector<16xi32>,
      %swap3A_527 = arith.constant 160 : index
      %swap3A_528 = tpu.vector_load %arg14[%swap3A_527] {strides = array<i32>} : memref<256xi32, #tpu.memory_space<vmem>>, vector<16xi32>,
      tpu.vector_store %arg14[%swap3A_527], %broadcast_in_dim3A_328 {strides = array<i32>} : memref<256xi32, #tpu.memory_space<vmem>>, vector<16xi32>,
      %swap3A_529 = arith.constant 176 : index
      %swap3A_530 = tpu.vector_load %arg14[%swap3A_529] {strides = array<i32>} : memref<256xi32, #tpu.memory_space<vmem>>, vector<16xi32>,
      tpu.vector_store %arg14[%swap3A_529], %broadcast_in_dim3A_328 {strides = array<i32>} : memref<256xi32, #tpu.memory_space<vmem>>, vector<16xi32>,
      %swap3A_531 = arith.constant 192 : index
      %swap3A_532 = tpu.vector_load %arg14[%swap3A_531] {strides = array<i32>} : memref<256xi32, #tpu.memory_space<vmem>>, vector<16xi32>,
      tpu.vector_store %arg14[%swap3A_531], %broadcast_in_dim3A_328 {strides = array<i32>} : memref<256xi32, #tpu.memory_space<vmem>>, vector<16xi32>,
      %swap3A_533 = arith.constant 208 : index
      %swap3A_534 = tpu.vector_load %arg14[%swap3A_533] {strides = array<i32>} : memref<256xi32, #tpu.memory_space<vmem>>, vector<16xi32>,
      tpu.vector_store %arg14[%swap3A_533], %broadcast_in_dim3A_328 {strides = array<i32>} : memref<256xi32, #tpu.memory_space<vmem>>, vector<16xi32>,
      %swap3A_535 = arith.constant 224 : index
      %swap3A_536 = tpu.vector_load %arg14[%swap3A_535] {strides = array<i32>} : memref<256xi32, #tpu.memory_space<vmem>>, vector<16xi32>,
      tpu.vector_store %arg14[%swap3A_535], %broadcast_in_dim3A_328 {strides = array<i32>} : memref<256xi32, #tpu.memory_space<vmem>>, vector<16xi32>,
      %swap3A_537 = arith.constant 240 : index
      %swap3A_538 = tpu.vector_load %arg14[%swap3A_537] {strides = array<i32>} : memref<256xi32, #tpu.memory_space<vmem>>, vector<16xi32>,
      tpu.vector_store %arg14[%swap3A_537], %broadcast_in_dim3A_328 {strides = array<i32>} : memref<256xi32, #tpu.memory_space<vmem>>, vector<16xi32>,
      %while3A_539 = arith.constant 0 : i32
      %while3A_540 = arith.constant 0 : i32
      %while3A_541 = arith.subi %select_n3A_437, %while3A_540 : i32
      %while3A_542 = arith.addi %while3A_540, %while3A_541 : i32
      %while3A_543 = arith.constant 1 : i32
      %while3A_544 = arith.divsi %while3A_541, %while3A_543 : i32
      %while3A_545 = arith.muli %while3A_544, %while3A_543 : i32
      %while3A_546 = arith.addi %while3A_540, %while3A_545 : i32
      %while3A_547 = arith.constant 1 : i32
      scf.for %while3A_656 = %while3A_540 to %while3A_546 step %while3A_547  : i32 {
        %mul3A_657 = arith.constant 16 : i32
        %mul3A_658 = arith.muli %while3A_656, %mul3A_657 : i32
        %get3A_659 = arith.index_cast %mul3A_658 : i32 to index
        %get3A_660 = tpu.vector_load %arg13[%get3A_659] {strides = array<i32>} : memref<8208xi32, #tpu.memory_space<vmem>>, vector<16xi32>,
        %shift_right_arithmetic3A_661 = arith.constant 16 : i32
        %shift_right_arithmetic3A_662 = vector.broadcast %shift_right_arithmetic3A_661 : i32 to vector<16xi32>
        %shift_right_arithmetic3A_663 = arith.shrsi %get3A_660, %shift_right_arithmetic3A_662 : vector<16xi32>
        %shift_right_arithmetic3A_664 = arith.constant 16 : i32
        %shift_right_arithmetic3A_665 = arith.shrsi %or3A, %shift_right_arithmetic3A_664 : i32
        %eq3A_666 = vector.broadcast %shift_right_arithmetic3A_665 : i32 to vector<16xi32>
        %eq3A_667 = arith.cmpi eq, %shift_right_arithmetic3A_663, %eq3A_666 : vector<16xi32>
        %shift_right_arithmetic3A_668 = arith.constant 8 : i32
        %shift_right_arithmetic3A_669 = vector.broadcast %shift_right_arithmetic3A_668 : i32 to vector<16xi32>
        %shift_right_arithmetic3A_670 = arith.shrsi %get3A_660, %shift_right_arithmetic3A_669 : vector<16xi32>
        %and3A_671 = arith.constant 255 : i32
        %and3A_672 = vector.broadcast %and3A_671 : i32 to vector<16xi32>
        %and3A_673 = arith.andi %shift_right_arithmetic3A_670, %and3A_672 : vector<16xi32>
        tpu.vector_store_idx %arg14[%and3A_673], %broadcast_in_dim3A_326 masked %eq3A_667 {add = true} : memref<256xi32, #tpu.memory_space<vmem>>[vector<16xi32>], vector<16xi32>, vector<16xi1>
      }
      %while3A_548 = arith.constant 1 : i32
      scf.for %while3A_656 = %while3A_546 to %while3A_542 step %while3A_548  : i32 {
        %mul3A_657 = arith.constant 16 : i32
        %mul3A_658 = arith.muli %while3A_656, %mul3A_657 : i32
        %get3A_659 = arith.index_cast %mul3A_658 : i32 to index
        %get3A_660 = tpu.vector_load %arg13[%get3A_659] {strides = array<i32>} : memref<8208xi32, #tpu.memory_space<vmem>>, vector<16xi32>,
        %shift_right_arithmetic3A_661 = arith.constant 16 : i32
        %shift_right_arithmetic3A_662 = vector.broadcast %shift_right_arithmetic3A_661 : i32 to vector<16xi32>
        %shift_right_arithmetic3A_663 = arith.shrsi %get3A_660, %shift_right_arithmetic3A_662 : vector<16xi32>
        %shift_right_arithmetic3A_664 = arith.constant 16 : i32
        %shift_right_arithmetic3A_665 = arith.shrsi %or3A, %shift_right_arithmetic3A_664 : i32
        %eq3A_666 = vector.broadcast %shift_right_arithmetic3A_665 : i32 to vector<16xi32>
        %eq3A_667 = arith.cmpi eq, %shift_right_arithmetic3A_663, %eq3A_666 : vector<16xi32>
        %shift_right_arithmetic3A_668 = arith.constant 8 : i32
        %shift_right_arithmetic3A_669 = vector.broadcast %shift_right_arithmetic3A_668 : i32 to vector<16xi32>
        %shift_right_arithmetic3A_670 = arith.shrsi %get3A_660, %shift_right_arithmetic3A_669 : vector<16xi32>
        %and3A_671 = arith.constant 255 : i32
        %and3A_672 = vector.broadcast %and3A_671 : i32 to vector<16xi32>
        %and3A_673 = arith.andi %shift_right_arithmetic3A_670, %and3A_672 : vector<16xi32>
        tpu.vector_store_idx %arg14[%and3A_673], %broadcast_in_dim3A_326 masked %eq3A_667 {add = true} : memref<256xi32, #tpu.memory_space<vmem>>[vector<16xi32>], vector<16xi32>, vector<16xi1>
      }
      %scan3A_549 = arith.constant 0 : i32
      %scan3A_550 = arith.constant 0 : i32
      %scan3A_551 = arith.constant 16 : i32
      %scan3A_552 = arith.addi %scan3A_550, %scan3A_551 : i32
      %scan3A_553 = arith.constant 1 : i32
      %scan3A_554 = scf.for %scan3A_656 = %scan3A_550 to %scan3A_552 step %scan3A_553 iter_args(%scan3A_657 = %scan3A_549) -> (i32)  : i32 {
        %mul3A_658 = arith.constant 16 : i32
        %mul3A_659 = arith.muli %scan3A_656, %mul3A_658 : i32
        %get3A_660 = arith.index_cast %mul3A_659 : i32 to index
        %get3A_661 = tpu.vector_load %arg14[%get3A_660] {strides = array<i32>} : memref<256xi32, #tpu.memory_space<vmem>>, vector<16xi32>,
        %broadcast_in_dim3A_662 = arith.constant true
        %broadcast_in_dim3A_663 = vector.broadcast %broadcast_in_dim3A_662 : i1 to vector<16xi1>
        %masked_cumsum3A = tpu.scan <sum>, %get3A_661 masked %broadcast_in_dim3A_663 : vector<16xi32>, vector<16xi1> -> vector<16xi32>
        %add3A_664 = vector.broadcast %scan3A_657 : i32 to vector<16xi32>
        %add3A_665 = arith.addi %masked_cumsum3A, %add3A_664 : vector<16xi32>
        %swap3A_666 = arith.index_cast %mul3A_659 : i32 to index
        %swap3A_667 = tpu.vector_load %arg15[%swap3A_666] {strides = array<i32>} : memref<256xi32, #tpu.memory_space<vmem>>, vector<16xi32>,
        tpu.vector_store %arg15[%swap3A_666], %add3A_665 {strides = array<i32>} : memref<256xi32, #tpu.memory_space<vmem>>, vector<16xi32>,
        %reduce_max3A_668 = arith.constant true
        %reduce_max3A_669 = vector.broadcast %reduce_max3A_668 : i1 to vector<16xi1>
        %reduce_max3A_670 = arith.constant -2147483648 : i32
        %reduce_max3A_671 = vector.broadcast %reduce_max3A_670 : i32 to vector<16xi32>
        %reduce_max3A_672 = arith.xori %add3A_665, %reduce_max3A_671 : vector<16xi32>
        %reduce_max3A_673 = tpu.scan <max>, %reduce_max3A_672 masked %reduce_max3A_669 : vector<16xi32>, vector<16xi1> -> vector<16xi32>
        %reduce_max3A_674 = arith.xori %reduce_max3A_673, %reduce_max3A_671 : vector<16xi32>
        %reduce_max3A_675 = vector.extract %reduce_max3A_674[15] : i32 from vector<16xi32>
        scf.yield %reduce_max3A_675 : i32
      }
      %scan3A_555 = arith.constant 16 : i32
      %scan3A_556 = arith.constant 0 : i32
      %scan3A_557 = arith.constant 0 : i32
      %scan3A_558 = arith.constant 16 : i32
      %scan3A_559 = arith.addi %scan3A_557, %scan3A_558 : i32
      %scan3A_560 = arith.constant 1 : i32
      %scan3A_561 = scf.for %scan3A_656 = %scan3A_557 to %scan3A_559 step %scan3A_560 iter_args(%scan3A_657 = %scan3A_556) -> (i32)  : i32 {
        %mul3A_658 = arith.constant 16 : i32
        %mul3A_659 = arith.muli %scan3A_656, %mul3A_658 : i32
        %get3A_660 = arith.index_cast %mul3A_659 : i32 to index
        %get3A_661 = tpu.vector_load %arg15[%get3A_660] {strides = array<i32>} : memref<256xi32, #tpu.memory_space<vmem>>, vector<16xi32>,
        %sub3A_662 = vector.broadcast %scan3A_554 : i32 to vector<16xi32>
        %sub3A_663 = arith.subi %sub3A_662, %get3A_661 : vector<16xi32>
        %ge3A = vector.broadcast %sub3A_504 : i32 to vector<16xi32>
        %ge3A_664 = arith.cmpi sge, %sub3A_663, %ge3A : vector<16xi32>
        %all_reduce_population_count3A = tpu.all_reduce %ge3A_664 {dim = 0 : i64, kind = #tpu.reduction_kind<sum>} : vector<16xi1> -> vector<16xi32>
        %reduce_max3A_665 = arith.constant true
        %reduce_max3A_666 = vector.broadcast %reduce_max3A_665 : i1 to vector<16xi1>
        %reduce_max3A_667 = arith.constant -2147483648 : i32
        %reduce_max3A_668 = vector.broadcast %reduce_max3A_667 : i32 to vector<16xi32>
        %reduce_max3A_669 = arith.xori %all_reduce_population_count3A, %reduce_max3A_668 : vector<16xi32>
        %reduce_max3A_670 = tpu.scan <max>, %reduce_max3A_669 masked %reduce_max3A_666 : vector<16xi32>, vector<16xi1> -> vector<16xi32>
        %reduce_max3A_671 = arith.xori %reduce_max3A_670, %reduce_max3A_668 : vector<16xi32>
        %reduce_max3A_672 = vector.extract %reduce_max3A_671[15] : i32 from vector<16xi32>
        %add3A_673 = arith.addi %scan3A_657, %reduce_max3A_672 : i32
        scf.yield %add3A_673 : i32
      }
      %scan3A_562 = arith.constant 16 : i32
      %broadcast_in_dim3A_563 = vector.broadcast %scan3A_561 : i32 to vector<16xi32>
      %gather3A_564 = tpu.vector_load_idx %arg15[%broadcast_in_dim3A_563] : memref<256xi32, #tpu.memory_space<vmem>>[vector<16xi32>], vector<16xi32>,
      %reduce_max3A_565 = arith.constant true
      %reduce_max3A_566 = vector.broadcast %reduce_max3A_565 : i1 to vector<16xi1>
      %reduce_max3A_567 = arith.constant -2147483648 : i32
      %reduce_max3A_568 = vector.broadcast %reduce_max3A_567 : i32 to vector<16xi32>
      %reduce_max3A_569 = arith.xori %gather3A_564, %reduce_max3A_568 : vector<16xi32>
      %reduce_max3A_570 = tpu.scan <max>, %reduce_max3A_569 masked %reduce_max3A_566 : vector<16xi32>, vector<16xi1> -> vector<16xi32>
      %reduce_max3A_571 = arith.xori %reduce_max3A_570, %reduce_max3A_568 : vector<16xi32>
      %reduce_max3A_572 = vector.extract %reduce_max3A_571[15] : i32 from vector<16xi32>
      %sub3A_573 = arith.subi %scan3A_554, %reduce_max3A_572 : i32
      %sub3A_574 = arith.subi %sub3A_504, %sub3A_573 : i32
      %shift_left3A_575 = arith.constant 8 : i32
      %shift_left3A_576 = arith.shli %scan3A_561, %shift_left3A_575 : i32
      %or3A_577 = arith.ori %or3A, %shift_left3A_576 : i32
      %swap3A_578 = arith.constant 0 : index
      %swap3A_579 = tpu.vector_load %arg14[%swap3A_578] {strides = array<i32>} : memref<256xi32, #tpu.memory_space<vmem>>, vector<16xi32>,
      tpu.vector_store %arg14[%swap3A_578], %broadcast_in_dim3A_328 {strides = array<i32>} : memref<256xi32, #tpu.memory_space<vmem>>, vector<16xi32>,
      %swap3A_580 = arith.constant 16 : index
      %swap3A_581 = tpu.vector_load %arg14[%swap3A_580] {strides = array<i32>} : memref<256xi32, #tpu.memory_space<vmem>>, vector<16xi32>,
      tpu.vector_store %arg14[%swap3A_580], %broadcast_in_dim3A_328 {strides = array<i32>} : memref<256xi32, #tpu.memory_space<vmem>>, vector<16xi32>,
      %swap3A_582 = arith.constant 32 : index
      %swap3A_583 = tpu.vector_load %arg14[%swap3A_582] {strides = array<i32>} : memref<256xi32, #tpu.memory_space<vmem>>, vector<16xi32>,
      tpu.vector_store %arg14[%swap3A_582], %broadcast_in_dim3A_328 {strides = array<i32>} : memref<256xi32, #tpu.memory_space<vmem>>, vector<16xi32>,
      %swap3A_584 = arith.constant 48 : index
      %swap3A_585 = tpu.vector_load %arg14[%swap3A_584] {strides = array<i32>} : memref<256xi32, #tpu.memory_space<vmem>>, vector<16xi32>,
      tpu.vector_store %arg14[%swap3A_584], %broadcast_in_dim3A_328 {strides = array<i32>} : memref<256xi32, #tpu.memory_space<vmem>>, vector<16xi32>,
      %swap3A_586 = arith.constant 64 : index
      %swap3A_587 = tpu.vector_load %arg14[%swap3A_586] {strides = array<i32>} : memref<256xi32, #tpu.memory_space<vmem>>, vector<16xi32>,
      tpu.vector_store %arg14[%swap3A_586], %broadcast_in_dim3A_328 {strides = array<i32>} : memref<256xi32, #tpu.memory_space<vmem>>, vector<16xi32>,
      %swap3A_588 = arith.constant 80 : index
      %swap3A_589 = tpu.vector_load %arg14[%swap3A_588] {strides = array<i32>} : memref<256xi32, #tpu.memory_space<vmem>>, vector<16xi32>,
      tpu.vector_store %arg14[%swap3A_588], %broadcast_in_dim3A_328 {strides = array<i32>} : memref<256xi32, #tpu.memory_space<vmem>>, vector<16xi32>,
      %swap3A_590 = arith.constant 96 : index
      %swap3A_591 = tpu.vector_load %arg14[%swap3A_590] {strides = array<i32>} : memref<256xi32, #tpu.memory_space<vmem>>, vector<16xi32>,
      tpu.vector_store %arg14[%swap3A_590], %broadcast_in_dim3A_328 {strides = array<i32>} : memref<256xi32, #tpu.memory_space<vmem>>, vector<16xi32>,
      %swap3A_592 = arith.constant 112 : index
      %swap3A_593 = tpu.vector_load %arg14[%swap3A_592] {strides = array<i32>} : memref<256xi32, #tpu.memory_space<vmem>>, vector<16xi32>,
      tpu.vector_store %arg14[%swap3A_592], %broadcast_in_dim3A_328 {strides = array<i32>} : memref<256xi32, #tpu.memory_space<vmem>>, vector<16xi32>,
      %swap3A_594 = arith.constant 128 : index
      %swap3A_595 = tpu.vector_load %arg14[%swap3A_594] {strides = array<i32>} : memref<256xi32, #tpu.memory_space<vmem>>, vector<16xi32>,
      tpu.vector_store %arg14[%swap3A_594], %broadcast_in_dim3A_328 {strides = array<i32>} : memref<256xi32, #tpu.memory_space<vmem>>, vector<16xi32>,
      %swap3A_596 = arith.constant 144 : index
      %swap3A_597 = tpu.vector_load %arg14[%swap3A_596] {strides = array<i32>} : memref<256xi32, #tpu.memory_space<vmem>>, vector<16xi32>,
      tpu.vector_store %arg14[%swap3A_596], %broadcast_in_dim3A_328 {strides = array<i32>} : memref<256xi32, #tpu.memory_space<vmem>>, vector<16xi32>,
      %swap3A_598 = arith.constant 160 : index
      %swap3A_599 = tpu.vector_load %arg14[%swap3A_598] {strides = array<i32>} : memref<256xi32, #tpu.memory_space<vmem>>, vector<16xi32>,
      tpu.vector_store %arg14[%swap3A_598], %broadcast_in_dim3A_328 {strides = array<i32>} : memref<256xi32, #tpu.memory_space<vmem>>, vector<16xi32>,
      %swap3A_600 = arith.constant 176 : index
      %swap3A_601 = tpu.vector_load %arg14[%swap3A_600] {strides = array<i32>} : memref<256xi32, #tpu.memory_space<vmem>>, vector<16xi32>,
      tpu.vector_store %arg14[%swap3A_600], %broadcast_in_dim3A_328 {strides = array<i32>} : memref<256xi32, #tpu.memory_space<vmem>>, vector<16xi32>,
      %swap3A_602 = arith.constant 192 : index
      %swap3A_603 = tpu.vector_load %arg14[%swap3A_602] {strides = array<i32>} : memref<256xi32, #tpu.memory_space<vmem>>, vector<16xi32>,
      tpu.vector_store %arg14[%swap3A_602], %broadcast_in_dim3A_328 {strides = array<i32>} : memref<256xi32, #tpu.memory_space<vmem>>, vector<16xi32>,
      %swap3A_604 = arith.constant 208 : index
      %swap3A_605 = tpu.vector_load %arg14[%swap3A_604] {strides = array<i32>} : memref<256xi32, #tpu.memory_space<vmem>>, vector<16xi32>,
      tpu.vector_store %arg14[%swap3A_604], %broadcast_in_dim3A_328 {strides = array<i32>} : memref<256xi32, #tpu.memory_space<vmem>>, vector<16xi32>,
      %swap3A_606 = arith.constant 224 : index
      %swap3A_607 = tpu.vector_load %arg14[%swap3A_606] {strides = array<i32>} : memref<256xi32, #tpu.memory_space<vmem>>, vector<16xi32>,
      tpu.vector_store %arg14[%swap3A_606], %broadcast_in_dim3A_328 {strides = array<i32>} : memref<256xi32, #tpu.memory_space<vmem>>, vector<16xi32>,
      %swap3A_608 = arith.constant 240 : index
      %swap3A_609 = tpu.vector_load %arg14[%swap3A_608] {strides = array<i32>} : memref<256xi32, #tpu.memory_space<vmem>>, vector<16xi32>,
      tpu.vector_store %arg14[%swap3A_608], %broadcast_in_dim3A_328 {strides = array<i32>} : memref<256xi32, #tpu.memory_space<vmem>>, vector<16xi32>,
      %while3A_610 = arith.constant 0 : i32
      %while3A_611 = arith.constant 0 : i32
      %while3A_612 = arith.subi %select_n3A_437, %while3A_611 : i32
      %while3A_613 = arith.addi %while3A_611, %while3A_612 : i32
      %while3A_614 = arith.constant 1 : i32
      %while3A_615 = arith.divsi %while3A_612, %while3A_614 : i32
      %while3A_616 = arith.muli %while3A_615, %while3A_614 : i32
      %while3A_617 = arith.addi %while3A_611, %while3A_616 : i32
      %while3A_618 = arith.constant 1 : i32
      scf.for %while3A_656 = %while3A_611 to %while3A_617 step %while3A_618  : i32 {
        %mul3A_657 = arith.constant 16 : i32
        %mul3A_658 = arith.muli %while3A_656, %mul3A_657 : i32
        %get3A_659 = arith.index_cast %mul3A_658 : i32 to index
        %get3A_660 = tpu.vector_load %arg13[%get3A_659] {strides = array<i32>} : memref<8208xi32, #tpu.memory_space<vmem>>, vector<16xi32>,
        %shift_right_arithmetic3A_661 = arith.constant 8 : i32
        %shift_right_arithmetic3A_662 = vector.broadcast %shift_right_arithmetic3A_661 : i32 to vector<16xi32>
        %shift_right_arithmetic3A_663 = arith.shrsi %get3A_660, %shift_right_arithmetic3A_662 : vector<16xi32>
        %shift_right_arithmetic3A_664 = arith.constant 8 : i32
        %shift_right_arithmetic3A_665 = arith.shrsi %or3A_577, %shift_right_arithmetic3A_664 : i32
        %eq3A_666 = vector.broadcast %shift_right_arithmetic3A_665 : i32 to vector<16xi32>
        %eq3A_667 = arith.cmpi eq, %shift_right_arithmetic3A_663, %eq3A_666 : vector<16xi32>
        %shift_right_arithmetic3A_668 = arith.constant 0 : i32
        %shift_right_arithmetic3A_669 = vector.broadcast %shift_right_arithmetic3A_668 : i32 to vector<16xi32>
        %shift_right_arithmetic3A_670 = arith.shrsi %get3A_660, %shift_right_arithmetic3A_669 : vector<16xi32>
        %and3A_671 = arith.constant 255 : i32
        %and3A_672 = vector.broadcast %and3A_671 : i32 to vector<16xi32>
        %and3A_673 = arith.andi %shift_right_arithmetic3A_670, %and3A_672 : vector<16xi32>
        tpu.vector_store_idx %arg14[%and3A_673], %broadcast_in_dim3A_326 masked %eq3A_667 {add = true} : memref<256xi32, #tpu.memory_space<vmem>>[vector<16xi32>], vector<16xi32>, vector<16xi1>
      }
      %while3A_619 = arith.constant 1 : i32
      scf.for %while3A_656 = %while3A_617 to %while3A_613 step %while3A_619  : i32 {
        %mul3A_657 = arith.constant 16 : i32
        %mul3A_658 = arith.muli %while3A_656, %mul3A_657 : i32
        %get3A_659 = arith.index_cast %mul3A_658 : i32 to index
        %get3A_660 = tpu.vector_load %arg13[%get3A_659] {strides = array<i32>} : memref<8208xi32, #tpu.memory_space<vmem>>, vector<16xi32>,
        %shift_right_arithmetic3A_661 = arith.constant 8 : i32
        %shift_right_arithmetic3A_662 = vector.broadcast %shift_right_arithmetic3A_661 : i32 to vector<16xi32>
        %shift_right_arithmetic3A_663 = arith.shrsi %get3A_660, %shift_right_arithmetic3A_662 : vector<16xi32>
        %shift_right_arithmetic3A_664 = arith.constant 8 : i32
        %shift_right_arithmetic3A_665 = arith.shrsi %or3A_577, %shift_right_arithmetic3A_664 : i32
        %eq3A_666 = vector.broadcast %shift_right_arithmetic3A_665 : i32 to vector<16xi32>
        %eq3A_667 = arith.cmpi eq, %shift_right_arithmetic3A_663, %eq3A_666 : vector<16xi32>
        %shift_right_arithmetic3A_668 = arith.constant 0 : i32
        %shift_right_arithmetic3A_669 = vector.broadcast %shift_right_arithmetic3A_668 : i32 to vector<16xi32>
        %shift_right_arithmetic3A_670 = arith.shrsi %get3A_660, %shift_right_arithmetic3A_669 : vector<16xi32>
        %and3A_671 = arith.constant 255 : i32
        %and3A_672 = vector.broadcast %and3A_671 : i32 to vector<16xi32>
        %and3A_673 = arith.andi %shift_right_arithmetic3A_670, %and3A_672 : vector<16xi32>
        tpu.vector_store_idx %arg14[%and3A_673], %broadcast_in_dim3A_326 masked %eq3A_667 {add = true} : memref<256xi32, #tpu.memory_space<vmem>>[vector<16xi32>], vector<16xi32>, vector<16xi1>
      }
      %scan3A_620 = arith.constant 0 : i32
      %scan3A_621 = arith.constant 0 : i32
      %scan3A_622 = arith.constant 16 : i32
      %scan3A_623 = arith.addi %scan3A_621, %scan3A_622 : i32
      %scan3A_624 = arith.constant 1 : i32
      %scan3A_625 = scf.for %scan3A_656 = %scan3A_621 to %scan3A_623 step %scan3A_624 iter_args(%scan3A_657 = %scan3A_620) -> (i32)  : i32 {
        %mul3A_658 = arith.constant 16 : i32
        %mul3A_659 = arith.muli %scan3A_656, %mul3A_658 : i32
        %get3A_660 = arith.index_cast %mul3A_659 : i32 to index
        %get3A_661 = tpu.vector_load %arg14[%get3A_660] {strides = array<i32>} : memref<256xi32, #tpu.memory_space<vmem>>, vector<16xi32>,
        %broadcast_in_dim3A_662 = arith.constant true
        %broadcast_in_dim3A_663 = vector.broadcast %broadcast_in_dim3A_662 : i1 to vector<16xi1>
        %masked_cumsum3A = tpu.scan <sum>, %get3A_661 masked %broadcast_in_dim3A_663 : vector<16xi32>, vector<16xi1> -> vector<16xi32>
        %add3A_664 = vector.broadcast %scan3A_657 : i32 to vector<16xi32>
        %add3A_665 = arith.addi %masked_cumsum3A, %add3A_664 : vector<16xi32>
        %swap3A_666 = arith.index_cast %mul3A_659 : i32 to index
        %swap3A_667 = tpu.vector_load %arg15[%swap3A_666] {strides = array<i32>} : memref<256xi32, #tpu.memory_space<vmem>>, vector<16xi32>,
        tpu.vector_store %arg15[%swap3A_666], %add3A_665 {strides = array<i32>} : memref<256xi32, #tpu.memory_space<vmem>>, vector<16xi32>,
        %reduce_max3A_668 = arith.constant true
        %reduce_max3A_669 = vector.broadcast %reduce_max3A_668 : i1 to vector<16xi1>
        %reduce_max3A_670 = arith.constant -2147483648 : i32
        %reduce_max3A_671 = vector.broadcast %reduce_max3A_670 : i32 to vector<16xi32>
        %reduce_max3A_672 = arith.xori %add3A_665, %reduce_max3A_671 : vector<16xi32>
        %reduce_max3A_673 = tpu.scan <max>, %reduce_max3A_672 masked %reduce_max3A_669 : vector<16xi32>, vector<16xi1> -> vector<16xi32>
        %reduce_max3A_674 = arith.xori %reduce_max3A_673, %reduce_max3A_671 : vector<16xi32>
        %reduce_max3A_675 = vector.extract %reduce_max3A_674[15] : i32 from vector<16xi32>
        scf.yield %reduce_max3A_675 : i32
      }
      %scan3A_626 = arith.constant 16 : i32
      %scan3A_627 = arith.constant 0 : i32
      %scan3A_628 = arith.constant 0 : i32
      %scan3A_629 = arith.constant 16 : i32
      %scan3A_630 = arith.addi %scan3A_628, %scan3A_629 : i32
      %scan3A_631 = arith.constant 1 : i32
      %scan3A_632 = scf.for %scan3A_656 = %scan3A_628 to %scan3A_630 step %scan3A_631 iter_args(%scan3A_657 = %scan3A_627) -> (i32)  : i32 {
        %mul3A_658 = arith.constant 16 : i32
        %mul3A_659 = arith.muli %scan3A_656, %mul3A_658 : i32
        %get3A_660 = arith.index_cast %mul3A_659 : i32 to index
        %get3A_661 = tpu.vector_load %arg15[%get3A_660] {strides = array<i32>} : memref<256xi32, #tpu.memory_space<vmem>>, vector<16xi32>,
        %sub3A_662 = vector.broadcast %scan3A_625 : i32 to vector<16xi32>
        %sub3A_663 = arith.subi %sub3A_662, %get3A_661 : vector<16xi32>
        %ge3A = vector.broadcast %sub3A_574 : i32 to vector<16xi32>
        %ge3A_664 = arith.cmpi sge, %sub3A_663, %ge3A : vector<16xi32>
        %all_reduce_population_count3A = tpu.all_reduce %ge3A_664 {dim = 0 : i64, kind = #tpu.reduction_kind<sum>} : vector<16xi1> -> vector<16xi32>
        %reduce_max3A_665 = arith.constant true
        %reduce_max3A_666 = vector.broadcast %reduce_max3A_665 : i1 to vector<16xi1>
        %reduce_max3A_667 = arith.constant -2147483648 : i32
        %reduce_max3A_668 = vector.broadcast %reduce_max3A_667 : i32 to vector<16xi32>
        %reduce_max3A_669 = arith.xori %all_reduce_population_count3A, %reduce_max3A_668 : vector<16xi32>
        %reduce_max3A_670 = tpu.scan <max>, %reduce_max3A_669 masked %reduce_max3A_666 : vector<16xi32>, vector<16xi1> -> vector<16xi32>
        %reduce_max3A_671 = arith.xori %reduce_max3A_670, %reduce_max3A_668 : vector<16xi32>
        %reduce_max3A_672 = vector.extract %reduce_max3A_671[15] : i32 from vector<16xi32>
        %add3A_673 = arith.addi %scan3A_657, %reduce_max3A_672 : i32
        scf.yield %add3A_673 : i32
      }
      %scan3A_633 = arith.constant 16 : i32
      %broadcast_in_dim3A_634 = vector.broadcast %scan3A_632 : i32 to vector<16xi32>
      %gather3A_635 = tpu.vector_load_idx %arg15[%broadcast_in_dim3A_634] : memref<256xi32, #tpu.memory_space<vmem>>[vector<16xi32>], vector<16xi32>,
      %reduce_max3A_636 = arith.constant true
      %reduce_max3A_637 = vector.broadcast %reduce_max3A_636 : i1 to vector<16xi1>
      %reduce_max3A_638 = arith.constant -2147483648 : i32
      %reduce_max3A_639 = vector.broadcast %reduce_max3A_638 : i32 to vector<16xi32>
      %reduce_max3A_640 = arith.xori %gather3A_635, %reduce_max3A_639 : vector<16xi32>
      %reduce_max3A_641 = tpu.scan <max>, %reduce_max3A_640 masked %reduce_max3A_637 : vector<16xi32>, vector<16xi1> -> vector<16xi32>
      %reduce_max3A_642 = arith.xori %reduce_max3A_641, %reduce_max3A_639 : vector<16xi32>
      %reduce_max3A_643 = vector.extract %reduce_max3A_642[15] : i32 from vector<16xi32>
      %sub3A_644 = arith.subi %scan3A_625, %reduce_max3A_643 : i32
      %sub3A_645 = arith.subi %sub3A_574, %sub3A_644 : i32
      %shift_left3A_646 = arith.constant 0 : i32
      %shift_left3A_647 = arith.shli %scan3A_632, %shift_left3A_646 : i32
      %or3A_648 = arith.ori %or3A_577, %shift_left3A_647 : i32
      %broadcast_in_dim3A_649 = vector.broadcast %sub3A_645 : i32 to vector<16xi32>
      %scan3A_650 = arith.constant 0 : i32
      %scan3A_651 = arith.constant 128 : i32
      %scan3A_652 = arith.addi %scan3A_650, %scan3A_651 : i32
      %scan3A_653 = arith.constant 1 : i32
      %scan3A_654:2 = scf.for %scan3A_656 = %scan3A_650 to %scan3A_652 step %scan3A_653 iter_args(%scan3A_657 = %broadcast_in_dim3A_328, %scan3A_658 = %broadcast_in_dim3A_328) -> (vector<16xi32>, vector<16xi32>)  : i32 {
        %mul3A_659 = arith.constant 4 : i32
        %mul3A_660 = arith.muli %scan3A_656, %mul3A_659 : i32
        %add3A_661 = arith.constant 0 : i32
        %add3A_662 = arith.addi %mul3A_660, %add3A_661 : i32
        %mul3A_663 = arith.constant 16 : i32
        %mul3A_664 = arith.muli %add3A_662, %mul3A_663 : i32
        %get3A_665 = arith.index_cast %mul3A_664 : i32 to index
        %get3A_666 = tpu.vector_load %arg12[%get3A_665] {strides = array<i32>} : memref<8192xi32, #tpu.memory_space<vmem>>, vector<16xi32>,
        %gt3A = vector.broadcast %or3A_648 : i32 to vector<16xi32>
        %gt3A_667 = arith.cmpi sgt, %get3A_666, %gt3A : vector<16xi32>
        %eq3A_668 = vector.broadcast %or3A_648 : i32 to vector<16xi32>
        %eq3A_669 = arith.cmpi eq, %get3A_666, %eq3A_668 : vector<16xi32>
        %convert_element_type3A_670 = arith.extui %eq3A_669 : vector<16xi1> to vector<16xi32>
        %broadcast_in_dim3A_671 = arith.constant true
        %broadcast_in_dim3A_672 = vector.broadcast %broadcast_in_dim3A_671 : i1 to vector<16xi1>
        %masked_cumsum3A = tpu.scan <sum>, %convert_element_type3A_670 masked %broadcast_in_dim3A_672 : vector<16xi32>, vector<16xi1> -> vector<16xi32>
        %sub3A_673 = arith.subi %masked_cumsum3A, %convert_element_type3A_670 : vector<16xi32>
        %add3A_674 = arith.addi %sub3A_673, %scan3A_658 : vector<16xi32>
        %lt3A_675 = arith.cmpi slt, %add3A_674, %broadcast_in_dim3A_649 : vector<16xi32>
        %and3A_676 = arith.andi %eq3A_669, %lt3A_675 : vector<16xi1>
        %or3A_677 = arith.ori %gt3A_667, %and3A_676 : vector<16xi1>
        %convert_element_type3A_678 = arith.extui %or3A_677 : vector<16xi1> to vector<16xi32>
        %broadcast_in_dim3A_679 = arith.constant true
        %broadcast_in_dim3A_680 = vector.broadcast %broadcast_in_dim3A_679 : i1 to vector<16xi1>
        %masked_cumsum3A_681 = tpu.scan <sum>, %convert_element_type3A_678 masked %broadcast_in_dim3A_680 : vector<16xi32>, vector<16xi1> -> vector<16xi32>
        %add3A_682 = arith.addi %scan3A_657, %masked_cumsum3A_681 : vector<16xi32>
        %sub3A_683 = arith.subi %add3A_682, %convert_element_type3A_678 : vector<16xi32>
        %mul3A_684 = arith.constant 16 : i32
        %mul3A_685 = arith.muli %add3A_662, %mul3A_684 : i32
        %add3A_686 = vector.broadcast %mul3A_685 : i32 to vector<16xi32>
        %add3A_687 = arith.addi %iota3A, %add3A_686 : vector<16xi32>
        %get3A_688 = arith.index_cast %mul3A_664 : i32 to index
        %get3A_689 = tpu.vector_load %arg11[%get3A_688] {strides = array<i32>} : memref<8192xi32, #tpu.memory_space<vmem>>, vector<16xi32>,
        %ne3A_690 = arith.constant 0 : i32
        %ne3A_691 = vector.broadcast %ne3A_690 : i32 to vector<16xi32>
        %ne3A_692 = arith.cmpi ne, %get3A_689, %ne3A_691 : vector<16xi32>
        %jit3A_693 = arith.constant 1 : i32
        %jit3A_694 = arith.constant 0 : i32
        %broadcast_in_dim3A_695 = vector.broadcast %jit3A_693 : i32 to vector<16xi32>
        %broadcast_in_dim3A_696 = vector.broadcast %jit3A_694 : i32 to vector<16xi32>
        %select_n3A_697 = arith.select %ne3A_692, %broadcast_in_dim3A_695, %broadcast_in_dim3A_696 : vector<16xi1>, vector<16xi32>
        tpu.vector_store_idx %arg16[%sub3A_683], %add3A_687 masked %or3A_677 : memref<2048xi32, #tpu.memory_space<vmem>>[vector<16xi32>], vector<16xi32>, vector<16xi1>
        %get3A_698 = arith.index_cast %mul3A_664 : i32 to index
        %get3A_699 = tpu.vector_load %arg10[%get3A_698] {strides = array<i32>} : memref<8192xf32, #tpu.memory_space<vmem>>, vector<16xf32>,
        tpu.vector_store_idx %arg17[%sub3A_683], %get3A_699 masked %or3A_677 : memref<2048xf32, #tpu.memory_space<vmem>>[vector<16xi32>], vector<16xf32>, vector<16xi1>
        tpu.vector_store_idx %arg18[%sub3A_683], %select_n3A_697 masked %or3A_677 : memref<2048xi32, #tpu.memory_space<vmem>>[vector<16xi32>], vector<16xi32>, vector<16xi1>
        %all_reduce_population_count3A = tpu.all_reduce %or3A_677 {dim = 0 : i64, kind = #tpu.reduction_kind<sum>} : vector<16xi1> -> vector<16xi32>
        %add3A_700 = arith.addi %scan3A_657, %all_reduce_population_count3A : vector<16xi32>
        %all_reduce_population_count3A_701 = tpu.all_reduce %eq3A_669 {dim = 0 : i64, kind = #tpu.reduction_kind<sum>} : vector<16xi1> -> vector<16xi32>
        %add3A_702 = arith.addi %scan3A_658, %all_reduce_population_count3A_701 : vector<16xi32>
        %mul3A_703 = arith.constant 4 : i32
        %mul3A_704 = arith.muli %scan3A_656, %mul3A_703 : i32
        %add3A_705 = arith.constant 1 : i32
        %add3A_706 = arith.addi %mul3A_704, %add3A_705 : i32
        %mul3A_707 = arith.constant 16 : i32
        %mul3A_708 = arith.muli %add3A_706, %mul3A_707 : i32
        %get3A_709 = arith.index_cast %mul3A_708 : i32 to index
        %get3A_710 = tpu.vector_load %arg12[%get3A_709] {strides = array<i32>} : memref<8192xi32, #tpu.memory_space<vmem>>, vector<16xi32>,
        %gt3A_711 = vector.broadcast %or3A_648 : i32 to vector<16xi32>
        %gt3A_712 = arith.cmpi sgt, %get3A_710, %gt3A_711 : vector<16xi32>
        %eq3A_713 = vector.broadcast %or3A_648 : i32 to vector<16xi32>
        %eq3A_714 = arith.cmpi eq, %get3A_710, %eq3A_713 : vector<16xi32>
        %convert_element_type3A_715 = arith.extui %eq3A_714 : vector<16xi1> to vector<16xi32>
        %broadcast_in_dim3A_716 = arith.constant true
        %broadcast_in_dim3A_717 = vector.broadcast %broadcast_in_dim3A_716 : i1 to vector<16xi1>
        %masked_cumsum3A_718 = tpu.scan <sum>, %convert_element_type3A_715 masked %broadcast_in_dim3A_717 : vector<16xi32>, vector<16xi1> -> vector<16xi32>
        %sub3A_719 = arith.subi %masked_cumsum3A_718, %convert_element_type3A_715 : vector<16xi32>
        %add3A_720 = arith.addi %sub3A_719, %add3A_702 : vector<16xi32>
        %lt3A_721 = arith.cmpi slt, %add3A_720, %broadcast_in_dim3A_649 : vector<16xi32>
        %and3A_722 = arith.andi %eq3A_714, %lt3A_721 : vector<16xi1>
        %or3A_723 = arith.ori %gt3A_712, %and3A_722 : vector<16xi1>
        %convert_element_type3A_724 = arith.extui %or3A_723 : vector<16xi1> to vector<16xi32>
        %broadcast_in_dim3A_725 = arith.constant true
        %broadcast_in_dim3A_726 = vector.broadcast %broadcast_in_dim3A_725 : i1 to vector<16xi1>
        %masked_cumsum3A_727 = tpu.scan <sum>, %convert_element_type3A_724 masked %broadcast_in_dim3A_726 : vector<16xi32>, vector<16xi1> -> vector<16xi32>
        %add3A_728 = arith.addi %add3A_700, %masked_cumsum3A_727 : vector<16xi32>
        %sub3A_729 = arith.subi %add3A_728, %convert_element_type3A_724 : vector<16xi32>
        %mul3A_730 = arith.constant 16 : i32
        %mul3A_731 = arith.muli %add3A_706, %mul3A_730 : i32
        %add3A_732 = vector.broadcast %mul3A_731 : i32 to vector<16xi32>
        %add3A_733 = arith.addi %iota3A, %add3A_732 : vector<16xi32>
        %get3A_734 = arith.index_cast %mul3A_708 : i32 to index
        %get3A_735 = tpu.vector_load %arg11[%get3A_734] {strides = array<i32>} : memref<8192xi32, #tpu.memory_space<vmem>>, vector<16xi32>,
        %ne3A_736 = arith.constant 0 : i32
        %ne3A_737 = vector.broadcast %ne3A_736 : i32 to vector<16xi32>
        %ne3A_738 = arith.cmpi ne, %get3A_735, %ne3A_737 : vector<16xi32>
        %jit3A_739 = arith.constant 1 : i32
        %jit3A_740 = arith.constant 0 : i32
        %broadcast_in_dim3A_741 = vector.broadcast %jit3A_739 : i32 to vector<16xi32>
        %broadcast_in_dim3A_742 = vector.broadcast %jit3A_740 : i32 to vector<16xi32>
        %select_n3A_743 = arith.select %ne3A_738, %broadcast_in_dim3A_741, %broadcast_in_dim3A_742 : vector<16xi1>, vector<16xi32>
        tpu.vector_store_idx %arg16[%sub3A_729], %add3A_733 masked %or3A_723 : memref<2048xi32, #tpu.memory_space<vmem>>[vector<16xi32>], vector<16xi32>, vector<16xi1>
        %get3A_744 = arith.index_cast %mul3A_708 : i32 to index
        %get3A_745 = tpu.vector_load %arg10[%get3A_744] {strides = array<i32>} : memref<8192xf32, #tpu.memory_space<vmem>>, vector<16xf32>,
        tpu.vector_store_idx %arg17[%sub3A_729], %get3A_745 masked %or3A_723 : memref<2048xf32, #tpu.memory_space<vmem>>[vector<16xi32>], vector<16xf32>, vector<16xi1>
        tpu.vector_store_idx %arg18[%sub3A_729], %select_n3A_743 masked %or3A_723 : memref<2048xi32, #tpu.memory_space<vmem>>[vector<16xi32>], vector<16xi32>, vector<16xi1>
        %all_reduce_population_count3A_746 = tpu.all_reduce %or3A_723 {dim = 0 : i64, kind = #tpu.reduction_kind<sum>} : vector<16xi1> -> vector<16xi32>
        %add3A_747 = arith.addi %add3A_700, %all_reduce_population_count3A_746 : vector<16xi32>
        %all_reduce_population_count3A_748 = tpu.all_reduce %eq3A_714 {dim = 0 : i64, kind = #tpu.reduction_kind<sum>} : vector<16xi1> -> vector<16xi32>
        %add3A_749 = arith.addi %add3A_702, %all_reduce_population_count3A_748 : vector<16xi32>
        %mul3A_750 = arith.constant 4 : i32
        %mul3A_751 = arith.muli %scan3A_656, %mul3A_750 : i32
        %add3A_752 = arith.constant 2 : i32
        %add3A_753 = arith.addi %mul3A_751, %add3A_752 : i32
        %mul3A_754 = arith.constant 16 : i32
        %mul3A_755 = arith.muli %add3A_753, %mul3A_754 : i32
        %get3A_756 = arith.index_cast %mul3A_755 : i32 to index
        %get3A_757 = tpu.vector_load %arg12[%get3A_756] {strides = array<i32>} : memref<8192xi32, #tpu.memory_space<vmem>>, vector<16xi32>,
        %gt3A_758 = vector.broadcast %or3A_648 : i32 to vector<16xi32>
        %gt3A_759 = arith.cmpi sgt, %get3A_757, %gt3A_758 : vector<16xi32>
        %eq3A_760 = vector.broadcast %or3A_648 : i32 to vector<16xi32>
        %eq3A_761 = arith.cmpi eq, %get3A_757, %eq3A_760 : vector<16xi32>
        %convert_element_type3A_762 = arith.extui %eq3A_761 : vector<16xi1> to vector<16xi32>
        %broadcast_in_dim3A_763 = arith.constant true
        %broadcast_in_dim3A_764 = vector.broadcast %broadcast_in_dim3A_763 : i1 to vector<16xi1>
        %masked_cumsum3A_765 = tpu.scan <sum>, %convert_element_type3A_762 masked %broadcast_in_dim3A_764 : vector<16xi32>, vector<16xi1> -> vector<16xi32>
        %sub3A_766 = arith.subi %masked_cumsum3A_765, %convert_element_type3A_762 : vector<16xi32>
        %add3A_767 = arith.addi %sub3A_766, %add3A_749 : vector<16xi32>
        %lt3A_768 = arith.cmpi slt, %add3A_767, %broadcast_in_dim3A_649 : vector<16xi32>
        %and3A_769 = arith.andi %eq3A_761, %lt3A_768 : vector<16xi1>
        %or3A_770 = arith.ori %gt3A_759, %and3A_769 : vector<16xi1>
        %convert_element_type3A_771 = arith.extui %or3A_770 : vector<16xi1> to vector<16xi32>
        %broadcast_in_dim3A_772 = arith.constant true
        %broadcast_in_dim3A_773 = vector.broadcast %broadcast_in_dim3A_772 : i1 to vector<16xi1>
        %masked_cumsum3A_774 = tpu.scan <sum>, %convert_element_type3A_771 masked %broadcast_in_dim3A_773 : vector<16xi32>, vector<16xi1> -> vector<16xi32>
        %add3A_775 = arith.addi %add3A_747, %masked_cumsum3A_774 : vector<16xi32>
        %sub3A_776 = arith.subi %add3A_775, %convert_element_type3A_771 : vector<16xi32>
        %mul3A_777 = arith.constant 16 : i32
        %mul3A_778 = arith.muli %add3A_753, %mul3A_777 : i32
        %add3A_779 = vector.broadcast %mul3A_778 : i32 to vector<16xi32>
        %add3A_780 = arith.addi %iota3A, %add3A_779 : vector<16xi32>
        %get3A_781 = arith.index_cast %mul3A_755 : i32 to index
        %get3A_782 = tpu.vector_load %arg11[%get3A_781] {strides = array<i32>} : memref<8192xi32, #tpu.memory_space<vmem>>, vector<16xi32>,
        %ne3A_783 = arith.constant 0 : i32
        %ne3A_784 = vector.broadcast %ne3A_783 : i32 to vector<16xi32>
        %ne3A_785 = arith.cmpi ne, %get3A_782, %ne3A_784 : vector<16xi32>
        %jit3A_786 = arith.constant 1 : i32
        %jit3A_787 = arith.constant 0 : i32
        %broadcast_in_dim3A_788 = vector.broadcast %jit3A_786 : i32 to vector<16xi32>
        %broadcast_in_dim3A_789 = vector.broadcast %jit3A_787 : i32 to vector<16xi32>
        %select_n3A_790 = arith.select %ne3A_785, %broadcast_in_dim3A_788, %broadcast_in_dim3A_789 : vector<16xi1>, vector<16xi32>
        tpu.vector_store_idx %arg16[%sub3A_776], %add3A_780 masked %or3A_770 : memref<2048xi32, #tpu.memory_space<vmem>>[vector<16xi32>], vector<16xi32>, vector<16xi1>
        %get3A_791 = arith.index_cast %mul3A_755 : i32 to index
        %get3A_792 = tpu.vector_load %arg10[%get3A_791] {strides = array<i32>} : memref<8192xf32, #tpu.memory_space<vmem>>, vector<16xf32>,
        tpu.vector_store_idx %arg17[%sub3A_776], %get3A_792 masked %or3A_770 : memref<2048xf32, #tpu.memory_space<vmem>>[vector<16xi32>], vector<16xf32>, vector<16xi1>
        tpu.vector_store_idx %arg18[%sub3A_776], %select_n3A_790 masked %or3A_770 : memref<2048xi32, #tpu.memory_space<vmem>>[vector<16xi32>], vector<16xi32>, vector<16xi1>
        %all_reduce_population_count3A_793 = tpu.all_reduce %or3A_770 {dim = 0 : i64, kind = #tpu.reduction_kind<sum>} : vector<16xi1> -> vector<16xi32>
        %add3A_794 = arith.addi %add3A_747, %all_reduce_population_count3A_793 : vector<16xi32>
        %all_reduce_population_count3A_795 = tpu.all_reduce %eq3A_761 {dim = 0 : i64, kind = #tpu.reduction_kind<sum>} : vector<16xi1> -> vector<16xi32>
        %add3A_796 = arith.addi %add3A_749, %all_reduce_population_count3A_795 : vector<16xi32>
        %mul3A_797 = arith.constant 4 : i32
        %mul3A_798 = arith.muli %scan3A_656, %mul3A_797 : i32
        %add3A_799 = arith.constant 3 : i32
        %add3A_800 = arith.addi %mul3A_798, %add3A_799 : i32
        %mul3A_801 = arith.constant 16 : i32
        %mul3A_802 = arith.muli %add3A_800, %mul3A_801 : i32
        %get3A_803 = arith.index_cast %mul3A_802 : i32 to index
        %get3A_804 = tpu.vector_load %arg12[%get3A_803] {strides = array<i32>} : memref<8192xi32, #tpu.memory_space<vmem>>, vector<16xi32>,
        %gt3A_805 = vector.broadcast %or3A_648 : i32 to vector<16xi32>
        %gt3A_806 = arith.cmpi sgt, %get3A_804, %gt3A_805 : vector<16xi32>
        %eq3A_807 = vector.broadcast %or3A_648 : i32 to vector<16xi32>
        %eq3A_808 = arith.cmpi eq, %get3A_804, %eq3A_807 : vector<16xi32>
        %convert_element_type3A_809 = arith.extui %eq3A_808 : vector<16xi1> to vector<16xi32>
        %broadcast_in_dim3A_810 = arith.constant true
        %broadcast_in_dim3A_811 = vector.broadcast %broadcast_in_dim3A_810 : i1 to vector<16xi1>
        %masked_cumsum3A_812 = tpu.scan <sum>, %convert_element_type3A_809 masked %broadcast_in_dim3A_811 : vector<16xi32>, vector<16xi1> -> vector<16xi32>
        %sub3A_813 = arith.subi %masked_cumsum3A_812, %convert_element_type3A_809 : vector<16xi32>
        %add3A_814 = arith.addi %sub3A_813, %add3A_796 : vector<16xi32>
        %lt3A_815 = arith.cmpi slt, %add3A_814, %broadcast_in_dim3A_649 : vector<16xi32>
        %and3A_816 = arith.andi %eq3A_808, %lt3A_815 : vector<16xi1>
        %or3A_817 = arith.ori %gt3A_806, %and3A_816 : vector<16xi1>
        %convert_element_type3A_818 = arith.extui %or3A_817 : vector<16xi1> to vector<16xi32>
        %broadcast_in_dim3A_819 = arith.constant true
        %broadcast_in_dim3A_820 = vector.broadcast %broadcast_in_dim3A_819 : i1 to vector<16xi1>
        %masked_cumsum3A_821 = tpu.scan <sum>, %convert_element_type3A_818 masked %broadcast_in_dim3A_820 : vector<16xi32>, vector<16xi1> -> vector<16xi32>
        %add3A_822 = arith.addi %add3A_794, %masked_cumsum3A_821 : vector<16xi32>
        %sub3A_823 = arith.subi %add3A_822, %convert_element_type3A_818 : vector<16xi32>
        %mul3A_824 = arith.constant 16 : i32
        %mul3A_825 = arith.muli %add3A_800, %mul3A_824 : i32
        %add3A_826 = vector.broadcast %mul3A_825 : i32 to vector<16xi32>
        %add3A_827 = arith.addi %iota3A, %add3A_826 : vector<16xi32>
        %get3A_828 = arith.index_cast %mul3A_802 : i32 to index
        %get3A_829 = tpu.vector_load %arg11[%get3A_828] {strides = array<i32>} : memref<8192xi32, #tpu.memory_space<vmem>>, vector<16xi32>,
        %ne3A_830 = arith.constant 0 : i32
        %ne3A_831 = vector.broadcast %ne3A_830 : i32 to vector<16xi32>
        %ne3A_832 = arith.cmpi ne, %get3A_829, %ne3A_831 : vector<16xi32>
        %jit3A_833 = arith.constant 1 : i32
        %jit3A_834 = arith.constant 0 : i32
        %broadcast_in_dim3A_835 = vector.broadcast %jit3A_833 : i32 to vector<16xi32>
        %broadcast_in_dim3A_836 = vector.broadcast %jit3A_834 : i32 to vector<16xi32>
        %select_n3A_837 = arith.select %ne3A_832, %broadcast_in_dim3A_835, %broadcast_in_dim3A_836 : vector<16xi1>, vector<16xi32>
        tpu.vector_store_idx %arg16[%sub3A_823], %add3A_827 masked %or3A_817 : memref<2048xi32, #tpu.memory_space<vmem>>[vector<16xi32>], vector<16xi32>, vector<16xi1>
        %get3A_838 = arith.index_cast %mul3A_802 : i32 to index
        %get3A_839 = tpu.vector_load %arg10[%get3A_838] {strides = array<i32>} : memref<8192xf32, #tpu.memory_space<vmem>>, vector<16xf32>,
        tpu.vector_store_idx %arg17[%sub3A_823], %get3A_839 masked %or3A_817 : memref<2048xf32, #tpu.memory_space<vmem>>[vector<16xi32>], vector<16xf32>, vector<16xi1>
        tpu.vector_store_idx %arg18[%sub3A_823], %select_n3A_837 masked %or3A_817 : memref<2048xi32, #tpu.memory_space<vmem>>[vector<16xi32>], vector<16xi32>, vector<16xi1>
        %all_reduce_population_count3A_840 = tpu.all_reduce %or3A_817 {dim = 0 : i64, kind = #tpu.reduction_kind<sum>} : vector<16xi1> -> vector<16xi32>
        %add3A_841 = arith.addi %add3A_794, %all_reduce_population_count3A_840 : vector<16xi32>
        %all_reduce_population_count3A_842 = tpu.all_reduce %eq3A_808 {dim = 0 : i64, kind = #tpu.reduction_kind<sum>} : vector<16xi1> -> vector<16xi32>
        %add3A_843 = arith.addi %add3A_796, %all_reduce_population_count3A_842 : vector<16xi32>
        scf.yield %add3A_841, %add3A_843 : vector<16xi32>, vector<16xi32>
      }
      %scan3A_655 = arith.constant 128 : i32
      "tpu.region"() ({
        %run_scoped3A = tpu.sem_alloc : memref<!tpu.dma_semaphore, #tpu.memory_space<semaphore_mem>>
        %dma_start3A_656 = arith.constant 0 : i32
        %dma_start3A_657 = tpu.memref_slice %arg6[%add3A_325, %dma_start3A_656] : memref<4x2048xi32, #tpu.memory_space<hbm>> -> memref<1x2048xi32, #tpu.memory_space<hbm>>
        %dma_start3A_658 = tpu.memref_squeeze %dma_start3A_657 : memref<1x2048xi32, #tpu.memory_space<hbm>> -> memref<2048xi32, #tpu.memory_space<hbm>>
        %dma_start3A_659 = arith.constant 0 : i32
        %dma_start3A_660 = tpu.memref_slice %arg6[%add3A_325, %dma_start3A_659] : memref<4x2048xi32, #tpu.memory_space<hbm>> -> memref<1x2048xi32, #tpu.memory_space<hbm>>
        %dma_start3A_661 = tpu.memref_squeeze %dma_start3A_660 : memref<1x2048xi32, #tpu.memory_space<hbm>> -> memref<2048xi32, #tpu.memory_space<hbm>>
        tpu.enqueue_dma source(%arg16 : memref<2048xi32, #tpu.memory_space<vmem>>) target(%dma_start3A_661 : memref<2048xi32, #tpu.memory_space<hbm>>) target_semaphore(%run_scoped3A : memref<!tpu.dma_semaphore, #tpu.memory_space<semaphore_mem>>)
        %dma_wait3A_662 = arith.constant 0 : i32
        %dma_wait3A_663 = tpu.memref_slice %arg6[%add3A_325, %dma_wait3A_662] : memref<4x2048xi32, #tpu.memory_space<hbm>> -> memref<1x2048xi32, #tpu.memory_space<hbm>>
        %dma_wait3A_664 = tpu.memref_squeeze %dma_wait3A_663 : memref<1x2048xi32, #tpu.memory_space<hbm>> -> memref<2048xi32, #tpu.memory_space<hbm>>
        %dma_wait3A_665 = arith.constant 0 : i32
        %dma_wait3A_666 = tpu.memref_slice %arg6[%add3A_325, %dma_wait3A_665] : memref<4x2048xi32, #tpu.memory_space<hbm>> -> memref<1x2048xi32, #tpu.memory_space<hbm>>
        %dma_wait3A_667 = tpu.memref_squeeze %dma_wait3A_666 : memref<1x2048xi32, #tpu.memory_space<hbm>> -> memref<2048xi32, #tpu.memory_space<hbm>>
        tpu.wait_dma2 semaphore(%run_scoped3A : memref<!tpu.dma_semaphore, #tpu.memory_space<semaphore_mem>>) src(%arg16 : memref<2048xi32, #tpu.memory_space<vmem>>) dst(%dma_wait3A_667 : memref<2048xi32, #tpu.memory_space<hbm>>)
        tpu.yield
      }) : () -> ()
      "tpu.region"() ({
        %run_scoped3A = tpu.sem_alloc : memref<!tpu.dma_semaphore, #tpu.memory_space<semaphore_mem>>
        %dma_start3A_656 = arith.constant 0 : i32
        %dma_start3A_657 = tpu.memref_slice %arg8[%add3A_325, %dma_start3A_656] : memref<4x2048xf32, #tpu.memory_space<hbm>> -> memref<1x2048xf32, #tpu.memory_space<hbm>>
        %dma_start3A_658 = tpu.memref_squeeze %dma_start3A_657 : memref<1x2048xf32, #tpu.memory_space<hbm>> -> memref<2048xf32, #tpu.memory_space<hbm>>
        %dma_start3A_659 = arith.constant 0 : i32
        %dma_start3A_660 = tpu.memref_slice %arg8[%add3A_325, %dma_start3A_659] : memref<4x2048xf32, #tpu.memory_space<hbm>> -> memref<1x2048xf32, #tpu.memory_space<hbm>>
        %dma_start3A_661 = tpu.memref_squeeze %dma_start3A_660 : memref<1x2048xf32, #tpu.memory_space<hbm>> -> memref<2048xf32, #tpu.memory_space<hbm>>
        tpu.enqueue_dma source(%arg17 : memref<2048xf32, #tpu.memory_space<vmem>>) target(%dma_start3A_661 : memref<2048xf32, #tpu.memory_space<hbm>>) target_semaphore(%run_scoped3A : memref<!tpu.dma_semaphore, #tpu.memory_space<semaphore_mem>>)
        %dma_wait3A_662 = arith.constant 0 : i32
        %dma_wait3A_663 = tpu.memref_slice %arg8[%add3A_325, %dma_wait3A_662] : memref<4x2048xf32, #tpu.memory_space<hbm>> -> memref<1x2048xf32, #tpu.memory_space<hbm>>
        %dma_wait3A_664 = tpu.memref_squeeze %dma_wait3A_663 : memref<1x2048xf32, #tpu.memory_space<hbm>> -> memref<2048xf32, #tpu.memory_space<hbm>>
        %dma_wait3A_665 = arith.constant 0 : i32
        %dma_wait3A_666 = tpu.memref_slice %arg8[%add3A_325, %dma_wait3A_665] : memref<4x2048xf32, #tpu.memory_space<hbm>> -> memref<1x2048xf32, #tpu.memory_space<hbm>>
        %dma_wait3A_667 = tpu.memref_squeeze %dma_wait3A_666 : memref<1x2048xf32, #tpu.memory_space<hbm>> -> memref<2048xf32, #tpu.memory_space<hbm>>
        tpu.wait_dma2 semaphore(%run_scoped3A : memref<!tpu.dma_semaphore, #tpu.memory_space<semaphore_mem>>) src(%arg17 : memref<2048xf32, #tpu.memory_space<vmem>>) dst(%dma_wait3A_667 : memref<2048xf32, #tpu.memory_space<hbm>>)
        tpu.yield
      }) : () -> ()
      "tpu.region"() ({
        %run_scoped3A = tpu.sem_alloc : memref<!tpu.dma_semaphore, #tpu.memory_space<semaphore_mem>>
        %dma_start3A_656 = arith.constant 0 : i32
        %dma_start3A_657 = tpu.memref_slice %arg7[%add3A_325, %dma_start3A_656] : memref<4x2048xi32, #tpu.memory_space<hbm>> -> memref<1x2048xi32, #tpu.memory_space<hbm>>
        %dma_start3A_658 = tpu.memref_squeeze %dma_start3A_657 : memref<1x2048xi32, #tpu.memory_space<hbm>> -> memref<2048xi32, #tpu.memory_space<hbm>>
        %dma_start3A_659 = arith.constant 0 : i32
        %dma_start3A_660 = tpu.memref_slice %arg7[%add3A_325, %dma_start3A_659] : memref<4x2048xi32, #tpu.memory_space<hbm>> -> memref<1x2048xi32, #tpu.memory_space<hbm>>
        %dma_start3A_661 = tpu.memref_squeeze %dma_start3A_660 : memref<1x2048xi32, #tpu.memory_space<hbm>> -> memref<2048xi32, #tpu.memory_space<hbm>>
        tpu.enqueue_dma source(%arg18 : memref<2048xi32, #tpu.memory_space<vmem>>) target(%dma_start3A_661 : memref<2048xi32, #tpu.memory_space<hbm>>) target_semaphore(%run_scoped3A : memref<!tpu.dma_semaphore, #tpu.memory_space<semaphore_mem>>)
        %dma_wait3A_662 = arith.constant 0 : i32
        %dma_wait3A_663 = tpu.memref_slice %arg7[%add3A_325, %dma_wait3A_662] : memref<4x2048xi32, #tpu.memory_space<hbm>> -> memref<1x2048xi32, #tpu.memory_space<hbm>>
        %dma_wait3A_664 = tpu.memref_squeeze %dma_wait3A_663 : memref<1x2048xi32, #tpu.memory_space<hbm>> -> memref<2048xi32, #tpu.memory_space<hbm>>
        %dma_wait3A_665 = arith.constant 0 : i32
        %dma_wait3A_666 = tpu.memref_slice %arg7[%add3A_325, %dma_wait3A_665] : memref<4x2048xi32, #tpu.memory_space<hbm>> -> memref<1x2048xi32, #tpu.memory_space<hbm>>
        %dma_wait3A_667 = tpu.memref_squeeze %dma_wait3A_666 : memref<1x2048xi32, #tpu.memory_space<hbm>> -> memref<2048xi32, #tpu.memory_space<hbm>>
        tpu.wait_dma2 semaphore(%run_scoped3A : memref<!tpu.dma_semaphore, #tpu.memory_space<semaphore_mem>>) src(%arg18 : memref<2048xi32, #tpu.memory_space<vmem>>) dst(%dma_wait3A_667 : memref<2048xi32, #tpu.memory_space<hbm>>)
        tpu.yield
      }) : () -> ()
    } else {
    }
    %barrier3A = arith.constant 0 : index
    tpu.barrier barrier_id(%barrier3A)
    %mul3A = arith.constant 2 : i32
    %mul3A_2 = arith.muli %mul3A, %arg0 : i32
    %jit3A = arith.constant 8 : i32
    %div3A = arith.divsi %arg1, %jit3A : i32
    %sign3A = arith.constant 0 : i32
    %sign3A_3 = arith.cmpi sgt, %arg1, %sign3A : i32
    %sign3A_4 = arith.extui %sign3A_3 : i1 to i32
    %sign3A_5 = arith.constant 0 : i32
    %sign3A_6 = arith.cmpi slt, %arg1, %sign3A_5 : i32
    %sign3A_7 = arith.extui %sign3A_6 : i1 to i32
    %sign3A_8 = arith.subi %sign3A_4, %sign3A_7 : i32
    %sign3A_9 = arith.constant 0 : i32
    %sign3A_10 = arith.cmpi sgt, %jit3A, %sign3A_9 : i32
    %sign3A_11 = arith.extui %sign3A_10 : i1 to i32
    %sign3A_12 = arith.constant 0 : i32
    %sign3A_13 = arith.cmpi slt, %jit3A, %sign3A_12 : i32
    %sign3A_14 = arith.extui %sign3A_13 : i1 to i32
    %sign3A_15 = arith.subi %sign3A_11, %sign3A_14 : i32
    %ne3A = arith.cmpi ne, %sign3A_8, %sign3A_15 : i32
    %rem3A = arith.remsi %arg1, %jit3A : i32
    %ne3A_16 = arith.constant 0 : i32
    %ne3A_17 = arith.cmpi ne, %rem3A, %ne3A_16 : i32
    %and3A = arith.andi %ne3A, %ne3A_17 : i1
    %sub3A = arith.constant 1 : i32
    %sub3A_18 = arith.subi %div3A, %sub3A : i32
    %select_n3A = arith.select %and3A, %sub3A_18, %div3A : i32
    %add3A = arith.addi %mul3A_2, %select_n3A : i32
    %jit3A_19 = arith.constant 8 : i32
    %eq3A = arith.constant 0 : i32
    %eq3A_20 = arith.cmpi eq, %jit3A_19, %eq3A : i32
    %jit3A_21 = arith.constant 1 : i32
    %select_n3A_22 = arith.select %eq3A_20, %jit3A_21, %jit3A_19 : i32
    %rem3A_23 = arith.remsi %arg1, %select_n3A_22 : i32
    %ne3A_24 = arith.constant 0 : i32
    %ne3A_25 = arith.cmpi ne, %rem3A_23, %ne3A_24 : i32
    %lt3A_26 = arith.constant 0 : i32
    %lt3A_27 = arith.cmpi slt, %rem3A_23, %lt3A_26 : i32
    %lt3A_28 = arith.constant 0 : i32
    %lt3A_29 = arith.cmpi slt, %select_n3A_22, %lt3A_28 : i32
    %ne3A_30 = arith.xori %lt3A_27, %lt3A_29 : i1
    %and3A_31 = arith.andi %ne3A_30, %ne3A_25 : i1
    %add3A_32 = arith.addi %rem3A_23, %select_n3A_22 : i32
    %select_n3A_33 = arith.select %and3A_31, %add3A_32, %rem3A_23 : i32
    %mul3A_34 = arith.constant 256 : i32
    %mul3A_35 = arith.muli %select_n3A_33, %mul3A_34 : i32
    "tpu.region"() ({
      %run_scoped3A = tpu.sem_alloc : memref<!tpu.dma_semaphore, #tpu.memory_space<semaphore_mem>>
      %dma_start3A_323 = tpu.memref_slice %arg6[%add3A, %mul3A_35] : memref<4x2048xi32, #tpu.memory_space<hbm>> -> memref<1x256xi32, #tpu.memory_space<hbm>>
      %dma_start3A_324 = tpu.memref_squeeze %dma_start3A_323 : memref<1x256xi32, #tpu.memory_space<hbm>> -> memref<256xi32, #tpu.memory_space<hbm>>
      %dma_start3A_325 = tpu.memref_slice %arg6[%add3A, %mul3A_35] : memref<4x2048xi32, #tpu.memory_space<hbm>> -> memref<1x256xi32, #tpu.memory_space<hbm>>
      %dma_start3A_326 = tpu.memref_squeeze %dma_start3A_325 : memref<1x256xi32, #tpu.memory_space<hbm>> -> memref<256xi32, #tpu.memory_space<hbm>>
      tpu.enqueue_dma source(%dma_start3A_326 : memref<256xi32, #tpu.memory_space<hbm>>) target(%arg19 : memref<256xi32, #tpu.memory_space<vmem>>) target_semaphore(%run_scoped3A : memref<!tpu.dma_semaphore, #tpu.memory_space<semaphore_mem>>)
      %dma_wait3A_327 = tpu.memref_slice %arg6[%add3A, %mul3A_35] : memref<4x2048xi32, #tpu.memory_space<hbm>> -> memref<1x256xi32, #tpu.memory_space<hbm>>
      %dma_wait3A_328 = tpu.memref_squeeze %dma_wait3A_327 : memref<1x256xi32, #tpu.memory_space<hbm>> -> memref<256xi32, #tpu.memory_space<hbm>>
      %dma_wait3A_329 = tpu.memref_slice %arg6[%add3A, %mul3A_35] : memref<4x2048xi32, #tpu.memory_space<hbm>> -> memref<1x256xi32, #tpu.memory_space<hbm>>
      %dma_wait3A_330 = tpu.memref_squeeze %dma_wait3A_329 : memref<1x256xi32, #tpu.memory_space<hbm>> -> memref<256xi32, #tpu.memory_space<hbm>>
      tpu.wait_dma2 semaphore(%run_scoped3A : memref<!tpu.dma_semaphore, #tpu.memory_space<semaphore_mem>>) src(%dma_wait3A_330 : memref<256xi32, #tpu.memory_space<hbm>>) dst(%arg19 : memref<256xi32, #tpu.memory_space<vmem>>)
      tpu.yield
    }) : () -> ()
    %get3A = arith.constant 0 : index
    %get3A_36 = tpu.vector_load %arg19[%get3A] {strides = array<i32>} : memref<256xi32, #tpu.memory_space<vmem>>, vector<16xi32>,
    %mul3A_37 = arith.constant 8192 : i32
    %mul3A_38 = arith.muli %add3A, %mul3A_37 : i32
    %add3A_39 = vector.broadcast %mul3A_38 : i32 to vector<16xi32>
    %add3A_40 = arith.addi %get3A_36, %add3A_39 : vector<16xi32>
    %swap3A = arith.constant 0 : index
    %swap3A_41 = tpu.vector_load %arg19[%swap3A] {strides = array<i32>} : memref<256xi32, #tpu.memory_space<vmem>>, vector<16xi32>,
    tpu.vector_store %arg19[%swap3A], %add3A_40 {strides = array<i32>} : memref<256xi32, #tpu.memory_space<vmem>>, vector<16xi32>,
    %get3A_42 = arith.constant 16 : index
    %get3A_43 = tpu.vector_load %arg19[%get3A_42] {strides = array<i32>} : memref<256xi32, #tpu.memory_space<vmem>>, vector<16xi32>,
    %mul3A_44 = arith.constant 8192 : i32
    %mul3A_45 = arith.muli %add3A, %mul3A_44 : i32
    %add3A_46 = vector.broadcast %mul3A_45 : i32 to vector<16xi32>
    %add3A_47 = arith.addi %get3A_43, %add3A_46 : vector<16xi32>
    %swap3A_48 = arith.constant 16 : index
    %swap3A_49 = tpu.vector_load %arg19[%swap3A_48] {strides = array<i32>} : memref<256xi32, #tpu.memory_space<vmem>>, vector<16xi32>,
    tpu.vector_store %arg19[%swap3A_48], %add3A_47 {strides = array<i32>} : memref<256xi32, #tpu.memory_space<vmem>>, vector<16xi32>,
    %get3A_50 = arith.constant 32 : index
    %get3A_51 = tpu.vector_load %arg19[%get3A_50] {strides = array<i32>} : memref<256xi32, #tpu.memory_space<vmem>>, vector<16xi32>,
    %mul3A_52 = arith.constant 8192 : i32
    %mul3A_53 = arith.muli %add3A, %mul3A_52 : i32
    %add3A_54 = vector.broadcast %mul3A_53 : i32 to vector<16xi32>
    %add3A_55 = arith.addi %get3A_51, %add3A_54 : vector<16xi32>
    %swap3A_56 = arith.constant 32 : index
    %swap3A_57 = tpu.vector_load %arg19[%swap3A_56] {strides = array<i32>} : memref<256xi32, #tpu.memory_space<vmem>>, vector<16xi32>,
    tpu.vector_store %arg19[%swap3A_56], %add3A_55 {strides = array<i32>} : memref<256xi32, #tpu.memory_space<vmem>>, vector<16xi32>,
    %get3A_58 = arith.constant 48 : index
    %get3A_59 = tpu.vector_load %arg19[%get3A_58] {strides = array<i32>} : memref<256xi32, #tpu.memory_space<vmem>>, vector<16xi32>,
    %mul3A_60 = arith.constant 8192 : i32
    %mul3A_61 = arith.muli %add3A, %mul3A_60 : i32
    %add3A_62 = vector.broadcast %mul3A_61 : i32 to vector<16xi32>
    %add3A_63 = arith.addi %get3A_59, %add3A_62 : vector<16xi32>
    %swap3A_64 = arith.constant 48 : index
    %swap3A_65 = tpu.vector_load %arg19[%swap3A_64] {strides = array<i32>} : memref<256xi32, #tpu.memory_space<vmem>>, vector<16xi32>,
    tpu.vector_store %arg19[%swap3A_64], %add3A_63 {strides = array<i32>} : memref<256xi32, #tpu.memory_space<vmem>>, vector<16xi32>,
    %get3A_66 = arith.constant 64 : index
    %get3A_67 = tpu.vector_load %arg19[%get3A_66] {strides = array<i32>} : memref<256xi32, #tpu.memory_space<vmem>>, vector<16xi32>,
    %mul3A_68 = arith.constant 8192 : i32
    %mul3A_69 = arith.muli %add3A, %mul3A_68 : i32
    %add3A_70 = vector.broadcast %mul3A_69 : i32 to vector<16xi32>
    %add3A_71 = arith.addi %get3A_67, %add3A_70 : vector<16xi32>
    %swap3A_72 = arith.constant 64 : index
    %swap3A_73 = tpu.vector_load %arg19[%swap3A_72] {strides = array<i32>} : memref<256xi32, #tpu.memory_space<vmem>>, vector<16xi32>,
    tpu.vector_store %arg19[%swap3A_72], %add3A_71 {strides = array<i32>} : memref<256xi32, #tpu.memory_space<vmem>>, vector<16xi32>,
    %get3A_74 = arith.constant 80 : index
    %get3A_75 = tpu.vector_load %arg19[%get3A_74] {strides = array<i32>} : memref<256xi32, #tpu.memory_space<vmem>>, vector<16xi32>,
    %mul3A_76 = arith.constant 8192 : i32
    %mul3A_77 = arith.muli %add3A, %mul3A_76 : i32
    %add3A_78 = vector.broadcast %mul3A_77 : i32 to vector<16xi32>
    %add3A_79 = arith.addi %get3A_75, %add3A_78 : vector<16xi32>
    %swap3A_80 = arith.constant 80 : index
    %swap3A_81 = tpu.vector_load %arg19[%swap3A_80] {strides = array<i32>} : memref<256xi32, #tpu.memory_space<vmem>>, vector<16xi32>,
    tpu.vector_store %arg19[%swap3A_80], %add3A_79 {strides = array<i32>} : memref<256xi32, #tpu.memory_space<vmem>>, vector<16xi32>,
    %get3A_82 = arith.constant 96 : index
    %get3A_83 = tpu.vector_load %arg19[%get3A_82] {strides = array<i32>} : memref<256xi32, #tpu.memory_space<vmem>>, vector<16xi32>,
    %mul3A_84 = arith.constant 8192 : i32
    %mul3A_85 = arith.muli %add3A, %mul3A_84 : i32
    %add3A_86 = vector.broadcast %mul3A_85 : i32 to vector<16xi32>
    %add3A_87 = arith.addi %get3A_83, %add3A_86 : vector<16xi32>
    %swap3A_88 = arith.constant 96 : index
    %swap3A_89 = tpu.vector_load %arg19[%swap3A_88] {strides = array<i32>} : memref<256xi32, #tpu.memory_space<vmem>>, vector<16xi32>,
    tpu.vector_store %arg19[%swap3A_88], %add3A_87 {strides = array<i32>} : memref<256xi32, #tpu.memory_space<vmem>>, vector<16xi32>,
    %get3A_90 = arith.constant 112 : index
    %get3A_91 = tpu.vector_load %arg19[%get3A_90] {strides = array<i32>} : memref<256xi32, #tpu.memory_space<vmem>>, vector<16xi32>,
    %mul3A_92 = arith.constant 8192 : i32
    %mul3A_93 = arith.muli %add3A, %mul3A_92 : i32
    %add3A_94 = vector.broadcast %mul3A_93 : i32 to vector<16xi32>
    %add3A_95 = arith.addi %get3A_91, %add3A_94 : vector<16xi32>
    %swap3A_96 = arith.constant 112 : index
    %swap3A_97 = tpu.vector_load %arg19[%swap3A_96] {strides = array<i32>} : memref<256xi32, #tpu.memory_space<vmem>>, vector<16xi32>,
    tpu.vector_store %arg19[%swap3A_96], %add3A_95 {strides = array<i32>} : memref<256xi32, #tpu.memory_space<vmem>>, vector<16xi32>,
    %get3A_98 = arith.constant 128 : index
    %get3A_99 = tpu.vector_load %arg19[%get3A_98] {strides = array<i32>} : memref<256xi32, #tpu.memory_space<vmem>>, vector<16xi32>,
    %mul3A_100 = arith.constant 8192 : i32
    %mul3A_101 = arith.muli %add3A, %mul3A_100 : i32
    %add3A_102 = vector.broadcast %mul3A_101 : i32 to vector<16xi32>
    %add3A_103 = arith.addi %get3A_99, %add3A_102 : vector<16xi32>
    %swap3A_104 = arith.constant 128 : index
    %swap3A_105 = tpu.vector_load %arg19[%swap3A_104] {strides = array<i32>} : memref<256xi32, #tpu.memory_space<vmem>>, vector<16xi32>,
    tpu.vector_store %arg19[%swap3A_104], %add3A_103 {strides = array<i32>} : memref<256xi32, #tpu.memory_space<vmem>>, vector<16xi32>,
    %get3A_106 = arith.constant 144 : index
    %get3A_107 = tpu.vector_load %arg19[%get3A_106] {strides = array<i32>} : memref<256xi32, #tpu.memory_space<vmem>>, vector<16xi32>,
    %mul3A_108 = arith.constant 8192 : i32
    %mul3A_109 = arith.muli %add3A, %mul3A_108 : i32
    %add3A_110 = vector.broadcast %mul3A_109 : i32 to vector<16xi32>
    %add3A_111 = arith.addi %get3A_107, %add3A_110 : vector<16xi32>
    %swap3A_112 = arith.constant 144 : index
    %swap3A_113 = tpu.vector_load %arg19[%swap3A_112] {strides = array<i32>} : memref<256xi32, #tpu.memory_space<vmem>>, vector<16xi32>,
    tpu.vector_store %arg19[%swap3A_112], %add3A_111 {strides = array<i32>} : memref<256xi32, #tpu.memory_space<vmem>>, vector<16xi32>,
    %get3A_114 = arith.constant 160 : index
    %get3A_115 = tpu.vector_load %arg19[%get3A_114] {strides = array<i32>} : memref<256xi32, #tpu.memory_space<vmem>>, vector<16xi32>,
    %mul3A_116 = arith.constant 8192 : i32
    %mul3A_117 = arith.muli %add3A, %mul3A_116 : i32
    %add3A_118 = vector.broadcast %mul3A_117 : i32 to vector<16xi32>
    %add3A_119 = arith.addi %get3A_115, %add3A_118 : vector<16xi32>
    %swap3A_120 = arith.constant 160 : index
    %swap3A_121 = tpu.vector_load %arg19[%swap3A_120] {strides = array<i32>} : memref<256xi32, #tpu.memory_space<vmem>>, vector<16xi32>,
    tpu.vector_store %arg19[%swap3A_120], %add3A_119 {strides = array<i32>} : memref<256xi32, #tpu.memory_space<vmem>>, vector<16xi32>,
    %get3A_122 = arith.constant 176 : index
    %get3A_123 = tpu.vector_load %arg19[%get3A_122] {strides = array<i32>} : memref<256xi32, #tpu.memory_space<vmem>>, vector<16xi32>,
    %mul3A_124 = arith.constant 8192 : i32
    %mul3A_125 = arith.muli %add3A, %mul3A_124 : i32
    %add3A_126 = vector.broadcast %mul3A_125 : i32 to vector<16xi32>
    %add3A_127 = arith.addi %get3A_123, %add3A_126 : vector<16xi32>
    %swap3A_128 = arith.constant 176 : index
    %swap3A_129 = tpu.vector_load %arg19[%swap3A_128] {strides = array<i32>} : memref<256xi32, #tpu.memory_space<vmem>>, vector<16xi32>,
    tpu.vector_store %arg19[%swap3A_128], %add3A_127 {strides = array<i32>} : memref<256xi32, #tpu.memory_space<vmem>>, vector<16xi32>,
    %get3A_130 = arith.constant 192 : index
    %get3A_131 = tpu.vector_load %arg19[%get3A_130] {strides = array<i32>} : memref<256xi32, #tpu.memory_space<vmem>>, vector<16xi32>,
    %mul3A_132 = arith.constant 8192 : i32
    %mul3A_133 = arith.muli %add3A, %mul3A_132 : i32
    %add3A_134 = vector.broadcast %mul3A_133 : i32 to vector<16xi32>
    %add3A_135 = arith.addi %get3A_131, %add3A_134 : vector<16xi32>
    %swap3A_136 = arith.constant 192 : index
    %swap3A_137 = tpu.vector_load %arg19[%swap3A_136] {strides = array<i32>} : memref<256xi32, #tpu.memory_space<vmem>>, vector<16xi32>,
    tpu.vector_store %arg19[%swap3A_136], %add3A_135 {strides = array<i32>} : memref<256xi32, #tpu.memory_space<vmem>>, vector<16xi32>,
    %get3A_138 = arith.constant 208 : index
    %get3A_139 = tpu.vector_load %arg19[%get3A_138] {strides = array<i32>} : memref<256xi32, #tpu.memory_space<vmem>>, vector<16xi32>,
    %mul3A_140 = arith.constant 8192 : i32
    %mul3A_141 = arith.muli %add3A, %mul3A_140 : i32
    %add3A_142 = vector.broadcast %mul3A_141 : i32 to vector<16xi32>
    %add3A_143 = arith.addi %get3A_139, %add3A_142 : vector<16xi32>
    %swap3A_144 = arith.constant 208 : index
    %swap3A_145 = tpu.vector_load %arg19[%swap3A_144] {strides = array<i32>} : memref<256xi32, #tpu.memory_space<vmem>>, vector<16xi32>,
    tpu.vector_store %arg19[%swap3A_144], %add3A_143 {strides = array<i32>} : memref<256xi32, #tpu.memory_space<vmem>>, vector<16xi32>,
    %get3A_146 = arith.constant 224 : index
    %get3A_147 = tpu.vector_load %arg19[%get3A_146] {strides = array<i32>} : memref<256xi32, #tpu.memory_space<vmem>>, vector<16xi32>,
    %mul3A_148 = arith.constant 8192 : i32
    %mul3A_149 = arith.muli %add3A, %mul3A_148 : i32
    %add3A_150 = vector.broadcast %mul3A_149 : i32 to vector<16xi32>
    %add3A_151 = arith.addi %get3A_147, %add3A_150 : vector<16xi32>
    %swap3A_152 = arith.constant 224 : index
    %swap3A_153 = tpu.vector_load %arg19[%swap3A_152] {strides = array<i32>} : memref<256xi32, #tpu.memory_space<vmem>>, vector<16xi32>,
    tpu.vector_store %arg19[%swap3A_152], %add3A_151 {strides = array<i32>} : memref<256xi32, #tpu.memory_space<vmem>>, vector<16xi32>,
    %get3A_154 = arith.constant 240 : index
    %get3A_155 = tpu.vector_load %arg19[%get3A_154] {strides = array<i32>} : memref<256xi32, #tpu.memory_space<vmem>>, vector<16xi32>,
    %mul3A_156 = arith.constant 8192 : i32
    %mul3A_157 = arith.muli %add3A, %mul3A_156 : i32
    %add3A_158 = vector.broadcast %mul3A_157 : i32 to vector<16xi32>
    %add3A_159 = arith.addi %get3A_155, %add3A_158 : vector<16xi32>
    %swap3A_160 = arith.constant 240 : index
    %swap3A_161 = tpu.vector_load %arg19[%swap3A_160] {strides = array<i32>} : memref<256xi32, #tpu.memory_space<vmem>>, vector<16xi32>,
    tpu.vector_store %arg19[%swap3A_160], %add3A_159 {strides = array<i32>} : memref<256xi32, #tpu.memory_space<vmem>>, vector<16xi32>,
    %mul3A_162 = arith.constant 2048 : i32
    %mul3A_163 = arith.muli %add3A, %mul3A_162 : i32
    %add3A_164 = arith.addi %mul3A_163, %mul3A_35 : i32
    %dma_start3A = arith.constant 0 : i32
    %dma_start3A_165 = tpu.memref_slice %arg19[%dma_start3A] : memref<256xi32, #tpu.memory_space<vmem>> -> memref<32xi32, #tpu.memory_space<vmem>>
    %dma_start3A_166 = arith.constant 0 : i32
    %dma_start3A_167 = arith.constant 0 : i32
    %dma_start3A_168 = tpu.memref_slice %arg5[%dma_start3A_166, %dma_start3A_167] : memref<32768x1024xf32, #tpu.memory_space<hbm>> -> memref<32768x1024xf32, #tpu.memory_space<hbm>>
    tpu.enqueue_indirect_dma source(%dma_start3A_168 : memref<32768x1024xf32, #tpu.memory_space<hbm>>) target(%arg20 : memref<32x1024xf32, #tpu.memory_space<vmem>>) offsets(%dma_start3A_165 : memref<32xi32, #tpu.memory_space<vmem>>) semaphore(%arg22 : memref<!tpu.dma_semaphore, #tpu.memory_space<semaphore_mem>>)
    %dma_wait3A = arith.constant 0 : i32
    %dma_wait3A_169 = tpu.memref_slice %arg19[%dma_wait3A] : memref<256xi32, #tpu.memory_space<vmem>> -> memref<32xi32, #tpu.memory_space<vmem>>
    %dma_wait3A_170 = arith.constant 0 : i32
    %dma_wait3A_171 = arith.constant 0 : i32
    %dma_wait3A_172 = tpu.memref_slice %arg5[%dma_wait3A_170, %dma_wait3A_171] : memref<32768x1024xf32, #tpu.memory_space<hbm>> -> memref<32768x1024xf32, #tpu.memory_space<hbm>>
    tpu.wait_indirect_dma semaphore(%arg22 : memref<!tpu.dma_semaphore, #tpu.memory_space<semaphore_mem>>) src(%dma_wait3A_172 : memref<32768x1024xf32, #tpu.memory_space<hbm>>) dst(%arg20 : memref<32x1024xf32, #tpu.memory_space<vmem>>)
    %dma_start3A_173 = arith.constant 32 : i32
    %dma_start3A_174 = tpu.memref_slice %arg19[%dma_start3A_173] : memref<256xi32, #tpu.memory_space<vmem>> -> memref<32xi32, #tpu.memory_space<vmem>>
    %dma_start3A_175 = arith.constant 0 : i32
    %dma_start3A_176 = arith.constant 0 : i32
    %dma_start3A_177 = tpu.memref_slice %arg5[%dma_start3A_175, %dma_start3A_176] : memref<32768x1024xf32, #tpu.memory_space<hbm>> -> memref<32768x1024xf32, #tpu.memory_space<hbm>>
    tpu.enqueue_indirect_dma source(%dma_start3A_177 : memref<32768x1024xf32, #tpu.memory_space<hbm>>) target(%arg21 : memref<32x1024xf32, #tpu.memory_space<vmem>>) offsets(%dma_start3A_174 : memref<32xi32, #tpu.memory_space<vmem>>) semaphore(%arg22 : memref<!tpu.dma_semaphore, #tpu.memory_space<semaphore_mem>>)
    %add3A_178 = arith.constant 0 : i32
    %add3A_179 = arith.addi %add3A_164, %add3A_178 : i32
    %dma_start3A_180 = arith.constant 0 : i32
    %dma_start3A_181 = tpu.memref_slice %arg9[%add3A_179, %dma_start3A_180] : memref<8192x1024xf32, #tpu.memory_space<hbm>> -> memref<32x1024xf32, #tpu.memory_space<hbm>>
    %dma_start3A_182 = arith.constant 0 : i32
    %dma_start3A_183 = tpu.memref_slice %arg9[%add3A_179, %dma_start3A_182] : memref<8192x1024xf32, #tpu.memory_space<hbm>> -> memref<32x1024xf32, #tpu.memory_space<hbm>>
    tpu.enqueue_dma source(%arg20 : memref<32x1024xf32, #tpu.memory_space<vmem>>) target(%dma_start3A_183 : memref<32x1024xf32, #tpu.memory_space<hbm>>) target_semaphore(%arg23 : memref<!tpu.dma_semaphore, #tpu.memory_space<semaphore_mem>>)
    %dma_wait3A_184 = arith.constant 32 : i32
    %dma_wait3A_185 = tpu.memref_slice %arg19[%dma_wait3A_184] : memref<256xi32, #tpu.memory_space<vmem>> -> memref<32xi32, #tpu.memory_space<vmem>>
    %dma_wait3A_186 = arith.constant 0 : i32
    %dma_wait3A_187 = arith.constant 0 : i32
    %dma_wait3A_188 = tpu.memref_slice %arg5[%dma_wait3A_186, %dma_wait3A_187] : memref<32768x1024xf32, #tpu.memory_space<hbm>> -> memref<32768x1024xf32, #tpu.memory_space<hbm>>
    tpu.wait_indirect_dma semaphore(%arg22 : memref<!tpu.dma_semaphore, #tpu.memory_space<semaphore_mem>>) src(%dma_wait3A_188 : memref<32768x1024xf32, #tpu.memory_space<hbm>>) dst(%arg21 : memref<32x1024xf32, #tpu.memory_space<vmem>>)
    %dma_start3A_189 = arith.constant 64 : i32
    %dma_start3A_190 = tpu.memref_slice %arg19[%dma_start3A_189] : memref<256xi32, #tpu.memory_space<vmem>> -> memref<32xi32, #tpu.memory_space<vmem>>
    %dma_start3A_191 = arith.constant 0 : i32
    %dma_start3A_192 = arith.constant 0 : i32
    %dma_start3A_193 = tpu.memref_slice %arg5[%dma_start3A_191, %dma_start3A_192] : memref<32768x1024xf32, #tpu.memory_space<hbm>> -> memref<32768x1024xf32, #tpu.memory_space<hbm>>
    tpu.enqueue_indirect_dma source(%dma_start3A_193 : memref<32768x1024xf32, #tpu.memory_space<hbm>>) target(%arg20 : memref<32x1024xf32, #tpu.memory_space<vmem>>) offsets(%dma_start3A_190 : memref<32xi32, #tpu.memory_space<vmem>>) semaphore(%arg22 : memref<!tpu.dma_semaphore, #tpu.memory_space<semaphore_mem>>)
    %add3A_194 = arith.constant 32 : i32
    %add3A_195 = arith.addi %add3A_164, %add3A_194 : i32
    %dma_start3A_196 = arith.constant 0 : i32
    %dma_start3A_197 = tpu.memref_slice %arg9[%add3A_195, %dma_start3A_196] : memref<8192x1024xf32, #tpu.memory_space<hbm>> -> memref<32x1024xf32, #tpu.memory_space<hbm>>
    %dma_start3A_198 = arith.constant 0 : i32
    %dma_start3A_199 = tpu.memref_slice %arg9[%add3A_195, %dma_start3A_198] : memref<8192x1024xf32, #tpu.memory_space<hbm>> -> memref<32x1024xf32, #tpu.memory_space<hbm>>
    tpu.enqueue_dma source(%arg21 : memref<32x1024xf32, #tpu.memory_space<vmem>>) target(%dma_start3A_199 : memref<32x1024xf32, #tpu.memory_space<hbm>>) target_semaphore(%arg23 : memref<!tpu.dma_semaphore, #tpu.memory_space<semaphore_mem>>)
    %dma_wait3A_200 = arith.constant 64 : i32
    %dma_wait3A_201 = tpu.memref_slice %arg19[%dma_wait3A_200] : memref<256xi32, #tpu.memory_space<vmem>> -> memref<32xi32, #tpu.memory_space<vmem>>
    %dma_wait3A_202 = arith.constant 0 : i32
    %dma_wait3A_203 = arith.constant 0 : i32
    %dma_wait3A_204 = tpu.memref_slice %arg5[%dma_wait3A_202, %dma_wait3A_203] : memref<32768x1024xf32, #tpu.memory_space<hbm>> -> memref<32768x1024xf32, #tpu.memory_space<hbm>>
    tpu.wait_indirect_dma semaphore(%arg22 : memref<!tpu.dma_semaphore, #tpu.memory_space<semaphore_mem>>) src(%dma_wait3A_204 : memref<32768x1024xf32, #tpu.memory_space<hbm>>) dst(%arg20 : memref<32x1024xf32, #tpu.memory_space<vmem>>)
    %dma_wait3A_205 = arith.constant 0 : i32
    %dma_wait3A_206 = tpu.memref_slice %arg9[%add3A_179, %dma_wait3A_205] : memref<8192x1024xf32, #tpu.memory_space<hbm>> -> memref<32x1024xf32, #tpu.memory_space<hbm>>
    %dma_wait3A_207 = arith.constant 0 : i32
    %dma_wait3A_208 = tpu.memref_slice %arg9[%add3A_179, %dma_wait3A_207] : memref<8192x1024xf32, #tpu.memory_space<hbm>> -> memref<32x1024xf32, #tpu.memory_space<hbm>>
    tpu.wait_dma2 semaphore(%arg23 : memref<!tpu.dma_semaphore, #tpu.memory_space<semaphore_mem>>) src(%arg20 : memref<32x1024xf32, #tpu.memory_space<vmem>>) dst(%dma_wait3A_208 : memref<32x1024xf32, #tpu.memory_space<hbm>>)
    %dma_start3A_209 = arith.constant 96 : i32
    %dma_start3A_210 = tpu.memref_slice %arg19[%dma_start3A_209] : memref<256xi32, #tpu.memory_space<vmem>> -> memref<32xi32, #tpu.memory_space<vmem>>
    %dma_start3A_211 = arith.constant 0 : i32
    %dma_start3A_212 = arith.constant 0 : i32
    %dma_start3A_213 = tpu.memref_slice %arg5[%dma_start3A_211, %dma_start3A_212] : memref<32768x1024xf32, #tpu.memory_space<hbm>> -> memref<32768x1024xf32, #tpu.memory_space<hbm>>
    tpu.enqueue_indirect_dma source(%dma_start3A_213 : memref<32768x1024xf32, #tpu.memory_space<hbm>>) target(%arg21 : memref<32x1024xf32, #tpu.memory_space<vmem>>) offsets(%dma_start3A_210 : memref<32xi32, #tpu.memory_space<vmem>>) semaphore(%arg22 : memref<!tpu.dma_semaphore, #tpu.memory_space<semaphore_mem>>)
    %add3A_214 = arith.constant 64 : i32
    %add3A_215 = arith.addi %add3A_164, %add3A_214 : i32
    %dma_start3A_216 = arith.constant 0 : i32
    %dma_start3A_217 = tpu.memref_slice %arg9[%add3A_215, %dma_start3A_216] : memref<8192x1024xf32, #tpu.memory_space<hbm>> -> memref<32x1024xf32, #tpu.memory_space<hbm>>
    %dma_start3A_218 = arith.constant 0 : i32
    %dma_start3A_219 = tpu.memref_slice %arg9[%add3A_215, %dma_start3A_218] : memref<8192x1024xf32, #tpu.memory_space<hbm>> -> memref<32x1024xf32, #tpu.memory_space<hbm>>
    tpu.enqueue_dma source(%arg20 : memref<32x1024xf32, #tpu.memory_space<vmem>>) target(%dma_start3A_219 : memref<32x1024xf32, #tpu.memory_space<hbm>>) target_semaphore(%arg23 : memref<!tpu.dma_semaphore, #tpu.memory_space<semaphore_mem>>)
    %dma_wait3A_220 = arith.constant 96 : i32
    %dma_wait3A_221 = tpu.memref_slice %arg19[%dma_wait3A_220] : memref<256xi32, #tpu.memory_space<vmem>> -> memref<32xi32, #tpu.memory_space<vmem>>
    %dma_wait3A_222 = arith.constant 0 : i32
    %dma_wait3A_223 = arith.constant 0 : i32
    %dma_wait3A_224 = tpu.memref_slice %arg5[%dma_wait3A_222, %dma_wait3A_223] : memref<32768x1024xf32, #tpu.memory_space<hbm>> -> memref<32768x1024xf32, #tpu.memory_space<hbm>>
    tpu.wait_indirect_dma semaphore(%arg22 : memref<!tpu.dma_semaphore, #tpu.memory_space<semaphore_mem>>) src(%dma_wait3A_224 : memref<32768x1024xf32, #tpu.memory_space<hbm>>) dst(%arg21 : memref<32x1024xf32, #tpu.memory_space<vmem>>)
    %dma_wait3A_225 = arith.constant 0 : i32
    %dma_wait3A_226 = tpu.memref_slice %arg9[%add3A_195, %dma_wait3A_225] : memref<8192x1024xf32, #tpu.memory_space<hbm>> -> memref<32x1024xf32, #tpu.memory_space<hbm>>
    %dma_wait3A_227 = arith.constant 0 : i32
    %dma_wait3A_228 = tpu.memref_slice %arg9[%add3A_195, %dma_wait3A_227] : memref<8192x1024xf32, #tpu.memory_space<hbm>> -> memref<32x1024xf32, #tpu.memory_space<hbm>>
    tpu.wait_dma2 semaphore(%arg23 : memref<!tpu.dma_semaphore, #tpu.memory_space<semaphore_mem>>) src(%arg21 : memref<32x1024xf32, #tpu.memory_space<vmem>>) dst(%dma_wait3A_228 : memref<32x1024xf32, #tpu.memory_space<hbm>>)
    %dma_start3A_229 = arith.constant 128 : i32
    %dma_start3A_230 = tpu.memref_slice %arg19[%dma_start3A_229] : memref<256xi32, #tpu.memory_space<vmem>> -> memref<32xi32, #tpu.memory_space<vmem>>
    %dma_start3A_231 = arith.constant 0 : i32
    %dma_start3A_232 = arith.constant 0 : i32
    %dma_start3A_233 = tpu.memref_slice %arg5[%dma_start3A_231, %dma_start3A_232] : memref<32768x1024xf32, #tpu.memory_space<hbm>> -> memref<32768x1024xf32, #tpu.memory_space<hbm>>
    tpu.enqueue_indirect_dma source(%dma_start3A_233 : memref<32768x1024xf32, #tpu.memory_space<hbm>>) target(%arg20 : memref<32x1024xf32, #tpu.memory_space<vmem>>) offsets(%dma_start3A_230 : memref<32xi32, #tpu.memory_space<vmem>>) semaphore(%arg22 : memref<!tpu.dma_semaphore, #tpu.memory_space<semaphore_mem>>)
    %add3A_234 = arith.constant 96 : i32
    %add3A_235 = arith.addi %add3A_164, %add3A_234 : i32
    %dma_start3A_236 = arith.constant 0 : i32
    %dma_start3A_237 = tpu.memref_slice %arg9[%add3A_235, %dma_start3A_236] : memref<8192x1024xf32, #tpu.memory_space<hbm>> -> memref<32x1024xf32, #tpu.memory_space<hbm>>
    %dma_start3A_238 = arith.constant 0 : i32
    %dma_start3A_239 = tpu.memref_slice %arg9[%add3A_235, %dma_start3A_238] : memref<8192x1024xf32, #tpu.memory_space<hbm>> -> memref<32x1024xf32, #tpu.memory_space<hbm>>
    tpu.enqueue_dma source(%arg21 : memref<32x1024xf32, #tpu.memory_space<vmem>>) target(%dma_start3A_239 : memref<32x1024xf32, #tpu.memory_space<hbm>>) target_semaphore(%arg23 : memref<!tpu.dma_semaphore, #tpu.memory_space<semaphore_mem>>)
    %dma_wait3A_240 = arith.constant 128 : i32
    %dma_wait3A_241 = tpu.memref_slice %arg19[%dma_wait3A_240] : memref<256xi32, #tpu.memory_space<vmem>> -> memref<32xi32, #tpu.memory_space<vmem>>
    %dma_wait3A_242 = arith.constant 0 : i32
    %dma_wait3A_243 = arith.constant 0 : i32
    %dma_wait3A_244 = tpu.memref_slice %arg5[%dma_wait3A_242, %dma_wait3A_243] : memref<32768x1024xf32, #tpu.memory_space<hbm>> -> memref<32768x1024xf32, #tpu.memory_space<hbm>>
    tpu.wait_indirect_dma semaphore(%arg22 : memref<!tpu.dma_semaphore, #tpu.memory_space<semaphore_mem>>) src(%dma_wait3A_244 : memref<32768x1024xf32, #tpu.memory_space<hbm>>) dst(%arg20 : memref<32x1024xf32, #tpu.memory_space<vmem>>)
    %dma_wait3A_245 = arith.constant 0 : i32
    %dma_wait3A_246 = tpu.memref_slice %arg9[%add3A_215, %dma_wait3A_245] : memref<8192x1024xf32, #tpu.memory_space<hbm>> -> memref<32x1024xf32, #tpu.memory_space<hbm>>
    %dma_wait3A_247 = arith.constant 0 : i32
    %dma_wait3A_248 = tpu.memref_slice %arg9[%add3A_215, %dma_wait3A_247] : memref<8192x1024xf32, #tpu.memory_space<hbm>> -> memref<32x1024xf32, #tpu.memory_space<hbm>>
    tpu.wait_dma2 semaphore(%arg23 : memref<!tpu.dma_semaphore, #tpu.memory_space<semaphore_mem>>) src(%arg20 : memref<32x1024xf32, #tpu.memory_space<vmem>>) dst(%dma_wait3A_248 : memref<32x1024xf32, #tpu.memory_space<hbm>>)
    %dma_start3A_249 = arith.constant 160 : i32
    %dma_start3A_250 = tpu.memref_slice %arg19[%dma_start3A_249] : memref<256xi32, #tpu.memory_space<vmem>> -> memref<32xi32, #tpu.memory_space<vmem>>
    %dma_start3A_251 = arith.constant 0 : i32
    %dma_start3A_252 = arith.constant 0 : i32
    %dma_start3A_253 = tpu.memref_slice %arg5[%dma_start3A_251, %dma_start3A_252] : memref<32768x1024xf32, #tpu.memory_space<hbm>> -> memref<32768x1024xf32, #tpu.memory_space<hbm>>
    tpu.enqueue_indirect_dma source(%dma_start3A_253 : memref<32768x1024xf32, #tpu.memory_space<hbm>>) target(%arg21 : memref<32x1024xf32, #tpu.memory_space<vmem>>) offsets(%dma_start3A_250 : memref<32xi32, #tpu.memory_space<vmem>>) semaphore(%arg22 : memref<!tpu.dma_semaphore, #tpu.memory_space<semaphore_mem>>)
    %add3A_254 = arith.constant 128 : i32
    %add3A_255 = arith.addi %add3A_164, %add3A_254 : i32
    %dma_start3A_256 = arith.constant 0 : i32
    %dma_start3A_257 = tpu.memref_slice %arg9[%add3A_255, %dma_start3A_256] : memref<8192x1024xf32, #tpu.memory_space<hbm>> -> memref<32x1024xf32, #tpu.memory_space<hbm>>
    %dma_start3A_258 = arith.constant 0 : i32
    %dma_start3A_259 = tpu.memref_slice %arg9[%add3A_255, %dma_start3A_258] : memref<8192x1024xf32, #tpu.memory_space<hbm>> -> memref<32x1024xf32, #tpu.memory_space<hbm>>
    tpu.enqueue_dma source(%arg20 : memref<32x1024xf32, #tpu.memory_space<vmem>>) target(%dma_start3A_259 : memref<32x1024xf32, #tpu.memory_space<hbm>>) target_semaphore(%arg23 : memref<!tpu.dma_semaphore, #tpu.memory_space<semaphore_mem>>)
    %dma_wait3A_260 = arith.constant 160 : i32
    %dma_wait3A_261 = tpu.memref_slice %arg19[%dma_wait3A_260] : memref<256xi32, #tpu.memory_space<vmem>> -> memref<32xi32, #tpu.memory_space<vmem>>
    %dma_wait3A_262 = arith.constant 0 : i32
    %dma_wait3A_263 = arith.constant 0 : i32
    %dma_wait3A_264 = tpu.memref_slice %arg5[%dma_wait3A_262, %dma_wait3A_263] : memref<32768x1024xf32, #tpu.memory_space<hbm>> -> memref<32768x1024xf32, #tpu.memory_space<hbm>>
    tpu.wait_indirect_dma semaphore(%arg22 : memref<!tpu.dma_semaphore, #tpu.memory_space<semaphore_mem>>) src(%dma_wait3A_264 : memref<32768x1024xf32, #tpu.memory_space<hbm>>) dst(%arg21 : memref<32x1024xf32, #tpu.memory_space<vmem>>)
    %dma_wait3A_265 = arith.constant 0 : i32
    %dma_wait3A_266 = tpu.memref_slice %arg9[%add3A_235, %dma_wait3A_265] : memref<8192x1024xf32, #tpu.memory_space<hbm>> -> memref<32x1024xf32, #tpu.memory_space<hbm>>
    %dma_wait3A_267 = arith.constant 0 : i32
    %dma_wait3A_268 = tpu.memref_slice %arg9[%add3A_235, %dma_wait3A_267] : memref<8192x1024xf32, #tpu.memory_space<hbm>> -> memref<32x1024xf32, #tpu.memory_space<hbm>>
    tpu.wait_dma2 semaphore(%arg23 : memref<!tpu.dma_semaphore, #tpu.memory_space<semaphore_mem>>) src(%arg21 : memref<32x1024xf32, #tpu.memory_space<vmem>>) dst(%dma_wait3A_268 : memref<32x1024xf32, #tpu.memory_space<hbm>>)
    %dma_start3A_269 = arith.constant 192 : i32
    %dma_start3A_270 = tpu.memref_slice %arg19[%dma_start3A_269] : memref<256xi32, #tpu.memory_space<vmem>> -> memref<32xi32, #tpu.memory_space<vmem>>
    %dma_start3A_271 = arith.constant 0 : i32
    %dma_start3A_272 = arith.constant 0 : i32
    %dma_start3A_273 = tpu.memref_slice %arg5[%dma_start3A_271, %dma_start3A_272] : memref<32768x1024xf32, #tpu.memory_space<hbm>> -> memref<32768x1024xf32, #tpu.memory_space<hbm>>
    tpu.enqueue_indirect_dma source(%dma_start3A_273 : memref<32768x1024xf32, #tpu.memory_space<hbm>>) target(%arg20 : memref<32x1024xf32, #tpu.memory_space<vmem>>) offsets(%dma_start3A_270 : memref<32xi32, #tpu.memory_space<vmem>>) semaphore(%arg22 : memref<!tpu.dma_semaphore, #tpu.memory_space<semaphore_mem>>)
    %add3A_274 = arith.constant 160 : i32
    %add3A_275 = arith.addi %add3A_164, %add3A_274 : i32
    %dma_start3A_276 = arith.constant 0 : i32
    %dma_start3A_277 = tpu.memref_slice %arg9[%add3A_275, %dma_start3A_276] : memref<8192x1024xf32, #tpu.memory_space<hbm>> -> memref<32x1024xf32, #tpu.memory_space<hbm>>
    %dma_start3A_278 = arith.constant 0 : i32
    %dma_start3A_279 = tpu.memref_slice %arg9[%add3A_275, %dma_start3A_278] : memref<8192x1024xf32, #tpu.memory_space<hbm>> -> memref<32x1024xf32, #tpu.memory_space<hbm>>
    tpu.enqueue_dma source(%arg21 : memref<32x1024xf32, #tpu.memory_space<vmem>>) target(%dma_start3A_279 : memref<32x1024xf32, #tpu.memory_space<hbm>>) target_semaphore(%arg23 : memref<!tpu.dma_semaphore, #tpu.memory_space<semaphore_mem>>)
    %dma_wait3A_280 = arith.constant 192 : i32
    %dma_wait3A_281 = tpu.memref_slice %arg19[%dma_wait3A_280] : memref<256xi32, #tpu.memory_space<vmem>> -> memref<32xi32, #tpu.memory_space<vmem>>
    %dma_wait3A_282 = arith.constant 0 : i32
    %dma_wait3A_283 = arith.constant 0 : i32
    %dma_wait3A_284 = tpu.memref_slice %arg5[%dma_wait3A_282, %dma_wait3A_283] : memref<32768x1024xf32, #tpu.memory_space<hbm>> -> memref<32768x1024xf32, #tpu.memory_space<hbm>>
    tpu.wait_indirect_dma semaphore(%arg22 : memref<!tpu.dma_semaphore, #tpu.memory_space<semaphore_mem>>) src(%dma_wait3A_284 : memref<32768x1024xf32, #tpu.memory_space<hbm>>) dst(%arg20 : memref<32x1024xf32, #tpu.memory_space<vmem>>)
    %dma_wait3A_285 = arith.constant 0 : i32
    %dma_wait3A_286 = tpu.memref_slice %arg9[%add3A_255, %dma_wait3A_285] : memref<8192x1024xf32, #tpu.memory_space<hbm>> -> memref<32x1024xf32, #tpu.memory_space<hbm>>
    %dma_wait3A_287 = arith.constant 0 : i32
    %dma_wait3A_288 = tpu.memref_slice %arg9[%add3A_255, %dma_wait3A_287] : memref<8192x1024xf32, #tpu.memory_space<hbm>> -> memref<32x1024xf32, #tpu.memory_space<hbm>>
    tpu.wait_dma2 semaphore(%arg23 : memref<!tpu.dma_semaphore, #tpu.memory_space<semaphore_mem>>) src(%arg20 : memref<32x1024xf32, #tpu.memory_space<vmem>>) dst(%dma_wait3A_288 : memref<32x1024xf32, #tpu.memory_space<hbm>>)
    %dma_start3A_289 = arith.constant 224 : i32
    %dma_start3A_290 = tpu.memref_slice %arg19[%dma_start3A_289] : memref<256xi32, #tpu.memory_space<vmem>> -> memref<32xi32, #tpu.memory_space<vmem>>
    %dma_start3A_291 = arith.constant 0 : i32
    %dma_start3A_292 = arith.constant 0 : i32
    %dma_start3A_293 = tpu.memref_slice %arg5[%dma_start3A_291, %dma_start3A_292] : memref<32768x1024xf32, #tpu.memory_space<hbm>> -> memref<32768x1024xf32, #tpu.memory_space<hbm>>
    tpu.enqueue_indirect_dma source(%dma_start3A_293 : memref<32768x1024xf32, #tpu.memory_space<hbm>>) target(%arg21 : memref<32x1024xf32, #tpu.memory_space<vmem>>) offsets(%dma_start3A_290 : memref<32xi32, #tpu.memory_space<vmem>>) semaphore(%arg22 : memref<!tpu.dma_semaphore, #tpu.memory_space<semaphore_mem>>)
    %add3A_294 = arith.constant 192 : i32
    %add3A_295 = arith.addi %add3A_164, %add3A_294 : i32
    %dma_start3A_296 = arith.constant 0 : i32
    %dma_start3A_297 = tpu.memref_slice %arg9[%add3A_295, %dma_start3A_296] : memref<8192x1024xf32, #tpu.memory_space<hbm>> -> memref<32x1024xf32, #tpu.memory_space<hbm>>
    %dma_start3A_298 = arith.constant 0 : i32
    %dma_start3A_299 = tpu.memref_slice %arg9[%add3A_295, %dma_start3A_298] : memref<8192x1024xf32, #tpu.memory_space<hbm>> -> memref<32x1024xf32, #tpu.memory_space<hbm>>
    tpu.enqueue_dma source(%arg20 : memref<32x1024xf32, #tpu.memory_space<vmem>>) target(%dma_start3A_299 : memref<32x1024xf32, #tpu.memory_space<hbm>>) target_semaphore(%arg23 : memref<!tpu.dma_semaphore, #tpu.memory_space<semaphore_mem>>)
    %dma_wait3A_300 = arith.constant 224 : i32
    %dma_wait3A_301 = tpu.memref_slice %arg19[%dma_wait3A_300] : memref<256xi32, #tpu.memory_space<vmem>> -> memref<32xi32, #tpu.memory_space<vmem>>
    %dma_wait3A_302 = arith.constant 0 : i32
    %dma_wait3A_303 = arith.constant 0 : i32
    %dma_wait3A_304 = tpu.memref_slice %arg5[%dma_wait3A_302, %dma_wait3A_303] : memref<32768x1024xf32, #tpu.memory_space<hbm>> -> memref<32768x1024xf32, #tpu.memory_space<hbm>>
    tpu.wait_indirect_dma semaphore(%arg22 : memref<!tpu.dma_semaphore, #tpu.memory_space<semaphore_mem>>) src(%dma_wait3A_304 : memref<32768x1024xf32, #tpu.memory_space<hbm>>) dst(%arg21 : memref<32x1024xf32, #tpu.memory_space<vmem>>)
    %dma_wait3A_305 = arith.constant 0 : i32
    %dma_wait3A_306 = tpu.memref_slice %arg9[%add3A_275, %dma_wait3A_305] : memref<8192x1024xf32, #tpu.memory_space<hbm>> -> memref<32x1024xf32, #tpu.memory_space<hbm>>
    %dma_wait3A_307 = arith.constant 0 : i32
    %dma_wait3A_308 = tpu.memref_slice %arg9[%add3A_275, %dma_wait3A_307] : memref<8192x1024xf32, #tpu.memory_space<hbm>> -> memref<32x1024xf32, #tpu.memory_space<hbm>>
    tpu.wait_dma2 semaphore(%arg23 : memref<!tpu.dma_semaphore, #tpu.memory_space<semaphore_mem>>) src(%arg21 : memref<32x1024xf32, #tpu.memory_space<vmem>>) dst(%dma_wait3A_308 : memref<32x1024xf32, #tpu.memory_space<hbm>>)
    %add3A_309 = arith.constant 224 : i32
    %add3A_310 = arith.addi %add3A_164, %add3A_309 : i32
    %dma_start3A_311 = arith.constant 0 : i32
    %dma_start3A_312 = tpu.memref_slice %arg9[%add3A_310, %dma_start3A_311] : memref<8192x1024xf32, #tpu.memory_space<hbm>> -> memref<32x1024xf32, #tpu.memory_space<hbm>>
    %dma_start3A_313 = arith.constant 0 : i32
    %dma_start3A_314 = tpu.memref_slice %arg9[%add3A_310, %dma_start3A_313] : memref<8192x1024xf32, #tpu.memory_space<hbm>> -> memref<32x1024xf32, #tpu.memory_space<hbm>>
    tpu.enqueue_dma source(%arg21 : memref<32x1024xf32, #tpu.memory_space<vmem>>) target(%dma_start3A_314 : memref<32x1024xf32, #tpu.memory_space<hbm>>) target_semaphore(%arg23 : memref<!tpu.dma_semaphore, #tpu.memory_space<semaphore_mem>>)
    %dma_wait3A_315 = arith.constant 0 : i32
    %dma_wait3A_316 = tpu.memref_slice %arg9[%add3A_295, %dma_wait3A_315] : memref<8192x1024xf32, #tpu.memory_space<hbm>> -> memref<32x1024xf32, #tpu.memory_space<hbm>>
    %dma_wait3A_317 = arith.constant 0 : i32
    %dma_wait3A_318 = tpu.memref_slice %arg9[%add3A_295, %dma_wait3A_317] : memref<8192x1024xf32, #tpu.memory_space<hbm>> -> memref<32x1024xf32, #tpu.memory_space<hbm>>
    tpu.wait_dma2 semaphore(%arg23 : memref<!tpu.dma_semaphore, #tpu.memory_space<semaphore_mem>>) src(%arg20 : memref<32x1024xf32, #tpu.memory_space<vmem>>) dst(%dma_wait3A_318 : memref<32x1024xf32, #tpu.memory_space<hbm>>)
    %dma_wait3A_319 = arith.constant 0 : i32
    %dma_wait3A_320 = tpu.memref_slice %arg9[%add3A_310, %dma_wait3A_319] : memref<8192x1024xf32, #tpu.memory_space<hbm>> -> memref<32x1024xf32, #tpu.memory_space<hbm>>
    %dma_wait3A_321 = arith.constant 0 : i32
    %dma_wait3A_322 = tpu.memref_slice %arg9[%add3A_310, %dma_wait3A_321] : memref<8192x1024xf32, #tpu.memory_space<hbm>> -> memref<32x1024xf32, #tpu.memory_space<hbm>>
    tpu.wait_dma2 semaphore(%arg23 : memref<!tpu.dma_semaphore, #tpu.memory_space<semaphore_mem>>) src(%arg21 : memref<32x1024xf32, #tpu.memory_space<vmem>>) dst(%dma_wait3A_322 : memref<32x1024xf32, #tpu.memory_space<hbm>>)
    return
  }
}

module attributes {stable_mosaic.version = 14 : i64} {
  func.func @_score_body(%arg0: i32, %arg1: i32, %arg2: memref<1x2048x1024xf32, #tpu.memory_space<vmem>>, %arg3: memref<1x1024xf32, #tpu.memory_space<vmem>>, %arg4: memref<4x2048xf32, #tpu.memory_space<vmem>>, %arg5: memref<1x1xf32, #tpu.memory_space<smem>>, %arg6: memref<4x2048xf32, #tpu.memory_space<vmem>>, %arg7: memref<4x2048xi32, #tpu.memory_space<vmem>>) attributes {dimension_semantics = [#tpu.dimension_semantics<arbitrary>, #tpu.dimension_semantics<arbitrary>], iteration_bounds = array<i64: 4, 4>, scalar_prefetch = 0 : i64, scratch_operands = 0 : i64, tpu.core_type = #tpu.core_type<tc>, window_params = [{transform_indices = @transform_0, window_bounds = array<i64: 1, 2048, 1024>}, {pipeline_mode = #tpu.pipeline_mode<synchronous>, transform_indices = @transform_1, window_bounds = array<i64: 1, 1024>}, {transform_indices = @transform_2, window_bounds = array<i64: 4, 2048>}, {transform_indices = @transform_3, window_bounds = array<i64: 1, 1>}, {transform_indices = @transform_4, window_bounds = array<i64: 4, 2048>}, {transform_indices = @transform_5, window_bounds = array<i64: 4, 2048>}]} {
    %get3A = arith.constant 0 : index
    %get3A_0 = arith.constant 0 : index
    %get3A_1 = vector.load %arg3[%get3A, %get3A_0] : memref<1x1024xf32, #tpu.memory_space<vmem>>, vector<1x1024xf32>
    %get3A_2 = arith.constant 0 : index
    %get3A_3 = arith.constant 0 : index
    %get3A_4 = arith.constant 0 : index
    %get3A_5 = vector.load %arg2[%get3A_2, %get3A_3, %get3A_4] : memref<1x2048x1024xf32, #tpu.memory_space<vmem>>, vector<1x2048x1024xf32>
    %get3A_6 = vector.shape_cast %get3A_5 : vector<1x2048x1024xf32> to vector<2048x1024xf32>
    %dot_general3A = arith.constant dense<0.000000e+00> : vector<1x2048xf32>
    %dot_general3A_7 = tpu.matmul %get3A_1, %get3A_6, %dot_general3A {dimension_numbers = #tpu.dot_dimension_numbers<[1], [1], [0], [0], [0, 0, 1, 0], [], []>, transpose_lhs_hint = false} : vector<1x1024xf32>, vector<2048x1024xf32>, vector<1x2048xf32> -> vector<1x2048xf32>
    %get3A_8 = arith.constant 0 : index
    %get3A_9 = arith.constant 0 : index
    %get3A_10 = memref.load %arg5[%get3A_8, %get3A_9] : memref<1x1xf32, #tpu.memory_space<smem>>
    %add3A = vector.broadcast %get3A_10 : f32 to vector<1x2048xf32>
    %add3A_11 = arith.addf %dot_general3A_7, %add3A : vector<1x2048xf32>
    %get3A_12 = arith.index_cast %arg1 : i32 to index
    %get3A_13 = arith.constant 0 : index
    %get3A_14 = vector.load %arg4[%get3A_12, %get3A_13] : memref<4x2048xf32, #tpu.memory_space<vmem>>, vector<1x2048xf32>
    %ne3A = arith.constant 0.000000e+00 : f32
    %ne3A_15 = vector.broadcast %ne3A : f32 to vector<1x2048xf32>
    %ne3A_16 = arith.cmpf one, %get3A_14, %ne3A_15 : vector<1x2048xf32>
    %jit3A = arith.constant -1.000000e+20 : f32
    %broadcast_in_dim3A = vector.broadcast %jit3A : f32 to vector<1x2048xf32>
    %select_n3A = arith.select %ne3A_16, %add3A_11, %broadcast_in_dim3A : vector<1x2048xi1>, vector<1x2048xf32>
    %swap3A = arith.index_cast %arg1 : i32 to index
    %swap3A_17 = arith.constant 0 : index
    %swap3A_18 = vector.load %arg6[%swap3A, %swap3A_17] : memref<4x2048xf32, #tpu.memory_space<vmem>>, vector<1x2048xf32>
    tpu.vector_store %arg6[%swap3A, %swap3A_17], %select_n3A {strides = array<i32>} : memref<4x2048xf32, #tpu.memory_space<vmem>>, vector<1x2048xf32>,
    %bitcast_convert_type3A = tpu.bitcast %select_n3A : vector<1x2048xf32> -> vector<1x2048xi32>
    %lt3A = arith.constant 0 : i32
    %lt3A_19 = vector.broadcast %lt3A : i32 to vector<1x2048xi32>
    %lt3A_20 = arith.cmpi slt, %bitcast_convert_type3A, %lt3A_19 : vector<1x2048xi32>
    %not3A = arith.constant dense<-1> : vector<1x2048xi32>
    %not3A_21 = arith.xori %bitcast_convert_type3A, %not3A : vector<1x2048xi32>
    %xor3A = arith.constant -2147483648 : i32
    %xor3A_22 = vector.broadcast %xor3A : i32 to vector<1x2048xi32>
    %xor3A_23 = arith.xori %not3A_21, %xor3A_22 : vector<1x2048xi32>
    %select_n3A_24 = arith.select %lt3A_20, %xor3A_23, %bitcast_convert_type3A : vector<1x2048xi1>, vector<1x2048xi32>
    %swap3A_25 = arith.index_cast %arg1 : i32 to index
    %swap3A_26 = arith.constant 0 : index
    %swap3A_27 = vector.load %arg7[%swap3A_25, %swap3A_26] : memref<4x2048xi32, #tpu.memory_space<vmem>>, vector<1x2048xi32>
    tpu.vector_store %arg7[%swap3A_25, %swap3A_26], %select_n3A_24 {strides = array<i32>} : memref<4x2048xi32, #tpu.memory_space<vmem>>, vector<1x2048xi32>,
    return
  }
  func.func @transform_0(%arg0: i32, %arg1: i32) -> (i32, i32, i32) {
    %c0_i32 = arith.constant 0 : i32
    %c0_i32_0 = arith.constant 0 : i32
    return %arg1, %arg0, %c0_i32 : i32, i32, i32
  }
  func.func @transform_1(%arg0: i32, %arg1: i32) -> (i32, i32) {
    %c0_i32 = arith.constant 0 : i32
    %c0_i32_0 = arith.constant 0 : i32
    %c0_i32_1 = arith.constant 0 : i32
    return %c0_i32, %c0_i32_0 : i32, i32
  }
  func.func @transform_2(%arg0: i32, %arg1: i32) -> (i32, i32) {
    %c0_i32 = arith.constant 0 : i32
    %c0_i32_0 = arith.constant 0 : i32
    return %c0_i32, %arg0 : i32, i32
  }
  func.func @transform_3(%arg0: i32, %arg1: i32) -> (i32, i32) {
    %c0_i32 = arith.constant 0 : i32
    %c0_i32_0 = arith.constant 0 : i32
    %c0_i32_1 = arith.constant 0 : i32
    return %c0_i32, %c0_i32_0 : i32, i32
  }
  func.func @transform_4(%arg0: i32, %arg1: i32) -> (i32, i32) {
    %c0_i32 = arith.constant 0 : i32
    %c0_i32_0 = arith.constant 0 : i32
    return %c0_i32, %arg0 : i32, i32
  }
  func.func @transform_5(%arg0: i32, %arg1: i32) -> (i32, i32) {
    %c0_i32 = arith.constant 0 : i32
    %c0_i32_0 = arith.constant 0 : i32
    return %c0_i32, %arg0 : i32, i32
  }
}

</mosaic_0001>

<sc_bundles>
// kernel: kernel.4.cloned.1.call-start
scs
__scs_entry_jumppad:
0x0: {  	(pc) =	sbr.rel $0x88, $3  }
0x1: {  	(tag) =	ssettag $0x0;
	lr =	simm.s32 $0x1  }
0x2: {  	[smem:$0x3F9D] =	sst lr;
	_ =	strace $0xD0000000  }
0x3: {  	_ = 	snop  }
0x4: {  	_ = 	snop  }
0x5: {  	_ = 	snop  }
0x6: {  	_ = 	snop  }
0x7: {  	_ = 	snop  }
__scs_overlays_trampoline_lowered:
0x8: {  	[smem:$0x3FAC] =	sst s0  }
0x9: {  	[smem:$0x3FAD] =	sst s1  }
0xa: {  	[smem:$0x3FAE] =	sst s2  }
0xb: {  	[smem:$0x3FAF] =	sst s3  }
0xc: {  	[smem:$0x3FB0] =	sst s4  }
0xd: {  	[smem:$0x3FB1] =	sst s5  }
0xe: {  	[smem:$0x3FB2] =	sst s6  }
0xf: {  	[smem:$0x3FB3] =	sst s7  }
0x10: {  	[smem:$0x3FB4] =	sst s8  }
0x11: {  	[smem:$0x3FB5] =	sst s9;
	s0 =	simm.s32 @!p0 $0x0  }
0x12: {  	s1 =	sld [smem:$0x3F9B];
	s0 =	simm.s32 @p0 $0x1  }
0x13: {  	[smem:$0x3FB6] =	sst s0;
	s0 =	simm.s32 @!p1 $0x0  }
0x14: {  	s2 =	sld [smem:$0x3F9A];
	s0 =	simm.s32 @p1 $0x1  }
0x15: {  	[smem:$0x3FB7] =	sst s0;
	s0 =	simm.s32 @!p2 $0x0  }
0x16: {  	s3 =	sld [smem:$0x3FDB];
	s0 =	simm.s32 @p2 $0x1  }
0x17: {  	s4 =	simm.s32 $0x1BF5;
	[smem:$0x3FB9] =	sst s0  }
0x18: {  	s0 =	sld [smem:$0x3F9C];
	_ =	swait.ge [sflag:s4], $0x0  }
0x19: {  	s7 =	sld [smem:$0x3F9D]  }
0x1a: {  	s8 =	sadd.s32 $0xFFFFE003, lr  }
0x1b: {  	s9 =	sadd.s32 $0xFFFFFEF7, lr;
	s5 =	simm.s32 $0xFFFFFFFF;
	p2 =	slt.u32 s8, $0xFFFFF086  }
0x1c: {  	p1 =	slt.u32 s9, $0xF7A;
	s5 =	simm.s32 @!p2 $0x0  }
0x1d: {  	s5 =	simm.s32 @p1 $0x1;
	p0 =	seq.s32 s7, s2  }
0x1e: {  	s7 =	smul.u32 @!p0 $0xF7A, s2;
	p2 =	seq.s32 @!p0 s5, $0x0  }
0x1f: {  	s9 =	smul.u32 $0xF7A, s1;
	s8 =	simm.s32 @!p0 $0x1BF5;
	p2 =	por !p2, p0  }
0x20: {  	[sflag:s8] =	ssyncset.s32 @!p0 $0xFFFFF086;
	s6 =	sadd.s32 @!p0 s3, s7;
	s7 =	simm.s32 @!p0 $0x108  }
0x21: {  	s3 =	sadd.s32 s3, s9;
	s6 =	sadd.s32 @!p0 $0x88, s6;
	s7 =	simm.s32 @p2 $0x1082  }
0x22: {  	[simem:s7], [sflag:s8] =	dma.local @!p0 [hbm:s6], $0xF7A  }
0x23: {  	s9 =	sor.u32 $0xD0000000, s2;
	s6 =	simm.s32 $0x108;
	_ =	swait.ge @!p0 [sflag:s8], $0x0  }
0x24: {  	s3 =	sadd.s32 $0x88, s3;
	s6 =	simm.s32 @!p1 $0x1082;
	[sflag:s4] =	ssyncset.s32 $0xFFFFF086  }
0x25: {  	[simem:s6], [sflag:s4] =	dma.local [hbm:s3], $0xF7A  }
0x26: {  	[smem:$0x3F9D] =	sst s1;
	(tag) =	ssettag s2;
	_ =	strace s9  }
0x27: {  	s1 =	sld [smem:$0x3FAD]  }
0x28: {  	s2 =	sld [smem:$0x3FAE]  }
0x29: {  	s4 =	sld [smem:$0x3FB0]  }
0x2a: {  	p0 =	seq.s32 s5, $0x0;
	s5 =	sld [smem:$0x3FB1]  }
0x2b: {  	s6 =	sld [smem:$0x3FB2]  }
0x2c: {  	s7 =	sld [smem:$0x3FB3]  }
0x2d: {  	s3 =	simm.s32 $0x108;
	s8 =	sld [smem:$0x3FB4]  }
0x2e: {  	s3 =	simm.s32 @!p0 $0x1082;
	s9 =	sld [smem:$0x3FB5]  }
0x2f: {  	lr =	sadd.s32 s0, s3;
	s0 =	sld [smem:$0x3FAC]  }
0x30: {  	s3 =	sld [smem:$0x3FAF]  }
0x31: {  	[smem:$0x3FB8] =	sst s10  }
0x32: {  	s10 =	sld [smem:$0x3FB6];
	_ =	sdelay $0x3  }
0x33: {  	p0 =	seq.s32 s10, $0x1;
	s10 =	sld [smem:$0x3FB8];
	_ =	sdelay $0x3  }
0x34: {  	[smem:$0x3FB8] =	sst s10  }
0x35: {  	s10 =	sld [smem:$0x3FB7];
	_ =	sdelay $0x3  }
0x36: {  	p1 =	seq.s32 s10, $0x1;
	s10 =	sld [smem:$0x3FB8];
	_ =	sdelay $0x3  }
0x37: {  	[smem:$0x3FB8] =	sst s10  }
0x38: {  	s10 =	sld [smem:$0x3FB9]  }
0x39: {  	_ = 	snop;
	(pc) =	sbr.ind lr, $3  }
0x3a: {  	_ = 	snop  }
0x3b: {  	_ = 	snop  }
0x3c: {  	p2 =	seq.s32 s10, $0x1;
	s10 =	sld [smem:$0x3FB8]  }
0x3d: {  	_ =	shalt  }
0x3e: {  	_ =	shalt  }
0x3f: {  	_ =	shalt  }
0x40: {  	_ =	shalt  }
0x41: {  	_ =	shalt  }
0x42: {  	_ =	shalt  }
0x43: {  	_ =	shalt  }
0x44: {  	_ =	shalt  }
0x45: {  	_ =	shalt  }
0x46: {  	_ =	shalt  }
0x47: {  	_ =	shalt  }
0x48: {  	_ =	shalt  }
0x49: {  	_ =	shalt  }
0x4a: {  	_ =	shalt  }
0x4b: {  	_ =	shalt  }
0x4c: {  	_ =	shalt  }
0x4d: {  	_ =	shalt  }
0x4e: {  	_ =	shalt  }
0x4f: {  	_ =	shalt  }
0x50: {  	_ =	shalt  }
0x51: {  	_ =	shalt  }
0x52: {  	_ =	shalt  }
0x53: {  	_ =	shalt  }
0x54: {  	_ =	shalt  }
0x55: {  	_ =	shalt  }
0x56: {  	_ =	shalt  }
0x57: {  	_ =	shalt  }
0x58: {  	_ =	shalt  }
0x59: {  	_ =	shalt  }
0x5a: {  	_ =	shalt  }
0x5b: {  	_ =	shalt  }
0x5c: {  	_ =	shalt  }
0x5d: {  	_ =	shalt  }
0x5e: {  	_ =	shalt  }
0x5f: {  	_ =	shalt  }
0x60: {  	_ =	shalt  }
0x61: {  	_ =	shalt  }
0x62: {  	_ =	shalt  }
0x63: {  	_ =	shalt  }
0x64: {  	_ =	shalt  }
0x65: {  	_ =	shalt  }
0x66: {  	_ =	shalt  }
0x67: {  	_ =	shalt  }
0x68: {  	_ =	shalt  }
0x69: {  	_ =	shalt  }
0x6a: {  	_ =	shalt  }
0x6b: {  	_ =	shalt  }
0x6c: {  	_ =	shalt  }
0x6d: {  	_ =	shalt  }
0x6e: {  	_ =	shalt  }
0x6f: {  	_ =	shalt  }
0x70: {  	_ =	shalt  }
0x71: {  	_ =	shalt  }
0x72: {  	_ =	shalt  }
0x73: {  	_ =	shalt  }
0x74: {  	_ =	shalt  }
0x75: {  	_ =	shalt  }
0x76: {  	_ =	shalt  }
0x77: {  	_ =	shalt  }
0x78: {  	_ =	shalt  }
0x79: {  	_ =	shalt  }
0x7a: {  	_ =	shalt  }
0x7b: {  	_ =	shalt  }
0x7c: {  	_ =	shalt  }
0x7d: {  	_ =	shalt  }
0x7e: {  	_ =	shalt  }
0x7f: {  	_ =	shalt  }
0x80: {  	_ =	shalt  }
0x81: {  	_ =	shalt  }
0x82: {  	_ =	shalt  }
0x83: {  	_ =	shalt  }
0x84: {  	_ =	shalt  }
0x85: {  	_ =	shalt  }
0x86: {  	_ =	shalt  }
0x87: {  	_ =	shalt  }
.Lfunc_end0:
.L_simem_size_0:
called_computation_lowered:
.L_overlay_start_0:
0x88: {  	s2 =	sld [smem:$0x3FD9]  }
0x89: {  	s3 =	sld [smem:$0x3FFE];
	_ =	sdelay $0x1  }
0x8a: {  	s1 =	srdreg.scid  }
0x8b: {  	s0 =	sand.u32 $0x1, s1  }
0x8c: {  	s14 =	sshll.u32 s0, $0xA;
	s2 =	sadd.s32 s3, s2  }
0x8d: {  	s2 =	sadd.s32 s2, s14  }
0x8e: {  	[smem:$0x3FC4] =	sst s2  }
0x8f: {  	_ = 	snop  }
0x90: {  	s2 =	sld [smem:$0x3FD0];
	_ =	sdelay $0x1  }
0x91: {  	s15 =	sld [smem:$0x3FC9]  }
0x92: {  	s5 =	simm.s32 $0xA;
	s6 =	simm.s32 $0x10;
	s4 =	sld [smem:$0x3FC8]  }
0x93: {  	[smem:s6], [sflag:s5] =	dma.local [hbm:s2], $0x1  }
0x94: {  	_ =	swait.eq [sflag:s5], $0x1  }
0x95: {  	s16 =	sld [smem:$0x10];
	[sflag:s5] =	ssyncset.done $0x0  }
0x96: {  	s17 =	sld [smem:$0x11];
	[sflag:s5] =	ssyncadd.s32 $0xFFFFFFFF  }
0x97: {  	s18 =	sld [smem:$0x12];
	(tm) =	ssettm $0x1  }
0x98: {  	s7 =	sld [smem:$0x3FFB];
	_ =	sdelay $0x3  }
0x99: {  	_ =	strace s7  }
0x9a: {  	s7 =	sld [smem:$0x3FFC];
	_ =	sdelay $0x3  }
0x9b: {  	_ =	strace s7  }
0x9c: {  	s7 =	sld [smem:$0x3FFD];
	_ =	sdelay $0x3  }
0x9d: {  	_ =	strace s7  }
0x9e: {  	_ =	strace $0x8FFFFFFF  }
0x9f: {  	s19 =	sld [smem:$0x3FDB];
	_ =	sdelay $0x1  }
0xa0: {  	s8 =	simm.s32 $_scs_section_size  }
0xa1: {  	s9 =	simm.s32 $_size__tile_overlayer_lowered;
	s10 =	simm.s32 $_tile_overlayer_lowered  }
0xa2: {  	s22 =	simm.s32 $0x1BFF;
	s21 =	sshll.u32 s10, $0x1;
	s7 =	sadd.s32 s8, s19  }
0xa3: {  	s11 =	simm.s32 $0x0;
	s20 =	sshll.u32 s9, $0x1;
	s9 =	sadd.s32 s21, s7  }
0xa4: {  	[timem:s11], [sflag:s22] =	dma.local [hbm:s9], s20  }
0xa5: {  	_ =	swait.ge [sflag:s22], s20  }
0xa6: {  	s8 =	ssub.s32 $0x0, s20;
	[sflag:s22] =	ssyncset.done $0x0  }
0xa7: {  	[sflag:s22] =	ssyncadd.s32 s8;
	_ =	sdelay $0x1  }
0xa8: {  	s23 =	simm.s32 $0x1B8B  }
0xa9: {  	_ =	swait.ge [sflag:s23], $0x1  }
0xaa: {  	[sflag:s23] =	ssyncset.done $0x0  }
0xab: {  	s25 =	simm.s32 $0x1B8E;
	s24 =	sld [smem:$0x3FFE];
	[sflag:s23] =	ssyncadd.s32 $0xFFFFFFFF  }
0xac: {  	s26 =	simm.s32 $execute0_lowered;
	[smem:$0x3FD2] =	sst s25  }
0xad: {  	s9 =	sshll.u32 s26, $0x1;
	_ =	strace $0x80000046;
	[dreg:$0x1] =	wrdreg $0xFFFFFFFF  }
0xae: {  	s28 =	simm.s32 $_size_execute0_lowered;
	s7 =	sadd.s32 s7, s9;
	[dreg:$0x0] =	wrdreg $0x0  }
0xaf: {  	s9 =	sshll.u32 s28, $0x1;
	[dreg:$0x2] =	wrdreg s7  }
0xb0: {  	[dreg:$0x3] =	wrdreg s9  }
0xb1: {  	[dreg:$0x4] =	wrdreg $0xC0  }
0xb2: {  	_ =	task [dreg:s11], $0x5FFFF  }
0xb3: {  	[dreg:$0x1] =	wrdreg $0xFFFFFFFF  }
0xb4: {  	[dreg:$0x0] =	wrdreg $0x60  }
0xb5: {  	[dreg:$0x2] =	wrdreg s24  }
0xb6: {  	[dreg:$0x3] =	wrdreg s4  }
0xb7: {  	[dreg:$0x4] =	wrdreg s15  }
0xb8: {  	[dreg:$0x5] =	wrdreg s18  }
0xb9: {  	[dreg:$0x6] =	wrdreg s17  }
0xba: {  	[dreg:$0x7] =	wrdreg s16  }
0xbb: {  	[dreg:$0x8] =	wrdreg $0x9  }
0xbc: {  	_ =	task.clear_ibuf [dreg:s11], $0x9FFFF;
	_ =	strace $0x90000046  }
0xbd: {  	s29 =	simm.s32 $0x9;
	_ =	strace $0x80000048  }
0xbe: {  	_ =	swait.ge [sflag:s29], $0x1  }
0xbf: {  	[sflag:s29] =	ssyncadd.s32 $0xFFFFFFFF  }
0xc0: {  	_ =	strace $0x90000048  }
0xc1: {  	_ =	sfence  }
0xc2: {  	s30 =	sld [smem:$0x0];
	_ =	sdelay $0x2  }
0xc3: {  	s31 =	sshll.u32 s1, $0xD;
	s1 =	sshrl.u32 s1, $0x2  }
0xc4: {  	s3 =	sand.u32 $0x4000, s31;
	s1 =	sadd.s32 s1, s30  }
0xc5: {  	s0 =	sor.u32 s3, s0;
	s1 =	sshll.u32 s1, $0x11  }
0xc6: {  	s0 =	sor.u32 s1, s0  }
0xc7: {  	s0 =	sadd.s32 $0x8F2B, s0  }
0xc8: {  	[sflag:s0] =	ssyncadd.remote.s32 $0x1  }
0xc9: {  	_ =	sfence.sel $0xFFFF  }
0xca: {  	[dreg:$0x0] =	wrdreg $0xFFFFFFFF;
	(pc) =	sbr.abs _section_cstart, $3  }
0xcb: {  	[dreg:$0x1] =	wrdreg $0xFFFFFFFF  }
0xcc: {  	_ =	task.clear_ibuf [dreg:s11], $0x2FFFF;
	_ =	strace $0x9FFFFFFF  }
0xcd: {  	(tm) =	ssettm $0x7FFFFFFF  }
tec
execute0_lowered:
.L_overlay_start_1:
0x0: {  	(tag) =	ssettag $0x1  }
0x1: {  	s0 =	rddreg [dreg:$0x0]  }
0x2: {  	s2 =	rddreg [dreg:$0x1]  }
0x3: {  	s14 =	rddreg [dreg:$0x2]  }
0x4: {  	s4 =	rddreg [dreg:$0x3]  }
0x5: {  	s5 =	rddreg [dreg:$0x4]  }
0x6: {  	s6 =	rddreg [dreg:$0x5]  }
0x7: {  	s3 =	srdreg.scid;
	s12 =	stileid.u32;
	s29 =	simm.s32 $0x8080  }
0x8: {  	s7 =	sand.u32 $0x1, s3;
	s3 =	simm.s32 $0x0;
	s9 =	sshll.u32 s12, $0x4  }
0x9: {  	s17 =	sshrl.u32 s12, $0x3;
	s19 =	sand.u32 $0x7, s12;
	p0 =	sgt.u32 s12, $0x1  }
0xa: {  	s12 =	simm.s32 $0x0;
	s8 =	sshll.u32 s7, $0x5;
	[smem:$0x7FF] =	sst s3  }
0xb: {  	s11 =	ssub.s32 $0x2, s7;
	s16 =	sshll.u32 s7, $0x1;
	s21 =	sshll.u32 s19, $0x7  }
0xc: {  	s8 =	sadd.s32 s9, s8;
	_ =	strace $0x80000047;
	s10 =	sshrl.u32 s11, $0x1  }
0xd: {  	s0 =	sadd.s32 s8, s0;
	s9 =	ssub.s32 s11, s10;
	s2 =	sadd.s32 s2, s8  }
0xe: {  	s18 =	sadd.s32 s4, s8;
	s10 =	sshll.u32 s19, $0xF;
	[dreg:$0x9] =	wrdreg s2  }
0xf: {  	s4 =	sadd.s32 s4, s21;
	s5 =	sadd.s32 s5, s8;
	[dreg:$0xa] =	wrdreg s18  }
0x10: {  	s19 =	simm.s32 $0x1;
	s13 =	sadd.s32 $0x1000, s0;
	[dreg:$0xc] =	wrdreg s5  }
0x11: {  	s15 =	sadd.s32 $0x2000, s0;
	s2 =	sor.u32 s17, s16;
	[dreg:$0x7] =	wrdreg s13  }
0x12: {  	s0 =	sadd.s32 $0x3000, s0;
	s31 =	smax.u32 s9, $0x1;
	[dreg:$0x8] =	wrdreg s15  }
0x13: {  	[dreg:$0xb] =	wrdreg s0;
	s20 =	sshll.u32 s2, $0x12;
	s11 =	sshll.u32 s2, $0x4  }
0x14: {  	[dreg:$0x16] =	wrdreg s31;
	s5 =	sadd.s32 s11, s4;
	s0 =	sor.u32 s10, s20  }
0x15: {  	s9 =	simm.s32 $0x3;
	s1 =	sadd.s32 s6, s0;
	[dreg:$0xd] =	wrdreg s5  }
0x16: {  	s22 =	sshll.u32 s2, $0xD;
	s0 =	sadd.s32 $0x1000, s1;
	[dreg:$0xe] =	wrdreg s1  }
0x17: {  	s13 =	sadd.s32 $0x200, s14;
	s23 =	sadd.s32 $0x2000, s1;
	[dreg:$0xf] =	wrdreg s0  }
0x18: {  	s2 =	simm.s32 $0x8A80;
	s24 =	sadd.s32 $0x3000, s1;
	[dreg:$0x10] =	wrdreg s23  }
.Ltmp0:
0x19: {  	s25 =	sadd.s32 $0x4000, s1;
	[dreg:$0x11] =	wrdreg s24;
	(pc) =	sbr.rel .LBB2_1-.Ltmp0, $4  }
0x1a: {  	s20 =	sadd.s32 $0x100, s14;
	s26 =	sadd.s32 $0x5000, s1;
	[dreg:$0x12] =	wrdreg s25  }
0x1b: {  	s14 =	sadd.s32 $0x300, s14;
	s28 =	sadd.s32 $0x6000, s1;
	[dreg:$0x13] =	wrdreg s26  }
0x1c: {  	v1 =	vimm.s32 $0x0;
	v2 =	vimm.s32 $0x80;
	v0 =	vmov s22;
	s22 =	simm.s32 $0x9B80;
	s30 =	sadd.s32 $0x7000, s1;
	[dreg:$0x14] =	wrdreg s28  }
0x1d: {  	v3 =	vimm.s32 $0x1;
	v4 =	vimm.f32 $0.0e+00;
	v5 =	vlaneseq.u32;
	[dreg:$0x15] =	wrdreg s30;
	s0 =	simm.s32 $0x8280;
	s26 =	simm.s32 $0x9280  }
.LBB2_34:
0x1e: {  	[bflag:$0x0] =	sbarrier.arrive $0xFFFF  }
0x1f: {  	s4 =	simm.s32 $0x200;
	s1 =	simm.s32 $0x9A80;
	s6 =	simm.s32 $0x80  }
0x20: {  	[tilespmem:s1], [sflag:$0x3] =	stream.strided.gather [hbm4b:s5+s6], $0x100, s4, s6, $0x38;
	[tilespmem:$0x19B80] =	vst v63  }
0x21: {  	_ =	swait.ge [sflag:s9], $0x100  }
0x22: {  	[sflag:s9] =	ssyncset.done $0x0  }
0x23: {  	[sflag:s9] =	ssyncadd.s32 $0xFFFFFF00  }
0x24: {  	v6 =	vld [tilespmem:$0x9A80]  }
0x25: {  	v7 =	vld [tilespmem:$0x9A90]  }
0x26: {  	v31 =	vld [tilespmem:$0x9B30]  }
0x27: {  	v8 =	vld [tilespmem:$0x9AA0]  }
0x28: {  	v9 =	vld [tilespmem:$0x9AB0]  }
0x29: {  	v10 =	vld [tilespmem:$0x9AC0];
	v12 =	vadd.s32 v0, v6  }
0x2a: {  	v11 =	vld [tilespmem:$0x9AD0];
	v7 =	vadd.s32 v0, v7;
	[tilespmem:$0x9A80] =	vst v12  }
0x2b: {  	v13 =	vld [tilespmem:$0x9AE0];
	v36 =	vadd.s32 v0, v31;
	[tilespmem:$0x9A90] =	vst v7  }
0x2c: {  	v14 =	vld [tilespmem:$0x9AF0];
	v7 =	vadd.s32 v0, v8;
	[tilespmem:$0x9B30] =	vst v36  }
0x2d: {  	v29 =	vld [tilespmem:$0x9B10];
	[tilespmem:$0x9AA0] =	vst v7;
	v7 =	vadd.s32 v0, v9  }
0x2e: {  	v32 =	vld [tilespmem:$0x9B40];
	[tilespmem:$0x9AB0] =	vst v7;
	v7 =	vadd.s32 v0, v10  }
0x2f: {  	v15 =	vld [tilespmem:$0x9B70];
	[tilespmem:$0x9AC0] =	vst v7;
	v7 =	vadd.s32 v0, v11  }
0x30: {  	v35 =	vshrl.u32 v5, $0x3;
	v28 =	vld [tilespmem:$0x9B00];
	v12 =	vshll.u32 v12, $0x3;
	[tilespmem:$0x9AD0] =	vst v7;
	v7 =	vadd.s32 v0, v13  }
0x31: {  	v33 =	vld [tilespmem:$0x9B50];
	v6 =	vand.u32 $0x7, v6;
	v12 =	vand.u32 $0xFFFFFFC0, v12;
	[tilespmem:$0x9AE0] =	vst v7;
	v7 =	vadd.s32 v0, v14  }
0x32: {  	v34 =	vld [tilespmem:$0x9B60];
	v12 =	vor.u32 v6, v12;
	v6 =	vand.u32 $0x7, v5;
	[tilespmem:$0x9AF0] =	vst v7;
	v7 =	vadd.s32 v0, v29  }
0x33: {  	v30 =	vld [tilespmem:$0x9B20];
	v37 =	vadd.s32 v0, v32;
	v16 =	vperm.xlane v12, v6;
	[tilespmem:$0x9B10] =	vst v7;
	v7 =	vmul.u32 $0x8, v35  }
0x34: {  	v39 =	vadd.s32 v0, v15;
	[tilespmem:$0x9B40] =	vst v37  }
0x35: {  	v8 =	vadd.s32 v0, v28;
	[tilespmem:$0x9B70] =	vst v39;
	v38 =	vadd.s32 v7, v16  }
0x36: {  	[tilespmem:$0x9B00] =	vst v8;
	v9 =	vadd.s32 v0, v33  }
0x37: {  	v8 =	vadd.s32 v0, v34;
	[tilespmem:$0x9B50] =	vst v9  }
0x38: {  	v10 =	vadd.s32 v0, v30;
	[tilespmem:$0x9B60] =	vst v8  }
0x39: {  	vm0 =	vmmov $0xffff;
	s11 =	rddreg [dreg:$0x2];
	[tilespmem:$0x9B20] =	vst v10  }
0x3a: {  	v40 =	vor.u32 $0x8, v5;
	[tilespmem:s22], [sflag:$0x1] =	stream.indirect_vreg.gather [hbm4b:s11+s3], $0x80, v38, vm0, $0xb8;
	[tilespmem:$0x19B80] =	vst v63  }
0x3b: {  	s24 =	simm.s32 $0xA380;
	v41 =	vperm.xlane v12, v40  }
0x3c: {  	[tilespmem:s24], [sflag:$0x1] =	stream.indirect_vreg.gather [hbm4b:s20+s3], $0x80, v38, vm0, $0xb8;
	[tilespmem:$0x19B80] =	vst v63  }
0x3d: {  	s25 =	simm.s32 $0xAB80;
	v9 =	vadd.s32 v7, v41  }
0x3e: {  	[tilespmem:s25], [sflag:$0x1] =	stream.indirect_vreg.gather [hbm4b:s13+s3], $0x80, v38, vm0, $0xb8;
	[tilespmem:$0x19B80] =	vst v63  }
0x3f: {  	s28 =	simm.s32 $0xB380  }
0x40: {  	[tilespmem:s28], [sflag:$0x1] =	stream.indirect_vreg.gather [hbm4b:s14+s3], $0x80, v38, vm0, $0xb8;
	[tilespmem:$0x19B80] =	vst v63  }
0x41: {  	s30 =	simm.s32 $0xBB80  }
0x42: {  	[tilespmem:s30], [sflag:$0x1] =	stream.indirect_vreg.gather [hbm4b:s11+s3], $0x80, v9, vm0, $0xb8;
	[tilespmem:$0x19B80] =	vst v63  }
0x43: {  	s31 =	simm.s32 $0xC380  }
0x44: {  	[tilespmem:s31], [sflag:$0x1] =	stream.indirect_vreg.gather [hbm4b:s20+s3], $0x80, v9, vm0, $0xb8;
	[tilespmem:$0x19B80] =	vst v63  }
0x45: {  	s5 =	simm.s32 $0xCB80  }
0x46: {  	[tilespmem:s5], [sflag:$0x1] =	stream.indirect_vreg.gather [hbm4b:s13+s3], $0x80, v9, vm0, $0xb8;
	[tilespmem:$0x19B80] =	vst v63  }
0x47: {  	s6 =	simm.s32 $0xD380  }
0x48: {  	[tilespmem:s6], [sflag:$0x1] =	stream.indirect_vreg.gather [hbm4b:s14+s3], $0x80, v9, vm0, $0xb8;
	[tilespmem:$0x19B80] =	vst v63  }
0x49: {  	v9 =	vld [tilespmem:$0x9A90];
	_ =	sdelay $0x4  }
0x4a: {  	v42 =	vshll.u32 v9, $0x3  }
0x4b: {  	v9 =	vand.u32 $0x7, v9;
	v10 =	vand.u32 $0xFFFFFFC0, v42  }
0x4c: {  	v9 =	vor.u32 v9, v10  }
0x4d: {  	v10 =	vperm.xlane v9, v6;
	_ =	sdelay $0x1  }
0x4e: {  	v10 =	vadd.s32 v7, v10;
	_ =	sdelay $0x3  }
0x4f: {  	s7 =	simm.s32 $0xDB80  }
0x50: {  	[tilespmem:s7], [sflag:$0x1] =	stream.indirect_vreg.gather [hbm4b:s11+s3], $0x80, v10, vm0, $0xb8;
	[tilespmem:$0x19B80] =	vst v63  }
0x51: {  	s8 =	simm.s32 $0xE380;
	v9 =	vperm.xlane v9, v40  }
0x52: {  	[tilespmem:s8], [sflag:$0x1] =	stream.indirect_vreg.gather [hbm4b:s20+s3], $0x80, v10, vm0, $0xb8;
	[tilespmem:$0x19B80] =	vst v63  }
0x53: {  	s9 =	simm.s32 $0xEB80;
	v9 =	vadd.s32 v7, v9  }
0x54: {  	[tilespmem:s9], [sflag:$0x1] =	stream.indirect_vreg.gather [hbm4b:s13+s3], $0x80, v10, vm0, $0xb8;
	[tilespmem:$0x19B80] =	vst v63  }
0x55: {  	s10 =	simm.s32 $0xF380  }
0x56: {  	[tilespmem:s10], [sflag:$0x1] =	stream.indirect_vreg.gather [hbm4b:s14+s3], $0x80, v10, vm0, $0xb8;
	[tilespmem:$0x19B80] =	vst v63  }
0x57: {  	s15 =	simm.s32 $0xFB80  }
0x58: {  	[tilespmem:s15], [sflag:$0x1] =	stream.indirect_vreg.gather [hbm4b:s11+s3], $0x80, v9, vm0, $0xb8;
	[tilespmem:$0x19B80] =	vst v63  }
0x59: {  	s16 =	simm.s32 $0x10380  }
0x5a: {  	[tilespmem:s16], [sflag:$0x1] =	stream.indirect_vreg.gather [hbm4b:s20+s3], $0x80, v9, vm0, $0xb8;
	[tilespmem:$0x19B80] =	vst v63  }
0x5b: {  	s17 =	simm.s32 $0x10B80  }
0x5c: {  	[tilespmem:s17], [sflag:$0x1] =	stream.indirect_vreg.gather [hbm4b:s13+s3], $0x80, v9, vm0, $0xb8;
	[tilespmem:$0x19B80] =	vst v63  }
0x5d: {  	s30 =	simm.s32 $0x11380  }
0x5e: {  	[tilespmem:s30], [sflag:$0x1] =	stream.indirect_vreg.gather [hbm4b:s14+s3], $0x80, v9, vm0, $0xb8;
	[tilespmem:$0x19B80] =	vst v63  }
0x5f: {  	_ =	swait.ge [sflag:s19], $0x8000  }
0x60: {  	[sflag:s19] =	ssyncset.done $0x0  }
0x61: {  	[sflag:s19] =	ssyncadd.s32 $0xFFFF8000  }
0x62: {  	v43 =	vld [tilespmem:$0x9AA0];
	_ =	sdelay $0x4  }
0x63: {  	v44 =	vshll.u32 v43, $0x3  }
0x64: {  	v9 =	vand.u32 $0x7, v43;
	v10 =	vand.u32 $0xFFFFFFC0, v44  }
0x65: {  	v9 =	vor.u32 v9, v10  }
0x66: {  	v10 =	vperm.xlane v9, v6;
	_ =	sdelay $0x1  }
0x67: {  	v10 =	vadd.s32 v7, v10;
	_ =	sdelay $0x3  }
0x68: {  	s5 =	simm.s32 $0x11B80  }
0x69: {  	[tilespmem:s5], [sflag:$0x1] =	stream.indirect_vreg.gather [hbm4b:s11+s3], $0x80, v10, vm0, $0xb8;
	[tilespmem:$0x19B80] =	vst v63  }
0x6a: {  	s31 =	simm.s32 $0x12380;
	v9 =	vperm.xlane v9, v40  }
0x6b: {  	[tilespmem:s31], [sflag:$0x1] =	stream.indirect_vreg.gather [hbm4b:s20+s3], $0x80, v10, vm0, $0xb8;
	[tilespmem:$0x19B80] =	vst v63  }
0x6c: {  	s30 =	simm.s32 $0x12B80;
	v9 =	vadd.s32 v7, v9  }
0x6d: {  	[tilespmem:s30], [sflag:$0x1] =	stream.indirect_vreg.gather [hbm4b:s13+s3], $0x80, v10, vm0, $0xb8;
	[tilespmem:$0x19B80] =	vst v63  }
0x6e: {  	s30 =	simm.s32 $0x13380  }
0x6f: {  	[tilespmem:s30], [sflag:$0x1] =	stream.indirect_vreg.gather [hbm4b:s14+s3], $0x80, v10, vm0, $0xb8;
	[tilespmem:$0x19B80] =	vst v63  }
0x70: {  	s30 =	simm.s32 $0x13B80  }
0x71: {  	[tilespmem:s30], [sflag:$0x1] =	stream.indirect_vreg.gather [hbm4b:s11+s3], $0x80, v9, vm0, $0xb8;
	[tilespmem:$0x19B80] =	vst v63  }
0x72: {  	s30 =	simm.s32 $0x14380  }
0x73: {  	[tilespmem:s30], [sflag:$0x1] =	stream.indirect_vreg.gather [hbm4b:s20+s3], $0x80, v9, vm0, $0xb8;
	[tilespmem:$0x19B80] =	vst v63  }
0x74: {  	s30 =	simm.s32 $0x14B80  }
0x75: {  	[tilespmem:s30], [sflag:$0x1] =	stream.indirect_vreg.gather [hbm4b:s13+s3], $0x80, v9, vm0, $0xb8;
	[tilespmem:$0x19B80] =	vst v63  }
0x76: {  	s30 =	simm.s32 $0x15380  }
0x77: {  	[tilespmem:s30], [sflag:$0x1] =	stream.indirect_vreg.gather [hbm4b:s14+s3], $0x80, v9, vm0, $0xb8;
	[tilespmem:$0x19B80] =	vst v63  }
0x78: {  	v9 =	vld [tilespmem:$0x9AB0];
	_ =	sdelay $0x4  }
0x79: {  	v45 =	vshll.u32 v9, $0x3  }
0x7a: {  	v9 =	vand.u32 $0x7, v9;
	v10 =	vand.u32 $0xFFFFFFC0, v45  }
0x7b: {  	v9 =	vor.u32 v9, v10  }
0x7c: {  	v10 =	vperm.xlane v9, v6;
	_ =	sdelay $0x1  }
0x7d: {  	v10 =	vadd.s32 v7, v10;
	_ =	sdelay $0x3  }
0x7e: {  	s30 =	simm.s32 $0x15B80  }
0x7f: {  	[tilespmem:s30], [sflag:$0x1] =	stream.indirect_vreg.gather [hbm4b:s11+s3], $0x80, v10, vm0, $0xb8;
	[tilespmem:$0x19B80] =	vst v63  }
0x80: {  	v9 =	vperm.xlane v9, v40;
	s30 =	simm.s32 $0x16380  }
0x81: {  	[tilespmem:s30], [sflag:$0x1] =	stream.indirect_vreg.gather [hbm4b:s20+s3], $0x80, v10, vm0, $0xb8;
	[tilespmem:$0x19B80] =	vst v63  }
0x82: {  	s1 =	simm.s32 $0x16B80;
	v9 =	vadd.s32 v7, v9  }
0x83: {  	[tilespmem:s1], [sflag:$0x1] =	stream.indirect_vreg.gather [hbm4b:s13+s3], $0x80, v10, vm0, $0xb8;
	[tilespmem:$0x19B80] =	vst v63  }
0x84: {  	s1 =	simm.s32 $0x17380  }
0x85: {  	[tilespmem:s1], [sflag:$0x1] =	stream.indirect_vreg.gather [hbm4b:s14+s3], $0x80, v10, vm0, $0xb8;
	[tilespmem:$0x19B80] =	vst v63  }
0x86: {  	s1 =	simm.s32 $0x17B80  }
0x87: {  	[tilespmem:s1], [sflag:$0x1] =	stream.indirect_vreg.gather [hbm4b:s11+s3], $0x80, v9, vm0, $0xb8;
	[tilespmem:$0x19B80] =	vst v63  }
0x88: {  	s1 =	simm.s32 $0x18380  }
0x89: {  	[tilespmem:s1], [sflag:$0x1] =	stream.indirect_vreg.gather [hbm4b:s20+s3], $0x80, v9, vm0, $0xb8;
	[tilespmem:$0x19B80] =	vst v63  }
0x8a: {  	s1 =	simm.s32 $0x18B80  }
0x8b: {  	[tilespmem:s1], [sflag:$0x1] =	stream.indirect_vreg.gather [hbm4b:s13+s3], $0x80, v9, vm0, $0xb8;
	[tilespmem:$0x19B80] =	vst v63  }
0x8c: {  	s1 =	simm.s32 $0x19380  }
0x8d: {  	[tilespmem:s1], [sflag:$0x1] =	stream.indirect_vreg.gather [hbm4b:s14+s3], $0x80, v9, vm0, $0xb8;
	[tilespmem:$0x19B80] =	vst v63  }
0x8e: {  	s1 =	rddreg [dreg:$0xe]  }
0x8f: {  	[hbm4b:s1+s3] =	stream.linear.scatter [tilespmem:s22], [sflag:$0x2], $0x8000, $0x38;
	[tilespmem:$0x19B80] =	vst v63  }
0x90: {  	_ =	swait.ge [sflag:s19], $0x8000  }
0x91: {  	[sflag:s19] =	ssyncset.done $0x0  }
0x92: {  	[sflag:s19] =	ssyncadd.s32 $0xFFFF8000  }
0x93: {  	v46 =	vld [tilespmem:$0x9AC0];
	_ =	sdelay $0x4  }
0x94: {  	v47 =	vshll.u32 v46, $0x3  }
0x95: {  	v9 =	vand.u32 $0x7, v46;
	v10 =	vand.u32 $0xFFFFFFC0, v47  }
0x96: {  	v9 =	vor.u32 v9, v10  }
0x97: {  	v10 =	vperm.xlane v9, v6;
	_ =	sdelay $0x1  }
0x98: {  	v10 =	vadd.s32 v7, v10;
	_ =	sdelay $0x4  }
0x99: {  	[tilespmem:s22], [sflag:$0x1] =	stream.indirect_vreg.gather [hbm4b:s11+s3], $0x80, v10, vm0, $0xb8;
	[tilespmem:$0x19B80] =	vst v63  }
0x9a: {  	s4 =	simm.s32 $0xA380;
	v9 =	vperm.xlane v9, v40  }
0x9b: {  	[tilespmem:s4], [sflag:$0x1] =	stream.indirect_vreg.gather [hbm4b:s20+s3], $0x80, v10, vm0, $0xb8;
	[tilespmem:$0x19B80] =	vst v63  }
0x9c: {  	s23 =	simm.s32 $0xAB80;
	v9 =	vadd.s32 v7, v9  }
0x9d: {  	[tilespmem:s23], [sflag:$0x1] =	stream.indirect_vreg.gather [hbm4b:s13+s3], $0x80, v10, vm0, $0xb8;
	[tilespmem:$0x19B80] =	vst v63  }
0x9e: {  	s18 =	simm.s32 $0xB380  }
0x9f: {  	[tilespmem:s18], [sflag:$0x1] =	stream.indirect_vreg.gather [hbm4b:s14+s3], $0x80, v10, vm0, $0xb8;
	[tilespmem:$0x19B80] =	vst v63  }
0xa0: {  	s24 =	simm.s32 $0xBB80  }
0xa1: {  	[tilespmem:s24], [sflag:$0x1] =	stream.indirect_vreg.gather [hbm4b:s11+s3], $0x80, v9, vm0, $0xb8;
	[tilespmem:$0x19B80] =	vst v63  }
0xa2: {  	s25 =	simm.s32 $0xC380  }
0xa3: {  	[tilespmem:s25], [sflag:$0x1] =	stream.indirect_vreg.gather [hbm4b:s20+s3], $0x80, v9, vm0, $0xb8;
	[tilespmem:$0x19B80] =	vst v63  }
0xa4: {  	s28 =	simm.s32 $0xCB80  }
0xa5: {  	[tilespmem:s28], [sflag:$0x1] =	stream.indirect_vreg.gather [hbm4b:s13+s3], $0x80, v9, vm0, $0xb8;
	[tilespmem:$0x19B80] =	vst v63  }
0xa6: {  	s6 =	simm.s32 $0xD380  }
0xa7: {  	[tilespmem:s6], [sflag:$0x1] =	stream.indirect_vreg.gather [hbm4b:s14+s3], $0x80, v9, vm0, $0xb8;
	[tilespmem:$0x19B80] =	vst v63  }
0xa8: {  	v9 =	vld [tilespmem:$0x9AD0];
	_ =	sdelay $0x4  }
0xa9: {  	v48 =	vshll.u32 v9, $0x3  }
0xaa: {  	v9 =	vand.u32 $0x7, v9;
	v10 =	vand.u32 $0xFFFFFFC0, v48  }
0xab: {  	v9 =	vor.u32 v9, v10  }
0xac: {  	v10 =	vperm.xlane v9, v6;
	_ =	sdelay $0x1  }
0xad: {  	v10 =	vadd.s32 v7, v10;
	_ =	sdelay $0x3  }
0xae: {  	s7 =	simm.s32 $0xDB80  }
0xaf: {  	[tilespmem:s7], [sflag:$0x1] =	stream.indirect_vreg.gather [hbm4b:s11+s3], $0x80, v10, vm0, $0xb8;
	[tilespmem:$0x19B80] =	vst v63  }
0xb0: {  	s8 =	simm.s32 $0xE380;
	v9 =	vperm.xlane v9, v40  }
0xb1: {  	[tilespmem:s8], [sflag:$0x1] =	stream.indirect_vreg.gather [hbm4b:s20+s3], $0x80, v10, vm0, $0xb8;
	[tilespmem:$0x19B80] =	vst v63  }
0xb2: {  	s9 =	simm.s32 $0xEB80;
	v9 =	vadd.s32 v7, v9  }
0xb3: {  	[tilespmem:s9], [sflag:$0x1] =	stream.indirect_vreg.gather [hbm4b:s13+s3], $0x80, v10, vm0, $0xb8;
	[tilespmem:$0x19B80] =	vst v63  }
0xb4: {  	s21 =	simm.s32 $0xF380  }
0xb5: {  	[tilespmem:s21], [sflag:$0x1] =	stream.indirect_vreg.gather [hbm4b:s14+s3], $0x80, v10, vm0, $0xb8;
	[tilespmem:$0x19B80] =	vst v63  }
0xb6: {  	s10 =	simm.s32 $0xFB80  }
0xb7: {  	[tilespmem:s10], [sflag:$0x1] =	stream.indirect_vreg.gather [hbm4b:s11+s3], $0x80, v9, vm0, $0xb8;
	[tilespmem:$0x19B80] =	vst v63  }
0xb8: {  	s15 =	simm.s32 $0x10380  }
0xb9: {  	[tilespmem:s15], [sflag:$0x1] =	stream.indirect_vreg.gather [hbm4b:s20+s3], $0x80, v9, vm0, $0xb8;
	[tilespmem:$0x19B80] =	vst v63  }
0xba: {  	s16 =	simm.s32 $0x10B80  }
0xbb: {  	[tilespmem:s16], [sflag:$0x1] =	stream.indirect_vreg.gather [hbm4b:s13+s3], $0x80, v9, vm0, $0xb8;
	[tilespmem:$0x19B80] =	vst v63  }
0xbc: {  	s17 =	simm.s32 $0x11380  }
0xbd: {  	[tilespmem:s17], [sflag:$0x1] =	stream.indirect_vreg.gather [hbm4b:s14+s3], $0x80, v9, vm0, $0xb8;
	[tilespmem:$0x19B80] =	vst v63  }
0xbe: {  	s9 =	rddreg [dreg:$0xf]  }
0xbf: {  	[hbm4b:s9+s3] =	stream.linear.scatter [tilespmem:s5], [sflag:$0x2], $0x8000, $0x38;
	[tilespmem:$0x19B80] =	vst v63  }
0xc0: {  	_ =	swait.ge [sflag:s19], $0x8000  }
0xc1: {  	[sflag:s19] =	ssyncset.done $0x0  }
0xc2: {  	s1 =	simm.s32 $0x2;
	[sflag:s19] =	ssyncadd.s32 $0xFFFF8000  }
0xc3: {  	_ =	swait.ge [sflag:s1], $0x8000  }
0xc4: {  	[sflag:s1] =	ssyncset.done $0x0  }
0xc5: {  	[sflag:s1] =	ssyncadd.s32 $0xFFFF8000  }
0xc6: {  	v49 =	vld [tilespmem:$0x9AE0];
	_ =	sdelay $0x4  }
0xc7: {  	v50 =	vshll.u32 v49, $0x3  }
0xc8: {  	v9 =	vand.u32 $0x7, v49;
	v10 =	vand.u32 $0xFFFFFFC0, v50  }
0xc9: {  	v9 =	vor.u32 v9, v10  }
0xca: {  	v10 =	vperm.xlane v9, v6;
	_ =	sdelay $0x1  }
0xcb: {  	v10 =	vadd.s32 v7, v10;
	_ =	sdelay $0x4  }
0xcc: {  	[tilespmem:s5], [sflag:$0x1] =	stream.indirect_vreg.gather [hbm4b:s11+s3], $0x80, v10, vm0, $0xb8;
	[tilespmem:$0x19B80] =	vst v63  }
0xcd: {  	s31 =	simm.s32 $0x12380;
	v9 =	vperm.xlane v9, v40  }
0xce: {  	[tilespmem:s31], [sflag:$0x1] =	stream.indirect_vreg.gather [hbm4b:s20+s3], $0x80, v10, vm0, $0xb8;
	[tilespmem:$0x19B80] =	vst v63  }
0xcf: {  	s10 =	simm.s32 $0x12B80;
	v9 =	vadd.s32 v7, v9  }
0xd0: {  	[tilespmem:s10], [sflag:$0x1] =	stream.indirect_vreg.gather [hbm4b:s13+s3], $0x80, v10, vm0, $0xb8;
	[tilespmem:$0x19B80] =	vst v63  }
0xd1: {  	s15 =	simm.s32 $0x13380  }
0xd2: {  	[tilespmem:s15], [sflag:$0x1] =	stream.indirect_vreg.gather [hbm4b:s14+s3], $0x80, v10, vm0, $0xb8;
	[tilespmem:$0x19B80] =	vst v63  }
0xd3: {  	s16 =	simm.s32 $0x13B80  }
0xd4: {  	[tilespmem:s16], [sflag:$0x1] =	stream.indirect_vreg.gather [hbm4b:s11+s3], $0x80, v9, vm0, $0xb8;
	[tilespmem:$0x19B80] =	vst v63  }
0xd5: {  	s21 =	simm.s32 $0x14380  }
0xd6: {  	[tilespmem:s21], [sflag:$0x1] =	stream.indirect_vreg.gather [hbm4b:s20+s3], $0x80, v9, vm0, $0xb8;
	[tilespmem:$0x19B80] =	vst v63  }
0xd7: {  	s23 =	simm.s32 $0x14B80  }
0xd8: {  	[tilespmem:s23], [sflag:$0x1] =	stream.indirect_vreg.gather [hbm4b:s13+s3], $0x80, v9, vm0, $0xb8;
	[tilespmem:$0x19B80] =	vst v63  }
0xd9: {  	s24 =	simm.s32 $0x15380  }
0xda: {  	[tilespmem:s24], [sflag:$0x1] =	stream.indirect_vreg.gather [hbm4b:s14+s3], $0x80, v9, vm0, $0xb8;
	[tilespmem:$0x19B80] =	vst v63  }
0xdb: {  	v9 =	vld [tilespmem:$0x9AF0];
	_ =	sdelay $0x4  }
0xdc: {  	v51 =	vshll.u32 v9, $0x3  }
0xdd: {  	v9 =	vand.u32 $0x7, v9;
	v10 =	vand.u32 $0xFFFFFFC0, v51  }
0xde: {  	v9 =	vor.u32 v9, v10  }
0xdf: {  	v10 =	vperm.xlane v9, v6;
	_ =	sdelay $0x1  }
0xe0: {  	v10 =	vadd.s32 v7, v10;
	_ =	sdelay $0x3  }
0xe1: {  	s25 =	simm.s32 $0x15B80  }
0xe2: {  	[tilespmem:s25], [sflag:$0x1] =	stream.indirect_vreg.gather [hbm4b:s11+s3], $0x80, v10, vm0, $0xb8;
	[tilespmem:$0x19B80] =	vst v63  }
0xe3: {  	s30 =	simm.s32 $0x16380;
	v9 =	vperm.xlane v9, v40  }
0xe4: {  	[tilespmem:s30], [sflag:$0x1] =	stream.indirect_vreg.gather [hbm4b:s20+s3], $0x80, v10, vm0, $0xb8;
	[tilespmem:$0x19B80] =	vst v63  }
0xe5: {  	s31 =	simm.s32 $0x16B80;
	v9 =	vadd.s32 v7, v9  }
0xe6: {  	[tilespmem:s31], [sflag:$0x1] =	stream.indirect_vreg.gather [hbm4b:s13+s3], $0x80, v10, vm0, $0xb8;
	[tilespmem:$0x19B80] =	vst v63  }
0xe7: {  	s6 =	simm.s32 $0x17380  }
0xe8: {  	[tilespmem:s6], [sflag:$0x1] =	stream.indirect_vreg.gather [hbm4b:s14+s3], $0x80, v10, vm0, $0xb8;
	[tilespmem:$0x19B80] =	vst v63  }
0xe9: {  	s8 =	simm.s32 $0x17B80  }
0xea: {  	[tilespmem:s8], [sflag:$0x1] =	stream.indirect_vreg.gather [hbm4b:s11+s3], $0x80, v9, vm0, $0xb8;
	[tilespmem:$0x19B80] =	vst v63  }
0xeb: {  	s10 =	simm.s32 $0x18380  }
0xec: {  	[tilespmem:s10], [sflag:$0x1] =	stream.indirect_vreg.gather [hbm4b:s20+s3], $0x80, v9, vm0, $0xb8;
	[tilespmem:$0x19B80] =	vst v63  }
0xed: {  	s15 =	simm.s32 $0x18B80  }
0xee: {  	[tilespmem:s15], [sflag:$0x1] =	stream.indirect_vreg.gather [hbm4b:s13+s3], $0x80, v9, vm0, $0xb8;
	[tilespmem:$0x19B80] =	vst v63  }
0xef: {  	s30 =	simm.s32 $0x19380  }
0xf0: {  	[tilespmem:s30], [sflag:$0x1] =	stream.indirect_vreg.gather [hbm4b:s14+s3], $0x80, v9, vm0, $0xb8;
	[tilespmem:$0x19B80] =	vst v63  }
0xf1: {  	s31 =	rddreg [dreg:$0x10]  }
0xf2: {  	[hbm4b:s31+s3] =	stream.linear.scatter [tilespmem:s22], [sflag:$0x2], $0x8000, $0x38;
	[tilespmem:$0x19B80] =	vst v63  }
0xf3: {  	_ =	swait.ge [sflag:s19], $0x8000  }
0xf4: {  	[sflag:s19] =	ssyncset.done $0x0  }
0xf5: {  	[sflag:s19] =	ssyncadd.s32 $0xFFFF8000  }
0xf6: {  	_ =	swait.ge [sflag:s1], $0x8000  }
0xf7: {  	[sflag:s1] =	ssyncset.done $0x0  }
0xf8: {  	[sflag:s1] =	ssyncadd.s32 $0xFFFF8000  }
0xf9: {  	v52 =	vld [tilespmem:$0x9B00];
	_ =	sdelay $0x4  }
0xfa: {  	v53 =	vshll.u32 v52, $0x3  }
0xfb: {  	v9 =	vand.u32 $0x7, v52;
	v10 =	vand.u32 $0xFFFFFFC0, v53  }
0xfc: {  	v9 =	vor.u32 v9, v10  }
0xfd: {  	v10 =	vperm.xlane v9, v6;
	_ =	sdelay $0x1  }
0xfe: {  	v10 =	vadd.s32 v7, v10;
	_ =	sdelay $0x4  }
0xff: {  	[tilespmem:s22], [sflag:$0x1] =	stream.indirect_vreg.gather [hbm4b:s11+s3], $0x80, v10, vm0, $0xb8;
	[tilespmem:$0x19B80] =	vst v63  }
0x100: {  	s30 =	simm.s32 $0xA380;
	v9 =	vperm.xlane v9, v40  }
0x101: {  	[tilespmem:s30], [sflag:$0x1] =	stream.indirect_vreg.gather [hbm4b:s20+s3], $0x80, v10, vm0, $0xb8;
	[tilespmem:$0x19B80] =	vst v63  }
0x102: {  	s31 =	simm.s32 $0xAB80;
	v9 =	vadd.s32 v7, v9  }
0x103: {  	[tilespmem:s31], [sflag:$0x1] =	stream.indirect_vreg.gather [hbm4b:s13+s3], $0x80, v10, vm0, $0xb8;
	[tilespmem:$0x19B80] =	vst v63  }
0x104: {  	s30 =	simm.s32 $0xB380  }
0x105: {  	[tilespmem:s30], [sflag:$0x1] =	stream.indirect_vreg.gather [hbm4b:s14+s3], $0x80, v10, vm0, $0xb8;
	[tilespmem:$0x19B80] =	vst v63  }
0x106: {  	s30 =	simm.s32 $0xBB80  }
0x107: {  	[tilespmem:s30], [sflag:$0x1] =	stream.indirect_vreg.gather [hbm4b:s11+s3], $0x80, v9, vm0, $0xb8;
	[tilespmem:$0x19B80] =	vst v63  }
0x108: {  	s30 =	simm.s32 $0xC380  }
0x109: {  	[tilespmem:s30], [sflag:$0x1] =	stream.indirect_vreg.gather [hbm4b:s20+s3], $0x80, v9, vm0, $0xb8;
	[tilespmem:$0x19B80] =	vst v63  }
0x10a: {  	s30 =	simm.s32 $0xCB80  }
0x10b: {  	[tilespmem:s30], [sflag:$0x1] =	stream.indirect_vreg.gather [hbm4b:s13+s3], $0x80, v9, vm0, $0xb8;
	[tilespmem:$0x19B80] =	vst v63  }
0x10c: {  	s30 =	simm.s32 $0xD380  }
0x10d: {  	[tilespmem:s30], [sflag:$0x1] =	stream.indirect_vreg.gather [hbm4b:s14+s3], $0x80, v9, vm0, $0xb8;
	[tilespmem:$0x19B80] =	vst v63  }
0x10e: {  	v9 =	vld [tilespmem:$0x9B10];
	_ =	sdelay $0x4  }
0x10f: {  	v54 =	vshll.u32 v9, $0x3  }
0x110: {  	v9 =	vand.u32 $0x7, v9;
	v10 =	vand.u32 $0xFFFFFFC0, v54  }
0x111: {  	v9 =	vor.u32 v9, v10  }
0x112: {  	v10 =	vperm.xlane v9, v6;
	_ =	sdelay $0x1  }
0x113: {  	v10 =	vadd.s32 v7, v10;
	_ =	sdelay $0x3  }
0x114: {  	s30 =	simm.s32 $0xDB80  }
0x115: {  	[tilespmem:s30], [sflag:$0x1] =	stream.indirect_vreg.gather [hbm4b:s11+s3], $0x80, v10, vm0, $0xb8;
	[tilespmem:$0x19B80] =	vst v63  }
0x116: {  	v9 =	vperm.xlane v9, v40;
	s30 =	simm.s32 $0xE380  }
0x117: {  	[tilespmem:s30], [sflag:$0x1] =	stream.indirect_vreg.gather [hbm4b:s20+s3], $0x80, v10, vm0, $0xb8;
	[tilespmem:$0x19B80] =	vst v63  }
0x118: {  	v9 =	vadd.s32 v7, v9;
	s30 =	simm.s32 $0xEB80  }
0x119: {  	[tilespmem:s30], [sflag:$0x1] =	stream.indirect_vreg.gather [hbm4b:s13+s3], $0x80, v10, vm0, $0xb8;
	[tilespmem:$0x19B80] =	vst v63  }
0x11a: {  	s30 =	simm.s32 $0xF380  }
0x11b: {  	[tilespmem:s30], [sflag:$0x1] =	stream.indirect_vreg.gather [hbm4b:s14+s3], $0x80, v10, vm0, $0xb8;
	[tilespmem:$0x19B80] =	vst v63  }
0x11c: {  	s30 =	simm.s32 $0xFB80  }
0x11d: {  	[tilespmem:s30], [sflag:$0x1] =	stream.indirect_vreg.gather [hbm4b:s11+s3], $0x80, v9, vm0, $0xb8;
	[tilespmem:$0x19B80] =	vst v63  }
0x11e: {  	s30 =	simm.s32 $0x10380  }
0x11f: {  	[tilespmem:s30], [sflag:$0x1] =	stream.indirect_vreg.gather [hbm4b:s20+s3], $0x80, v9, vm0, $0xb8;
	[tilespmem:$0x19B80] =	vst v63  }
0x120: {  	s30 =	simm.s32 $0x10B80  }
0x121: {  	[tilespmem:s30], [sflag:$0x1] =	stream.indirect_vreg.gather [hbm4b:s13+s3], $0x80, v9, vm0, $0xb8;
	[tilespmem:$0x19B80] =	vst v63  }
0x122: {  	s30 =	simm.s32 $0x11380  }
0x123: {  	[tilespmem:s30], [sflag:$0x1] =	stream.indirect_vreg.gather [hbm4b:s14+s3], $0x80, v9, vm0, $0xb8;
	[tilespmem:$0x19B80] =	vst v63  }
0x124: {  	s30 =	rddreg [dreg:$0x11]  }
0x125: {  	[hbm4b:s30+s3] =	stream.linear.scatter [tilespmem:s5], [sflag:$0x2], $0x8000, $0x38;
	[tilespmem:$0x19B80] =	vst v63  }
0x126: {  	_ =	swait.ge [sflag:s19], $0x8000  }
0x127: {  	[sflag:s19] =	ssyncset.done $0x0  }
0x128: {  	[sflag:s19] =	ssyncadd.s32 $0xFFFF8000  }
0x129: {  	_ =	swait.ge [sflag:s1], $0x8000  }
0x12a: {  	[sflag:s1] =	ssyncset.done $0x0  }
0x12b: {  	[sflag:s1] =	ssyncadd.s32 $0xFFFF8000  }
0x12c: {  	v55 =	vld [tilespmem:$0x9B20];
	_ =	sdelay $0x4  }
0x12d: {  	v56 =	vshll.u32 v55, $0x3  }
0x12e: {  	v9 =	vand.u32 $0x7, v55;
	v10 =	vand.u32 $0xFFFFFFC0, v56  }
0x12f: {  	v9 =	vor.u32 v9, v10  }
0x130: {  	v10 =	vperm.xlane v9, v6;
	_ =	sdelay $0x1  }
0x131: {  	v10 =	vadd.s32 v7, v10;
	_ =	sdelay $0x4  }
0x132: {  	[tilespmem:s5], [sflag:$0x1] =	stream.indirect_vreg.gather [hbm4b:s11+s3], $0x80, v10, vm0, $0xb8;
	[tilespmem:$0x19B80] =	vst v63  }
0x133: {  	s18 =	simm.s32 $0x12380;
	v9 =	vperm.xlane v9, v40  }
0x134: {  	[tilespmem:s18], [sflag:$0x1] =	stream.indirect_vreg.gather [hbm4b:s20+s3], $0x80, v10, vm0, $0xb8;
	[tilespmem:$0x19B80] =	vst v63  }
0x135: {  	s28 =	simm.s32 $0x12B80;
	v9 =	vadd.s32 v7, v9  }
0x136: {  	[tilespmem:s28], [sflag:$0x1] =	stream.indirect_vreg.gather [hbm4b:s13+s3], $0x80, v10, vm0, $0xb8;
	[tilespmem:$0x19B80] =	vst v63  }
0x137: {  	s17 =	simm.s32 $0x13380  }
0x138: {  	[tilespmem:s17], [sflag:$0x1] =	stream.indirect_vreg.gather [hbm4b:s14+s3], $0x80, v10, vm0, $0xb8;
	[tilespmem:$0x19B80] =	vst v63  }
0x139: {  	s9 =	simm.s32 $0x13B80  }
0x13a: {  	[tilespmem:s9], [sflag:$0x1] =	stream.indirect_vreg.gather [hbm4b:s11+s3], $0x80, v9, vm0, $0xb8;
	[tilespmem:$0x19B80] =	vst v63  }
0x13b: {  	s16 =	simm.s32 $0x14380  }
0x13c: {  	[tilespmem:s16], [sflag:$0x1] =	stream.indirect_vreg.gather [hbm4b:s20+s3], $0x80, v9, vm0, $0xb8;
	[tilespmem:$0x19B80] =	vst v63  }
0x13d: {  	s23 =	simm.s32 $0x14B80  }
0x13e: {  	[tilespmem:s23], [sflag:$0x1] =	stream.indirect_vreg.gather [hbm4b:s13+s3], $0x80, v9, vm0, $0xb8;
	[tilespmem:$0x19B80] =	vst v63  }
0x13f: {  	s21 =	simm.s32 $0x15380  }
0x140: {  	[tilespmem:s21], [sflag:$0x1] =	stream.indirect_vreg.gather [hbm4b:s14+s3], $0x80, v9, vm0, $0xb8;
	[tilespmem:$0x19B80] =	vst v63  }
0x141: {  	v9 =	vld [tilespmem:$0x9B30];
	_ =	sdelay $0x4  }
0x142: {  	v57 =	vshll.u32 v9, $0x3  }
0x143: {  	v9 =	vand.u32 $0x7, v9;
	v10 =	vand.u32 $0xFFFFFFC0, v57  }
0x144: {  	v9 =	vor.u32 v9, v10  }
0x145: {  	v10 =	vperm.xlane v9, v6;
	_ =	sdelay $0x1  }
0x146: {  	v10 =	vadd.s32 v7, v10;
	_ =	sdelay $0x3  }
0x147: {  	s24 =	simm.s32 $0x15B80  }
0x148: {  	[tilespmem:s24], [sflag:$0x1] =	stream.indirect_vreg.gather [hbm4b:s11+s3], $0x80, v10, vm0, $0xb8;
	[tilespmem:$0x19B80] =	vst v63  }
0x149: {  	s25 =	simm.s32 $0x16380;
	v9 =	vperm.xlane v9, v40  }
0x14a: {  	[tilespmem:s25], [sflag:$0x1] =	stream.indirect_vreg.gather [hbm4b:s20+s3], $0x80, v10, vm0, $0xb8;
	[tilespmem:$0x19B80] =	vst v63  }
0x14b: {  	s7 =	simm.s32 $0x16B80;
	v9 =	vadd.s32 v7, v9  }
0x14c: {  	[tilespmem:s7], [sflag:$0x1] =	stream.indirect_vreg.gather [hbm4b:s13+s3], $0x80, v10, vm0, $0xb8;
	[tilespmem:$0x19B80] =	vst v63  }
0x14d: {  	s6 =	simm.s32 $0x17380  }
0x14e: {  	[tilespmem:s6], [sflag:$0x1] =	stream.indirect_vreg.gather [hbm4b:s14+s3], $0x80, v10, vm0, $0xb8;
	[tilespmem:$0x19B80] =	vst v63  }
0x14f: {  	s8 =	simm.s32 $0x17B80  }
0x150: {  	[tilespmem:s8], [sflag:$0x1] =	stream.indirect_vreg.gather [hbm4b:s11+s3], $0x80, v9, vm0, $0xb8;
	[tilespmem:$0x19B80] =	vst v63  }
0x151: {  	s10 =	simm.s32 $0x18380  }
0x152: {  	[tilespmem:s10], [sflag:$0x1] =	stream.indirect_vreg.gather [hbm4b:s20+s3], $0x80, v9, vm0, $0xb8;
	[tilespmem:$0x19B80] =	vst v63  }
0x153: {  	s15 =	simm.s32 $0x18B80  }
0x154: {  	[tilespmem:s15], [sflag:$0x1] =	stream.indirect_vreg.gather [hbm4b:s13+s3], $0x80, v9, vm0, $0xb8;
	[tilespmem:$0x19B80] =	vst v63  }
0x155: {  	s9 =	simm.s32 $0x19380  }
0x156: {  	[tilespmem:s9], [sflag:$0x1] =	stream.indirect_vreg.gather [hbm4b:s14+s3], $0x80, v9, vm0, $0xb8;
	[tilespmem:$0x19B80] =	vst v63  }
0x157: {  	s9 =	rddreg [dreg:$0x12]  }
0x158: {  	[hbm4b:s9+s3] =	stream.linear.scatter [tilespmem:s22], [sflag:$0x2], $0x8000, $0x38;
	[tilespmem:$0x19B80] =	vst v63  }
0x159: {  	_ =	swait.ge [sflag:s19], $0x8000  }
0x15a: {  	[sflag:s19] =	ssyncset.done $0x0  }
0x15b: {  	[sflag:s19] =	ssyncadd.s32 $0xFFFF8000  }
0x15c: {  	_ =	swait.ge [sflag:s1], $0x8000  }
0x15d: {  	[sflag:s1] =	ssyncset.done $0x0  }
0x15e: {  	[sflag:s1] =	ssyncadd.s32 $0xFFFF8000  }
0x15f: {  	v58 =	vld [tilespmem:$0x9B40];
	_ =	sdelay $0x4  }
0x160: {  	v59 =	vshll.u32 v58, $0x3  }
0x161: {  	v9 =	vand.u32 $0x7, v58;
	v10 =	vand.u32 $0xFFFFFFC0, v59  }
0x162: {  	v9 =	vor.u32 v9, v10  }
0x163: {  	v10 =	vperm.xlane v9, v6;
	_ =	sdelay $0x1  }
0x164: {  	v10 =	vadd.s32 v7, v10;
	_ =	sdelay $0x4  }
0x165: {  	[tilespmem:s22], [sflag:$0x1] =	stream.indirect_vreg.gather [hbm4b:s11+s3], $0x80, v10, vm0, $0xb8;
	[tilespmem:$0x19B80] =	vst v63  }
0x166: {  	s9 =	simm.s32 $0xA380;
	v9 =	vperm.xlane v9, v40  }
0x167: {  	[tilespmem:s9], [sflag:$0x1] =	stream.indirect_vreg.gather [hbm4b:s20+s3], $0x80, v10, vm0, $0xb8;
	[tilespmem:$0x19B80] =	vst v63  }
0x168: {  	s31 =	simm.s32 $0xAB80;
	v9 =	vadd.s32 v7, v9  }
0x169: {  	[tilespmem:s31], [sflag:$0x1] =	stream.indirect_vreg.gather [hbm4b:s13+s3], $0x80, v10, vm0, $0xb8;
	[tilespmem:$0x19B80] =	vst v63  }
0x16a: {  	s31 =	simm.s32 $0xB380  }
0x16b: {  	[tilespmem:s31], [sflag:$0x1] =	stream.indirect_vreg.gather [hbm4b:s14+s3], $0x80, v10, vm0, $0xb8;
	[tilespmem:$0x19B80] =	vst v63  }
0x16c: {  	s31 =	simm.s32 $0xBB80  }
0x16d: {  	[tilespmem:s31], [sflag:$0x1] =	stream.indirect_vreg.gather [hbm4b:s11+s3], $0x80, v9, vm0, $0xb8;
	[tilespmem:$0x19B80] =	vst v63  }
0x16e: {  	s31 =	simm.s32 $0xC380  }
0x16f: {  	[tilespmem:s31], [sflag:$0x1] =	stream.indirect_vreg.gather [hbm4b:s20+s3], $0x80, v9, vm0, $0xb8;
	[tilespmem:$0x19B80] =	vst v63  }
0x170: {  	s31 =	simm.s32 $0xCB80  }
0x171: {  	[tilespmem:s31], [sflag:$0x1] =	stream.indirect_vreg.gather [hbm4b:s13+s3], $0x80, v9, vm0, $0xb8;
	[tilespmem:$0x19B80] =	vst v63  }
0x172: {  	s31 =	simm.s32 $0xD380  }
0x173: {  	[tilespmem:s31], [sflag:$0x1] =	stream.indirect_vreg.gather [hbm4b:s14+s3], $0x80, v9, vm0, $0xb8;
	[tilespmem:$0x19B80] =	vst v63  }
0x174: {  	v9 =	vld [tilespmem:$0x9B50];
	_ =	sdelay $0x4  }
0x175: {  	v60 =	vshll.u32 v9, $0x3  }
0x176: {  	v9 =	vand.u32 $0x7, v9;
	v10 =	vand.u32 $0xFFFFFFC0, v60  }
0x177: {  	v9 =	vor.u32 v9, v10  }
0x178: {  	v10 =	vperm.xlane v9, v6;
	_ =	sdelay $0x1  }
0x179: {  	v10 =	vadd.s32 v7, v10;
	_ =	sdelay $0x3  }
0x17a: {  	s31 =	simm.s32 $0xDB80  }
0x17b: {  	[tilespmem:s31], [sflag:$0x1] =	stream.indirect_vreg.gather [hbm4b:s11+s3], $0x80, v10, vm0, $0xb8;
	[tilespmem:$0x19B80] =	vst v63  }
0x17c: {  	v9 =	vperm.xlane v9, v40;
	s31 =	simm.s32 $0xE380  }
0x17d: {  	[tilespmem:s31], [sflag:$0x1] =	stream.indirect_vreg.gather [hbm4b:s20+s3], $0x80, v10, vm0, $0xb8;
	[tilespmem:$0x19B80] =	vst v63  }
0x17e: {  	v9 =	vadd.s32 v7, v9;
	s31 =	simm.s32 $0xEB80  }
0x17f: {  	[tilespmem:s31], [sflag:$0x1] =	stream.indirect_vreg.gather [hbm4b:s13+s3], $0x80, v10, vm0, $0xb8;
	[tilespmem:$0x19B80] =	vst v63  }
0x180: {  	s31 =	simm.s32 $0xF380  }
0x181: {  	[tilespmem:s31], [sflag:$0x1] =	stream.indirect_vreg.gather [hbm4b:s14+s3], $0x80, v10, vm0, $0xb8;
	[tilespmem:$0x19B80] =	vst v63  }
0x182: {  	s31 =	simm.s32 $0xFB80  }
0x183: {  	[tilespmem:s31], [sflag:$0x1] =	stream.indirect_vreg.gather [hbm4b:s11+s3], $0x80, v9, vm0, $0xb8;
	[tilespmem:$0x19B80] =	vst v63  }
0x184: {  	s31 =	simm.s32 $0x10380  }
0x185: {  	[tilespmem:s31], [sflag:$0x1] =	stream.indirect_vreg.gather [hbm4b:s20+s3], $0x80, v9, vm0, $0xb8;
	[tilespmem:$0x19B80] =	vst v63  }
0x186: {  	s31 =	simm.s32 $0x10B80  }
0x187: {  	[tilespmem:s31], [sflag:$0x1] =	stream.indirect_vreg.gather [hbm4b:s13+s3], $0x80, v9, vm0, $0xb8;
	[tilespmem:$0x19B80] =	vst v63  }
0x188: {  	s31 =	simm.s32 $0x11380  }
0x189: {  	[tilespmem:s31], [sflag:$0x1] =	stream.indirect_vreg.gather [hbm4b:s14+s3], $0x80, v9, vm0, $0xb8;
	[tilespmem:$0x19B80] =	vst v63  }
0x18a: {  	s31 =	rddreg [dreg:$0x13]  }
0x18b: {  	[hbm4b:s31+s3] =	stream.linear.scatter [tilespmem:s5], [sflag:$0x2], $0x8000, $0x38;
	[tilespmem:$0x19B80] =	vst v63  }
0x18c: {  	_ =	swait.ge [sflag:s19], $0x8000  }
0x18d: {  	[sflag:s19] =	ssyncset.done $0x0  }
0x18e: {  	[sflag:s19] =	ssyncadd.s32 $0xFFFF8000  }
0x18f: {  	_ =	swait.ge [sflag:s1], $0x8000  }
0x190: {  	[sflag:s1] =	ssyncset.done $0x0  }
0x191: {  	[sflag:s1] =	ssyncadd.s32 $0xFFFF8000  }
0x192: {  	v61 =	vld [tilespmem:$0x9B60];
	_ =	sdelay $0x4  }
0x193: {  	v62 =	vshll.u32 v61, $0x3  }
0x194: {  	v9 =	vand.u32 $0x7, v61;
	v10 =	vand.u32 $0xFFFFFFC0, v62  }
0x195: {  	v9 =	vor.u32 v9, v10  }
0x196: {  	v10 =	vperm.xlane v9, v6;
	_ =	sdelay $0x1  }
0x197: {  	v10 =	vadd.s32 v7, v10;
	_ =	sdelay $0x4  }
0x198: {  	[tilespmem:s5], [sflag:$0x1] =	stream.indirect_vreg.gather [hbm4b:s11+s3], $0x80, v10, vm0, $0xb8;
	[tilespmem:$0x19B80] =	vst v63  }
0x199: {  	s18 =	simm.s32 $0x12380;
	v9 =	vperm.xlane v9, v40  }
0x19a: {  	[tilespmem:s18], [sflag:$0x1] =	stream.indirect_vreg.gather [hbm4b:s20+s3], $0x80, v10, vm0, $0xb8;
	[tilespmem:$0x19B80] =	vst v63  }
0x19b: {  	s28 =	simm.s32 $0x12B80;
	v9 =	vadd.s32 v7, v9  }
0x19c: {  	[tilespmem:s28], [sflag:$0x1] =	stream.indirect_vreg.gather [hbm4b:s13+s3], $0x80, v10, vm0, $0xb8;
	[tilespmem:$0x19B80] =	vst v63  }
0x19d: {  	s17 =	simm.s32 $0x13380  }
0x19e: {  	[tilespmem:s17], [sflag:$0x1] =	stream.indirect_vreg.gather [hbm4b:s14+s3], $0x80, v10, vm0, $0xb8;
	[tilespmem:$0x19B80] =	vst v63  }
0x19f: {  	s30 =	simm.s32 $0x13B80  }
0x1a0: {  	[tilespmem:s30], [sflag:$0x1] =	stream.indirect_vreg.gather [hbm4b:s11+s3], $0x80, v9, vm0, $0xb8;
	[tilespmem:$0x19B80] =	vst v63  }
0x1a1: {  	s16 =	simm.s32 $0x14380  }
0x1a2: {  	[tilespmem:s16], [sflag:$0x1] =	stream.indirect_vreg.gather [hbm4b:s20+s3], $0x80, v9, vm0, $0xb8;
	[tilespmem:$0x19B80] =	vst v63  }
0x1a3: {  	s23 =	simm.s32 $0x14B80  }
0x1a4: {  	[tilespmem:s23], [sflag:$0x1] =	stream.indirect_vreg.gather [hbm4b:s13+s3], $0x80, v9, vm0, $0xb8;
	[tilespmem:$0x19B80] =	vst v63  }
0x1a5: {  	s21 =	simm.s32 $0x15380  }
0x1a6: {  	[tilespmem:s21], [sflag:$0x1] =	stream.indirect_vreg.gather [hbm4b:s14+s3], $0x80, v9, vm0, $0xb8;
	[tilespmem:$0x19B80] =	vst v63  }
0x1a7: {  	v9 =	vld [tilespmem:$0x9B70];
	_ =	sdelay $0x4  }
0x1a8: {  	v63 =	vshll.u32 v9, $0x3  }
0x1a9: {  	v9 =	vand.u32 $0x7, v9;
	v10 =	vand.u32 $0xFFFFFFC0, v63  }
0x1aa: {  	v9 =	vor.u32 v9, v10  }
0x1ab: {  	v6 =	vperm.xlane v9, v6;
	_ =	sdelay $0x1  }
0x1ac: {  	v6 =	vadd.s32 v7, v6;
	_ =	sdelay $0x3  }
0x1ad: {  	s24 =	simm.s32 $0x15B80  }
0x1ae: {  	[tilespmem:s24], [sflag:$0x1] =	stream.indirect_vreg.gather [hbm4b:s11+s3], $0x80, v6, vm0, $0xb8;
	[tilespmem:$0x19B80] =	vst v63  }
0x1af: {  	s25 =	simm.s32 $0x16380;
	v8 =	vperm.xlane v9, v40  }
0x1b0: {  	[tilespmem:s25], [sflag:$0x1] =	stream.indirect_vreg.gather [hbm4b:s20+s3], $0x80, v6, vm0, $0xb8;
	[tilespmem:$0x19B80] =	vst v63  }
0x1b1: {  	s7 =	simm.s32 $0x16B80;
	v7 =	vadd.s32 v7, v8  }
0x1b2: {  	[tilespmem:s7], [sflag:$0x1] =	stream.indirect_vreg.gather [hbm4b:s13+s3], $0x80, v6, vm0, $0xb8;
	[tilespmem:$0x19B80] =	vst v63  }
0x1b3: {  	s6 =	simm.s32 $0x17380  }
0x1b4: {  	[tilespmem:s6], [sflag:$0x1] =	stream.indirect_vreg.gather [hbm4b:s14+s3], $0x80, v6, vm0, $0xb8;
	[tilespmem:$0x19B80] =	vst v63  }
0x1b5: {  	s8 =	simm.s32 $0x17B80  }
0x1b6: {  	[tilespmem:s8], [sflag:$0x1] =	stream.indirect_vreg.gather [hbm4b:s11+s3], $0x80, v7, vm0, $0xb8;
	[tilespmem:$0x19B80] =	vst v63  }
0x1b7: {  	s10 =	simm.s32 $0x18380  }
0x1b8: {  	[tilespmem:s10], [sflag:$0x1] =	stream.indirect_vreg.gather [hbm4b:s20+s3], $0x80, v7, vm0, $0xb8;
	[tilespmem:$0x19B80] =	vst v63  }
0x1b9: {  	s15 =	simm.s32 $0x18B80  }
0x1ba: {  	[tilespmem:s15], [sflag:$0x1] =	stream.indirect_vreg.gather [hbm4b:s13+s3], $0x80, v7, vm0, $0xb8;
	[tilespmem:$0x19B80] =	vst v63  }
0x1bb: {  	s25 =	simm.s32 $0x19380  }
0x1bc: {  	[tilespmem:s25], [sflag:$0x1] =	stream.indirect_vreg.gather [hbm4b:s14+s3], $0x80, v7, vm0, $0xb8;
	[tilespmem:$0x19B80] =	vst v63  }
0x1bd: {  	s28 =	rddreg [dreg:$0x14]  }
0x1be: {  	[hbm4b:s28+s3] =	stream.linear.scatter [tilespmem:s22], [sflag:$0x2], $0x8000, $0x38;
	[tilespmem:$0x19B80] =	vst v63  }
0x1bf: {  	_ =	swait.ge [sflag:s19], $0x8000  }
0x1c0: {  	[sflag:s19] =	ssyncset.done $0x0  }
0x1c1: {  	[sflag:s19] =	ssyncadd.s32 $0xFFFF8000  }
0x1c2: {  	_ =	swait.ge [sflag:s1], $0x8000  }
0x1c3: {  	[sflag:s1] =	ssyncset.done $0x0  }
0x1c4: {  	s30 =	rddreg [dreg:$0x15];
	[sflag:s1] =	ssyncadd.s32 $0xFFFF8000  }
0x1c5: {  	[hbm4b:s30+s3] =	stream.linear.scatter [tilespmem:s5], [sflag:$0x2], $0x8000, $0x38;
	[tilespmem:$0x19B80] =	vst v63  }
0x1c6: {  	s5 =	rddreg [dreg:$0xd];
	_ =	swait.ge [sflag:s1], $0x8000  }
0x1c7: {  	[sflag:s1] =	ssyncset.done $0x0  }
0x1c8: {  	[sflag:s1] =	ssyncadd.s32 $0xFFFF8000  }
0x1c9: {  	_ =	swait.ge [sflag:s1], $0x8000  }
0x1ca: {  	s12 =	sadd.s32 $0x1, s12;
	s31 =	rddreg [dreg:$0x16]  }
0x1cb: {  	p1 =	sne.s32 s12, s31  }
.Ltmp1:
0x1cc: {  	_ = 	snop;
	(pc) =	sbr.rel @!p1 .LBB2_35-.Ltmp1, $3  }
0x1cd: {  	_ =	sdelay $0x1  }
0x1ce: {  	[sflag:s1] =	ssyncset.done $0x0  }
0x1cf: {  	s9 =	simm.s32 $0x3;
	[sflag:s1] =	ssyncadd.s32 $0xFFFF8000  }
.LBB2_1:
.Ltmp2:
0x1d0: {  	(pc) =	sbr.rel @p0 .LBB2_34-.Ltmp2, $1  }
0x1d1: {  	_ =	sdelay $0x3  }
0x1d2: {  	s1 =	smov.u32 s12;
	s5 =	simm.s32 $0x80  }
0x1d3: {  	s12 =	simm.s32 $0x0;
	s4 =	rddreg [dreg:$0x7];
	s7 =	simm.s32 $0x200  }
0x1d4: {  	[tilespmem:s12], [sflag:$0x3] =	stream.strided.gather [hbm4b:s4+s5], $0x2000, s7, s5, $0x38;
	[tilespmem:$0x19B80] =	vst v63  }
0x1d5: {  	_ =	swait.ge [sflag:s9], $0x2000  }
0x1d6: {  	[sflag:s9] =	ssyncset.done $0x0  }
0x1d7: {  	s8 =	simm.s32 $0x4000;
	s28 =	rddreg [dreg:$0x8];
	[sflag:s9] =	ssyncadd.s32 $0xFFFFE000  }
0x1d8: {  	[tilespmem:s8], [sflag:$0x3] =	stream.strided.gather [hbm4b:s28+s5], $0x2000, s7, s5, $0x38;
	[tilespmem:$0x19B80] =	vst v63  }
0x1d9: {  	_ =	swait.ge [sflag:s9], $0x2000  }
0x1da: {  	[sflag:s9] =	ssyncset.done $0x0  }
0x1db: {  	s31 =	simm.s32 $0x2000;
	s30 =	rddreg [dreg:$0x9];
	[sflag:s9] =	ssyncadd.s32 $0xFFFFE000  }
0x1dc: {  	[tilespmem:s31], [sflag:$0x3] =	stream.strided.gather [hbm4b:s30+s5], $0x2000, s7, s5, $0x38;
	[tilespmem:$0x19B80] =	vst v63  }
0x1dd: {  	_ =	swait.ge [sflag:s9], $0x2000  }
0x1de: {  	[sflag:s9] =	ssyncset.done $0x0  }
0x1df: {  	[sflag:s9] =	ssyncadd.s32 $0xFFFFE000  }
0x1e0: {  	[tilespmem:$0x8080] =	vst v1  }
0x1e1: {  	[tilespmem:$0x8090] =	vst v1  }
0x1e2: {  	[tilespmem:$0x80A0] =	vst v1  }
0x1e3: {  	[tilespmem:$0x80B0] =	vst v1  }
0x1e4: {  	[tilespmem:$0x80C0] =	vst v1  }
0x1e5: {  	[tilespmem:$0x80D0] =	vst v1  }
0x1e6: {  	[tilespmem:$0x80E0] =	vst v1  }
0x1e7: {  	[tilespmem:$0x80F0] =	vst v1  }
0x1e8: {  	[tilespmem:$0x8100] =	vst v1  }
0x1e9: {  	[tilespmem:$0x8110] =	vst v1  }
0x1ea: {  	[tilespmem:$0x8120] =	vst v1  }
0x1eb: {  	[tilespmem:$0x8130] =	vst v1  }
0x1ec: {  	[tilespmem:$0x8140] =	vst v1  }
0x1ed: {  	[tilespmem:$0x8150] =	vst v1  }
0x1ee: {  	[tilespmem:$0x8160] =	vst v1  }
0x1ef: {  	s4 =	simm.s32 $0x0;
	[tilespmem:$0x8170] =	vst v1  }
.LBB2_3:
0x1f0: {  	s5 =	sshra.s32 s4, $0x2  }
0x1f1: {  	v6 =	vld [tilespmem:s5+$0x4000];
	_ =	sdelay $0x4  }
0x1f2: {  	v7 =	vshrl.u32 v6, $0x18;
	vm0 =	vlt.s32 v6, $0x0  }
0x1f3: {  	v6 =	vand.u32 $0x7F, v7;
	v7 =	vsel vm0, $0x0, v2  }
0x1f4: {  	v6 =	vor.u32 v6, v7;
	_ =	sdelay $0x4  }
0x1f5: {  	[tilespmem:v6+s29+$0x0] =	vst.idx.add.s32.msk $0xffff, v3  }
0x1f6: {  	v6 =	vld [tilespmem:s5+$0x4010];
	_ =	sdelay $0x4  }
0x1f7: {  	v7 =	vshrl.u32 v6, $0x18;
	vm9 =	vlt.s32 v6, $0x0  }
0x1f8: {  	v6 =	vand.u32 $0x7F, v7;
	v7 =	vsel vm9, $0x0, v2  }
0x1f9: {  	v6 =	vor.u32 v6, v7;
	_ =	sdelay $0x4  }
0x1fa: {  	[tilespmem:v6+s29+$0x0] =	vst.idx.add.s32.msk $0xffff, v3  }
0x1fb: {  	v6 =	vld [tilespmem:s5+$0x4020];
	_ =	sdelay $0x4  }
0x1fc: {  	v7 =	vshrl.u32 v6, $0x18;
	vm10 =	vlt.s32 v6, $0x0  }
0x1fd: {  	v6 =	vand.u32 $0x7F, v7;
	v7 =	vsel vm10, $0x0, v2  }
0x1fe: {  	v6 =	vor.u32 v6, v7;
	_ =	sdelay $0x4  }
0x1ff: {  	[tilespmem:v6+s29+$0x0] =	vst.idx.add.s32.msk $0xffff, v3  }
0x200: {  	v6 =	vld [tilespmem:s5+$0x4030];
	_ =	sdelay $0x4  }
0x201: {  	v7 =	vshrl.u32 v6, $0x18;
	vm11 =	vlt.s32 v6, $0x0  }
0x202: {  	v6 =	vand.u32 $0x7F, v7;
	v7 =	vsel vm11, $0x0, v2  }
0x203: {  	v6 =	vor.u32 v6, v7;
	_ =	sdelay $0x4  }
0x204: {  	[tilespmem:v6+s29+$0x0] =	vst.idx.add.s32.msk $0xffff, v3  }
0x205: {  	v6 =	vld [tilespmem:s5+$0x4040];
	_ =	sdelay $0x4  }
0x206: {  	v7 =	vshrl.u32 v6, $0x18;
	vm12 =	vlt.s32 v6, $0x0  }
0x207: {  	v6 =	vand.u32 $0x7F, v7;
	v7 =	vsel vm12, $0x0, v2  }
0x208: {  	v6 =	vor.u32 v6, v7;
	_ =	sdelay $0x4  }
0x209: {  	[tilespmem:v6+s29+$0x0] =	vst.idx.add.s32.msk $0xffff, v3  }
0x20a: {  	v6 =	vld [tilespmem:s5+$0x4050];
	_ =	sdelay $0x4  }
0x20b: {  	v7 =	vshrl.u32 v6, $0x18;
	vm13 =	vlt.s32 v6, $0x0  }
0x20c: {  	v6 =	vand.u32 $0x7F, v7;
	v7 =	vsel vm13, $0x0, v2  }
0x20d: {  	v6 =	vor.u32 v6, v7;
	_ =	sdelay $0x4  }
0x20e: {  	[tilespmem:v6+s29+$0x0] =	vst.idx.add.s32.msk $0xffff, v3  }
0x20f: {  	v6 =	vld [tilespmem:s5+$0x4060];
	_ =	sdelay $0x4  }
0x210: {  	v7 =	vshrl.u32 v6, $0x18;
	vm14 =	vlt.s32 v6, $0x0  }
0x211: {  	v6 =	vand.u32 $0x7F, v7;
	v7 =	vsel vm14, $0x0, v2  }
0x212: {  	v6 =	vor.u32 v6, v7;
	_ =	sdelay $0x4  }
0x213: {  	[tilespmem:v6+s29+$0x0] =	vst.idx.add.s32.msk $0xffff, v3  }
0x214: {  	v6 =	vld [tilespmem:s5+$0x4070];
	_ =	sdelay $0x4  }
0x215: {  	v7 =	vshrl.u32 v6, $0x18;
	vm15 =	vlt.s32 v6, $0x0  }
0x216: {  	v6 =	vand.u32 $0x7F, v7;
	v7 =	vsel vm15, $0x0, v2  }
0x217: {  	p1 =	seq.s32 s4, $0x7E00;
	v6 =	vor.u32 v6, v7  }
.Ltmp3:
0x218: {  	_ = 	snop;
	(pc) =	sbr.rel @!p1 .LBB2_3-.Ltmp3, $2  }
0x219: {  	_ =	sdelay $0x2  }
0x21a: {  	s4 =	sadd.s32 $0x200, s4;
	[tilespmem:v6+s29+$0x0] =	vst.idx.add.s32.msk $0xffff, v3  }
0x21b: {  	s4 =	sshra.s32 s12, $0x2  }
0x21c: {  	v6 =	vld [tilespmem:s4+$0x8080];
	_ =	sdelay $0x4  }
0x21d: {  	(xrf0) =	vadd.scan.msk.s32 $0xffff, v6;
	_ =	sdelay $0x5  }
0x21e: {  	v6, _, _ =	vpop (xrf0)  }
0x21f: {  	v6 =	vadd.s32 s12, v6  }
0x220: {  	v7 =	vxor.u32 $0x80000000, v6  }
0x221: {  	(xrf0) =	vmax.scan.msk.u32 $0xffff, v7;
	_ =	sdelay $0x5  }
0x222: {  	v7, _, _ =	vpop (xrf0)  }
0x223: {  	(v2sf) =	vpush v7, $0xF;
	_ =	sdelay $0x2  }
0x224: {  	s5 =	sadd.s32 $0x40, s12  }
0x225: {  	s12 =	sshra.s32 s5, $0x2;
	[tilespmem:s4+$0x8180] =	vst v6;
	s4 =	sadd.s32 $0x40, s5  }
.LBB2_5:
0x226: {  	p1 =	seq.s32 s4, $0x3C0;
	v6 =	vld [tilespmem:s12+$0x8080];
	_ =	sdelay $0x4  }
0x227: {  	(xrf0) =	vadd.scan.msk.s32 $0xffff, v6;
	_ =	sdelay $0x4  }
0x228: {  	s5 =	spop (v2sf)  }
0x229: {  	v6, _, _ =	vpop (xrf0);
	s5 =	sxor.u32 $0x80000000, s5  }
0x22a: {  	v6 =	vadd.s32 s5, v6  }
0x22b: {  	[tilespmem:s12+$0x8180] =	vst v6;
	v6 =	vxor.u32 $0x80000000, v6  }
0x22c: {  	(xrf0) =	vmax.scan.msk.u32 $0xffff, v6;
	_ =	sdelay $0x5  }
0x22d: {  	v6, _, _ =	vpop (xrf0)  }
.Ltmp4:
0x22e: {  	(v2sf) =	vpush v6, $0xF;
	(pc) =	sbr.rel @!p1 .LBB2_5-.Ltmp4, $2  }
0x22f: {  	_ =	sdelay $0x2  }
0x230: {  	s12 =	sshra.s32 s4, $0x2;
	s4 =	sadd.s32 $0x40, s4  }
0x231: {  	v6 =	vld [tilespmem:s12+$0x8080];
	_ =	sdelay $0x4  }
0x232: {  	(xrf0) =	vadd.scan.msk.s32 $0xffff, v6;
	_ =	sdelay $0x4  }
0x233: {  	s4 =	spop (v2sf)  }
0x234: {  	v6, _, _ =	vpop (xrf0);
	s4 =	sxor.u32 $0x80000000, s4  }
0x235: {  	v6 =	vadd.s32 s4, v6  }
0x236: {  	v7 =	vxor.u32 $0x80000000, v6  }
0x237: {  	(xrf0) =	vmax.scan.msk.u32 $0xffff, v7;
	_ =	sdelay $0x5  }
0x238: {  	v7, _, _ =	vpop (xrf0)  }
0x239: {  	(v2sf) =	vpush v7, $0xF;
	_ =	sdelay $0xb  }
0x23a: {  	s25 =	simm.s32 $0x0;
	[tilespmem:s12+$0x8180] =	vst v6  }
0x23b: {  	v7 =	vld [tilespmem:s25+$0x8180]  }
0x23c: {  	s28 =	simm.s32 $0x10  }
0x23d: {  	s30 =	simm.s32 $0x20;
	v8 =	vld [tilespmem:s28+$0x8180];
	s24 =	spop (v2sf)  }
0x23e: {  	v9 =	vld [tilespmem:s30+$0x8180];
	s23 =	sxor.u32 $0x80000000, s24  }
0x23f: {  	v6 =	vmov s23  }
0x240: {  	v7 =	vsub.s32 v6, v7  }
0x241: {  	vm0 =	vgt.s32 v7, $0x7FF  }
0x242: {  	v7 =	vsub.s32 v6, v8;
	v8 =	vmpcnt.ones.xlane vm0  }
0x243: {  	vm13 =	vgt.s32 v7, $0x7FF;
	v7 =	vsub.s32 v6, v9  }
0x244: {  	v9 =	vmpcnt.ones.xlane vm13;
	vm14 =	vgt.s32 v7, $0x7FF;
	v7 =	vxor.u32 $0x80000000, v8  }
0x245: {  	(xrf0) =	vmax.scan.msk.u32 $0xffff, v7  }
0x246: {  	v7 =	vxor.u32 $0x80000000, v9  }
0x247: {  	v8 =	vmpcnt.ones.xlane vm14;
	(xrf0) =	vmax.scan.msk.u32 $0xffff, v7;
	_ =	sdelay $0x1  }
0x248: {  	s31 =	simm.s32 $0x30  }
0x249: {  	v10 =	vld [tilespmem:s31+$0x8180]  }
0x24a: {  	v7 =	vxor.u32 $0x80000000, v8;
	v8, _, _ =	vpop (xrf0)  }
0x24b: {  	(v2sf) =	vpush v8, $0xF  }
0x24c: {  	v8, _, _ =	vpop (xrf0)  }
0x24d: {  	(v2sf) =	vpush v8, $0xF  }
0x24e: {  	(xrf0) =	vmax.scan.msk.u32 $0xffff, v7;
	v7 =	vsub.s32 v6, v10  }
0x24f: {  	vm15 =	vgt.s32 v7, $0x7FF  }
0x250: {  	v7 =	vmpcnt.ones.xlane vm15  }
0x251: {  	s5 =	simm.s32 $0x40  }
0x252: {  	v9 =	vxor.u32 $0x80000000, v7;
	v7 =	vld [tilespmem:s5+$0x8180];
	_ =	sdelay $0x3  }
0x253: {  	s7 =	simm.s32 $0x8180;
	s4 =	simm.s32 $0x140;
	s12 =	simm.s32 $0x0;
	(xrf0) =	vmax.scan.msk.u32 $0xffff, v9;
	v8, _, _ =	vpop (xrf0)  }
.LBB2_7:
0x254: {  	s5 =	sshra.s32 s4, $0x2;
	p1 =	sne.s32 s4, $0x3C0;
	s4 =	sadd.s32 $0x40, s4;
	v9 =	vsub.s32 v6, v7;
	(v2sf) =	vpush v8, $0xF  }
.Ltmp5:
0x255: {  	v7 =	vld [tilespmem:s5+$0x8180];
	vm0 =	vgt.s32 v9, $0x7FF;
	(pc) =	sbr.rel @p1 .LBB2_7-.Ltmp5, $4  }
0x256: {  	v10 =	vmpcnt.ones.xlane vm0  }
0x257: {  	s5 =	spop (v2sf)  }
0x258: {  	v9 =	vxor.u32 $0x80000000, v10;
	s5 =	sadd.s32 s5, s12  }
0x259: {  	(xrf0) =	vmax.scan.msk.u32 $0xffff, v9;
	v8, _, _ =	vpop (xrf0);
	s12 =	sadd.s32 $0x80000000, s5  }
0x25a: {  	v6 =	vsub.s32 v6, v7  }
0x25b: {  	vm0 =	vgt.s32 v6, $0x7FF  }
0x25c: {  	v6 =	vmpcnt.ones.xlane vm0;
	_ =	sdelay $0x1  }
0x25d: {  	v6 =	vxor.u32 $0x80000000, v6  }
0x25e: {  	(xrf0) =	vmax.scan.msk.u32 $0xffff, v6;
	_ =	sdelay $0x2  }
0x25f: {  	(v2sf) =	vpush v8, $0xF  }
0x260: {  	v6, _, _ =	vpop (xrf0)  }
0x261: {  	(v2sf) =	vpush v6, $0xF  }
0x262: {  	v6, _, _ =	vpop (xrf0)  }
0x263: {  	(v2sf) =	vpush v6, $0xF;
	_ =	sdelay $0x6  }
0x264: {  	s4 =	spop (v2sf)  }
0x265: {  	s4 =	sadd.s32 s4, s12  }
0x266: {  	s4 =	sadd.s32 $0x80000000, s4;
	s5 =	spop (v2sf)  }
0x267: {  	s4 =	sadd.s32 s5, s4  }
0x268: {  	s4 =	sadd.s32 $0x80000000, s4;
	s25 =	spop (v2sf)  }
0x269: {  	s4 =	sadd.s32 s25, s4  }
0x26a: {  	s4 =	sadd.s32 $0x80000000, s4;
	s28 =	spop (v2sf)  }
0x26b: {  	s4 =	sadd.s32 s28, s4  }
0x26c: {  	s4 =	sadd.s32 $0x80000000, s4;
	s30 =	spop (v2sf)  }
0x26d: {  	s4 =	sadd.s32 s30, s4  }
0x26e: {  	s4 =	sadd.s32 $0x80000000, s4  }
0x26f: {  	v6 =	vmov s4;
	_ =	sdelay $0x1  }
0x270: {  	s21 =	sshll.u32 s4, $0x18  }
0x271: {  	s12 =	sxor.u32 $0x80000000, s21  }
0x272: {  	s31 =	sshra.s32 s12, $0x18  }
0x273: {  	v7 =	vimm.s32 $0x0;
	s24 =	simm.s32 $0x0;
	v8 =	vld.idx.msk [tilespmem:v6+s7+$0x0], $0xffff;
	v6 =	vmov s31  }
.LBB2_9:
0x274: {  	s4 =	sshra.s32 s24, $0x2  }
0x275: {  	v9 =	vld [tilespmem:s4+$0x4010]  }
0x276: {  	v10 =	vld [tilespmem:s4+$0x4020]  }
0x277: {  	v11 =	vld [tilespmem:s4+$0x4030]  }
0x278: {  	v12 =	vld [tilespmem:s4+$0x4000];
	_ =	sdelay $0x2  }
0x279: {  	v9 =	vshra.s32 v9, $0x18;
	v10 =	vshra.s32 v10, $0x18  }
0x27a: {  	vm0 =	veq.s32 v9, v6;
	vm1 =	veq.s32 v10, v6;
	v9 =	vshra.s32 v11, $0x18  }
0x27b: {  	v10 =	vshra.s32 v12, $0x18;
	vm2 =	veq.s32 v9, v6;
	vm0 =	vmor vm0, vm1  }
0x27c: {  	vm15 =	veq.s32 v10, v6;
	vm0 =	vmor vm0, vm2  }
0x27d: {  	vm0 =	vmor vm15, vm0  }
0x27e: {  	v9 =	vsel vm0, $0x3F800000, v4  }
0x27f: {  	(xrf0) =	vmax.scan.msk.f32 $0xffff, v9;
	_ =	sdelay $0x5  }
0x280: {  	v9, _, _ =	vpop (xrf0)  }
0x281: {  	(v2sf) =	vpush v9, $0xF;
	_ =	sdelay $0xe  }
0x282: {  	s5 =	spop (v2sf)  }
0x283: {  	p1 =	sgt.f32 s5, $0.0e+00;
	_ =	sdelay $0x1  }
0x284: {  	vm0 =	veq.s32 @p1 v10, v6;
	v9 =	vimm.s32 @p1 $0x0  }
0x285: {  	v10 =	vsel @p1 vm0, $0x1, v9  }
0x286: {  	(xrf0) =	vadd.scan.msk.s32 @p1 $0xffff, v10;
	_ =	sdelay $0x4  }
0x287: {  	v10 =	vsel @p1 vm0, $0xFFFFFFFF, v9  }
0x288: {  	v10 =	vadd.s32 @p1 v10, v7;
	v11, _, _ =	vpop @p1 (xrf0)  }
0x289: {  	v10 =	vadd.s32 @p1 v11, v10;
	_ =	sdelay $0x3  }
0x28a: {  	s5 =	simm.s32 @p1 $0x6000  }
0x28b: {  	[tilespmem:v10+s5+$0x0] =	vst.idx.msk @p1 vm0, v12  }
0x28c: {  	v10 =	vld @p1 [tilespmem:s4+$0x4010];
	_ =	sdelay $0x4  }
0x28d: {  	v11 =	vshra.s32 @p1 v10, $0x18  }
0x28e: {  	vm1 =	veq.s32 @p1 v11, v6  }
0x28f: {  	v11 =	vsel @p1 vm1, $0x1, v9  }
0x290: {  	(xrf0) =	vadd.scan.msk.s32 @p1 $0xffff, v11;
	_ =	sdelay $0x2  }
0x291: {  	v11 =	vmpcnt.ones.xlane @p1 vm0;
	_ =	sdelay $0x1  }
0x292: {  	v12 =	vsel @p1 vm1, $0xFFFFFFFF, v9;
	v11 =	vadd.s32 @p1 v7, v11  }
0x293: {  	v12 =	vadd.s32 @p1 v12, v11;
	v13, _, _ =	vpop @p1 (xrf0)  }
0x294: {  	v12 =	vadd.s32 @p1 v13, v12;
	_ =	sdelay $0x4  }
0x295: {  	[tilespmem:v12+s5+$0x0] =	vst.idx.msk @p1 vm1, v10  }
0x296: {  	v10 =	vld @p1 [tilespmem:s4+$0x4020];
	_ =	sdelay $0x4  }
0x297: {  	v12 =	vshra.s32 @p1 v10, $0x18  }
0x298: {  	vm0 =	veq.s32 @p1 v12, v6  }
0x299: {  	v12 =	vsel @p1 vm0, $0x1, v9  }
0x29a: {  	(xrf0) =	vadd.scan.msk.s32 @p1 $0xffff, v12;
	_ =	sdelay $0x2  }
0x29b: {  	v12 =	vmpcnt.ones.xlane @p1 vm1;
	_ =	sdelay $0x1  }
0x29c: {  	v11 =	vadd.s32 @p1 v11, v12;
	v12 =	vsel @p1 vm0, $0xFFFFFFFF, v9  }
0x29d: {  	v12 =	vadd.s32 @p1 v12, v11;
	v13, _, _ =	vpop @p1 (xrf0)  }
0x29e: {  	v12 =	vadd.s32 @p1 v13, v12;
	_ =	sdelay $0x4  }
0x29f: {  	[tilespmem:v12+s5+$0x0] =	vst.idx.msk @p1 vm0, v10  }
0x2a0: {  	v10 =	vld @p1 [tilespmem:s4+$0x4030];
	_ =	sdelay $0x4  }
0x2a1: {  	v12 =	vshra.s32 @p1 v10, $0x18  }
0x2a2: {  	vm1 =	veq.s32 @p1 v12, v6  }
0x2a3: {  	v12 =	vsel @p1 vm1, $0x1, v9  }
0x2a4: {  	(xrf0) =	vadd.scan.msk.s32 @p1 $0xffff, v12;
	_ =	sdelay $0x1  }
0x2a5: {  	v12 =	vmpcnt.ones.xlane @p1 vm0;
	_ =	sdelay $0x2  }
0x2a6: {  	v9 =	vsel @p1 vm1, $0xFFFFFFFF, v9;
	v11 =	vadd.s32 @p1 v11, v12  }
0x2a7: {  	s24 =	sadd.s32 $0x100, s24;
	v9 =	vadd.s32 @p1 v9, v11;
	v12, _, _ =	vpop @p1 (xrf0)  }
0x2a8: {  	p2 =	sne.s32 s24, $0x8000;
	v9 =	vadd.s32 @p1 v12, v9  }
.Ltmp6:
0x2a9: {  	_ = 	snop;
	(pc) =	sbr.rel @p2 .LBB2_9-.Ltmp6, $3  }
0x2aa: {  	v12 =	vmpcnt.ones.xlane @p1 vm1;
	_ =	sdelay $0x1  }
0x2ab: {  	v11 =	vadd.s32 @p1 v11, v12  }
0x2ac: {  	v7 =	vpsel p1, v11, v7;
	[tilespmem:v9+s5+$0x0] =	vst.idx.msk @p1 vm1, v10  }
0x2ad: {  	v8 =	vxor.u32 $0x80000000, v8  }
0x2ae: {  	(xrf0) =	vmax.scan.msk.u32 $0xffff, v8;
	v8 =	vxor.u32 $0x80000000, v7  }
0x2af: {  	(xrf0) =	vmax.scan.msk.u32 $0xffff, v8;
	_ =	sdelay $0x4  }
0x2b0: {  	v8, _, _ =	vpop (xrf0)  }
0x2b1: {  	(v2sf) =	vpush v8, $0xF;
	v8, _, _ =	vpop (xrf0)  }
0x2b2: {  	(v2sf) =	vpush v8, $0xF;
	_ =	sdelay $0x6  }
0x2b3: {  	v7 =	vadd.s32 v5, v7;
	_ =	sdelay $0x2  }
0x2b4: {  	s4 =	sxor.u32 $0x7FFFFFFF, s21  }
0x2b5: {  	s24 =	simm.s32 $0x6000;
	v8 =	vmov s4  }
0x2b6: {  	[tilespmem:v7+s24+$0x0] =	vst.idx.msk $0xffff, v8  }
0x2b7: {  	[tilespmem:$0x8080] =	vst v1  }
0x2b8: {  	[tilespmem:$0x8090] =	vst v1;
	s4 =	spop (v2sf)  }
0x2b9: {  	[tilespmem:$0x80A0] =	vst v1;
	s5 =	spop (v2sf)  }
0x2ba: {  	[tilespmem:$0x80B0] =	vst v1;
	s5 =	sadd.s32 $0x8000000F, s5  }
0x2bb: {  	[tilespmem:$0x80C0] =	vst v1;
	s6 =	sand.u32 $0xF, s5  }
0x2bc: {  	[tilespmem:$0x80D0] =	vst v1;
	s31 =	sshra.s32 s5, $0x1F;
	p2 =	slt.s32 s5, $0x1;
	p1 =	sne.s32 s6, $0x0  }
0x2bd: {  	[tilespmem:$0x80E0] =	vst v1;
	s6 =	sshrl.u32 s31, $0x1C;
	p1 =	por !p2, !p1  }
0x2be: {  	[tilespmem:$0x80F0] =	vst v1;
	s5 =	sadd.s32 s6, s5;
	s6 =	simm.s32 $0x1;
	p1 =	por !p1, !p1  }
0x2bf: {  	[tilespmem:$0x8100] =	vst v1;
	s5 =	sshra.s32 s5, $0x4;
	s6 =	simm.s32 @!p1 $0x0  }
0x2c0: {  	[tilespmem:$0x8110] =	vst v1;
	s21 =	ssub.s32 s5, s6  }
0x2c1: {  	[tilespmem:$0x8120] =	vst v1;
	p1 =	sgt.s32 s21, $0x0  }
.Ltmp7:
0x2c2: {  	[tilespmem:$0x8130] =	vst v1;
	(pc) =	sbr.rel @!p1 .LBB2_11-.Ltmp7, $4  }
0x2c3: {  	[tilespmem:$0x8140] =	vst v1  }
0x2c4: {  	[tilespmem:$0x8150] =	vst v1  }
0x2c5: {  	[tilespmem:$0x8160] =	vst v1  }
0x2c6: {  	[tilespmem:$0x8170] =	vst v1  }
0x2c7: {  	p2 =	seq.s32 s21, $0x1  }
.Ltmp8:
0x2c8: {  	_ = 	snop;
	(pc) =	sbr.rel @p2 .LBB2_38-.Ltmp8, $2  }
0x2c9: {  	_ =	sdelay $0x2  }
0x2ca: {  	v7 =	vld [tilespmem:s24+$0x0];
	s5 =	sadd.s32 $0xFFFFFFFF, s21  }
.LBB2_37:
0x2cb: {  	p2 =	seq.s32 s5, $0x1;
	_ =	sdelay $0x3  }
0x2cc: {  	v8 =	vshra.s32 v7, $0x18  }
0x2cd: {  	v7 =	vshrl.u32 v7, $0x10;
	vm0 =	veq.s32 v8, v6  }
0x2ce: {  	v7 =	vand.u32 $0xFF, v7;
	_ =	sdelay $0x1  }
.Ltmp9:
0x2cf: {  	(pc) =	sbr.rel @!p2 .LBB2_37-.Ltmp9, $3  }
0x2d0: {  	_ =	sdelay $0x1  }
0x2d1: {  	s24 =	sadd.s32 $0x10, s24;
	[tilespmem:v7+s29+$0x0] =	vst.idx.add.s32.msk vm0, v3  }
0x2d2: {  	s5 =	sadd.s32 $0xFFFFFFFF, s5;
	v7 =	vld [tilespmem:s24+$0x0]  }
.LBB2_38:
0x2d3: {  	_ =	sdelay $0x3  }
0x2d4: {  	v8 =	vshra.s32 v7, $0x18  }
0x2d5: {  	vm0 =	veq.s32 v8, v6;
	v6 =	vshrl.u32 v7, $0x10  }
0x2d6: {  	v6 =	vand.u32 $0xFF, v6;
	_ =	sdelay $0x4  }
0x2d7: {  	[tilespmem:v6+s29+$0x0] =	vst.idx.add.s32.msk vm0, v3  }
.LBB2_11:
0x2d8: {  	s5 =	simm.s32 $0x0  }
0x2d9: {  	v6 =	vld [tilespmem:s5+$0x8080];
	_ =	sdelay $0x4  }
0x2da: {  	(xrf0) =	vadd.scan.msk.s32 $0xffff, v6;
	_ =	sdelay $0x5  }
0x2db: {  	s31 =	simm.s32 $0x0;
	v6, _, _ =	vpop (xrf0)  }
0x2dc: {  	v6 =	vadd.s32 s31, v6  }
0x2dd: {  	v7 =	vxor.u32 $0x80000000, v6  }
0x2de: {  	(xrf0) =	vmax.scan.msk.u32 $0xffff, v7;
	_ =	sdelay $0x5  }
0x2df: {  	v7, _, _ =	vpop (xrf0)  }
0x2e0: {  	(v2sf) =	vpush v7, $0xF;
	_ =	sdelay $0x1  }
0x2e1: {  	s4 =	sxor.u32 $0x80000000, s4  }
0x2e2: {  	s4 =	ssub.s32 s4, s23  }
0x2e3: {  	s24 =	simm.s32 $0x10;
	s23 =	sadd.s32 $0x800, s4;
	s4 =	simm.s32 $0x80;
	[tilespmem:s5+$0x8180] =	vst v6  }
.LBB2_12:
0x2e4: {  	p2 =	seq.s32 s4, $0x3C0;
	v6 =	vld [tilespmem:s24+$0x8080];
	_ =	sdelay $0x4  }
0x2e5: {  	(xrf0) =	vadd.scan.msk.s32 $0xffff, v6;
	_ =	sdelay $0x4  }
0x2e6: {  	s5 =	spop (v2sf)  }
0x2e7: {  	v6, _, _ =	vpop (xrf0);
	s5 =	sxor.u32 $0x80000000, s5  }
0x2e8: {  	v6 =	vadd.s32 s5, v6  }
0x2e9: {  	[tilespmem:s24+$0x8180] =	vst v6;
	v6 =	vxor.u32 $0x80000000, v6  }
0x2ea: {  	(xrf0) =	vmax.scan.msk.u32 $0xffff, v6;
	_ =	sdelay $0x5  }
0x2eb: {  	v6, _, _ =	vpop (xrf0)  }
.Ltmp10:
0x2ec: {  	(v2sf) =	vpush v6, $0xF;
	(pc) =	sbr.rel @!p2 .LBB2_12-.Ltmp10, $2  }
0x2ed: {  	_ =	sdelay $0x2  }
0x2ee: {  	s24 =	sshra.s32 s4, $0x2;
	s4 =	sadd.s32 $0x40, s4  }
0x2ef: {  	v6 =	vld [tilespmem:s24+$0x8080];
	_ =	sdelay $0x4  }
0x2f0: {  	(xrf0) =	vadd.scan.msk.s32 $0xffff, v6;
	_ =	sdelay $0x4  }
0x2f1: {  	s4 =	spop (v2sf)  }
0x2f2: {  	v6, _, _ =	vpop (xrf0);
	s4 =	sxor.u32 $0x80000000, s4  }
0x2f3: {  	v6 =	vadd.s32 s4, v6  }
0x2f4: {  	v7 =	vxor.u32 $0x80000000, v6  }
0x2f5: {  	(xrf0) =	vmax.scan.msk.u32 $0xffff, v7;
	_ =	sdelay $0x5  }
0x2f6: {  	v7, _, _ =	vpop (xrf0)  }
0x2f7: {  	(v2sf) =	vpush v7, $0xF;
	_ =	sdelay $0xb  }
0x2f8: {  	s5 =	simm.s32 $0x0;
	[tilespmem:s24+$0x8180] =	vst v6  }
0x2f9: {  	v8 =	vld [tilespmem:s5+$0x8180]  }
0x2fa: {  	s28 =	simm.s32 $0x10  }
0x2fb: {  	s30 =	simm.s32 $0x20;
	v9 =	vld [tilespmem:s28+$0x8180];
	s25 =	spop (v2sf)  }
0x2fc: {  	v10 =	vld [tilespmem:s30+$0x8180];
	s24 =	sxor.u32 $0x80000000, s25  }
0x2fd: {  	v6 =	vmov s24  }
0x2fe: {  	v7 =	vmov s23;
	v8 =	vsub.s32 v6, v8  }
0x2ff: {  	vm0 =	vge.s32 v8, v7  }
0x300: {  	v8 =	vsub.s32 v6, v9;
	v9 =	vmpcnt.ones.xlane vm0  }
0x301: {  	vm13 =	vge.s32 v8, v7;
	v8 =	vsub.s32 v6, v10  }
0x302: {  	v10 =	vmpcnt.ones.xlane vm13;
	vm14 =	vge.s32 v8, v7;
	v8 =	vxor.u32 $0x80000000, v9  }
0x303: {  	(xrf0) =	vmax.scan.msk.u32 $0xffff, v8  }
0x304: {  	v8 =	vxor.u32 $0x80000000, v10  }
0x305: {  	v9 =	vmpcnt.ones.xlane vm14;
	(xrf0) =	vmax.scan.msk.u32 $0xffff, v8;
	_ =	sdelay $0x1  }
0x306: {  	s31 =	simm.s32 $0x30  }
0x307: {  	v11 =	vld [tilespmem:s31+$0x8180]  }
0x308: {  	v8 =	vxor.u32 $0x80000000, v9;
	v9, _, _ =	vpop (xrf0)  }
0x309: {  	(v2sf) =	vpush v9, $0xF  }
0x30a: {  	v9, _, _ =	vpop (xrf0)  }
0x30b: {  	(v2sf) =	vpush v9, $0xF  }
0x30c: {  	(xrf0) =	vmax.scan.msk.u32 $0xffff, v8;
	v8 =	vsub.s32 v6, v11  }
0x30d: {  	vm15 =	vge.s32 v8, v7  }
0x30e: {  	v8 =	vmpcnt.ones.xlane vm15  }
0x30f: {  	s6 =	simm.s32 $0x40  }
0x310: {  	v10 =	vxor.u32 $0x80000000, v8;
	v8 =	vld [tilespmem:s6+$0x8180];
	_ =	sdelay $0x3  }
0x311: {  	s4 =	simm.s32 $0x0;
	s5 =	simm.s32 $0x140;
	(xrf0) =	vmax.scan.msk.u32 $0xffff, v10;
	v9, _, _ =	vpop (xrf0)  }
.LBB2_14:
0x312: {  	s6 =	sshra.s32 s5, $0x2;
	p2 =	sne.s32 s5, $0x3C0;
	s5 =	sadd.s32 $0x40, s5;
	v10 =	vsub.s32 v6, v8;
	(v2sf) =	vpush v9, $0xF  }
.Ltmp11:
0x313: {  	v8 =	vld [tilespmem:s6+$0x8180];
	vm0 =	vge.s32 v10, v7;
	(pc) =	sbr.rel @p2 .LBB2_14-.Ltmp11, $4  }
0x314: {  	v11 =	vmpcnt.ones.xlane vm0  }
0x315: {  	s6 =	spop (v2sf)  }
0x316: {  	v10 =	vxor.u32 $0x80000000, v11;
	s4 =	sadd.s32 s6, s4  }
0x317: {  	(xrf0) =	vmax.scan.msk.u32 $0xffff, v10;
	v9, _, _ =	vpop (xrf0);
	s4 =	sadd.s32 $0x80000000, s4  }
0x318: {  	v6 =	vsub.s32 v6, v8  }
0x319: {  	vm0 =	vge.s32 v6, v7  }
0x31a: {  	v6 =	vmpcnt.ones.xlane vm0;
	_ =	sdelay $0x1  }
0x31b: {  	v6 =	vxor.u32 $0x80000000, v6  }
0x31c: {  	(xrf0) =	vmax.scan.msk.u32 $0xffff, v6;
	_ =	sdelay $0x2  }
0x31d: {  	(v2sf) =	vpush v9, $0xF  }
0x31e: {  	v6, _, _ =	vpop (xrf0)  }
0x31f: {  	(v2sf) =	vpush v6, $0xF  }
0x320: {  	v6, _, _ =	vpop (xrf0)  }
0x321: {  	(v2sf) =	vpush v6, $0xF;
	_ =	sdelay $0x6  }
0x322: {  	s5 =	spop (v2sf)  }
0x323: {  	s4 =	sadd.s32 s5, s4  }
0x324: {  	s4 =	sadd.s32 $0x80000000, s4;
	s18 =	spop (v2sf)  }
0x325: {  	s4 =	sadd.s32 s18, s4  }
0x326: {  	s4 =	sadd.s32 $0x80000000, s4;
	s25 =	spop (v2sf)  }
0x327: {  	s4 =	sadd.s32 s25, s4  }
0x328: {  	s4 =	sadd.s32 $0x80000000, s4;
	s28 =	spop (v2sf)  }
0x329: {  	s4 =	sadd.s32 s28, s4  }
0x32a: {  	s4 =	sadd.s32 $0x80000000, s4;
	s30 =	spop (v2sf)  }
0x32b: {  	s4 =	sadd.s32 s30, s4  }
0x32c: {  	s4 =	sadd.s32 $0x80000000, s4  }
0x32d: {  	v6 =	vmov s4;
	_ =	sdelay $0x4  }
0x32e: {  	v6 =	vld.idx.msk [tilespmem:v6+s7+$0x0], $0xffff;
	_ =	sdelay $0x4  }
0x32f: {  	v6 =	vxor.u32 $0x80000000, v6  }
0x330: {  	(xrf0) =	vmax.scan.msk.u32 $0xffff, v6;
	_ =	sdelay $0x5  }
0x331: {  	v6, _, _ =	vpop (xrf0)  }
0x332: {  	[tilespmem:$0x8080] =	vst v1;
	(v2sf) =	vpush v6, $0xF  }
0x333: {  	[tilespmem:$0x8090] =	vst v1  }
0x334: {  	[tilespmem:$0x80A0] =	vst v1  }
0x335: {  	[tilespmem:$0x80B0] =	vst v1  }
0x336: {  	[tilespmem:$0x80C0] =	vst v1  }
0x337: {  	[tilespmem:$0x80D0] =	vst v1  }
0x338: {  	[tilespmem:$0x80E0] =	vst v1  }
0x339: {  	[tilespmem:$0x80F0] =	vst v1  }
0x33a: {  	[tilespmem:$0x8100] =	vst v1  }
0x33b: {  	[tilespmem:$0x8110] =	vst v1  }
0x33c: {  	[tilespmem:$0x8120] =	vst v1  }
.Ltmp12:
0x33d: {  	[tilespmem:$0x8130] =	vst v1;
	(pc) =	sbr.rel @!p1 .LBB2_19-.Ltmp12, $4  }
0x33e: {  	[tilespmem:$0x8140] =	vst v1  }
0x33f: {  	[tilespmem:$0x8150] =	vst v1  }
0x340: {  	s31 =	sshll.u32 s4, $0x10;
	[tilespmem:$0x8160] =	vst v1  }
0x341: {  	p2 =	seq.s32 s21, $0x1;
	s12 =	sor.u32 s12, s31;
	[tilespmem:$0x8170] =	vst v1;
	s4 =	spop (v2sf)  }
.Ltmp13:
0x342: {  	(pc) =	sbr.rel @p2 .LBB2_18-.Ltmp13, $3  }
0x343: {  	_ =	sdelay $0x1  }
0x344: {  	s6 =	sshra.s32 s12, $0x10;
	s5 =	simm.s32 $0x6000  }
0x345: {  	v6 =	vmov s6;
	v7 =	vld [tilespmem:s5+$0x0];
	s6 =	sadd.s32 $0xFFFFFFFF, s21  }
.LBB2_17:
0x346: {  	p3 =	seq.s32 s6, $0x1;
	_ =	sdelay $0x3  }
0x347: {  	v8 =	vshra.s32 v7, $0x10  }
0x348: {  	v7 =	vshrl.u32 v7, $0x8;
	vm0 =	veq.s32 v8, v6  }
0x349: {  	v7 =	vand.u32 $0xFF, v7;
	_ =	sdelay $0x1  }
.Ltmp14:
0x34a: {  	(pc) =	sbr.rel @!p3 .LBB2_17-.Ltmp14, $3  }
0x34b: {  	_ =	sdelay $0x1  }
0x34c: {  	s5 =	sadd.s32 $0x10, s5;
	[tilespmem:v7+s29+$0x0] =	vst.idx.add.s32.msk vm0, v3  }
0x34d: {  	s6 =	sadd.s32 $0xFFFFFFFF, s6;
	v7 =	vld [tilespmem:s5+$0x0]  }
.LBB2_18:
0x34e: {  	_ =	sdelay $0x3  }
0x34f: {  	v8 =	vshra.s32 v7, $0x10  }
0x350: {  	vm0 =	veq.s32 v8, v6;
	v6 =	vshrl.u32 v7, $0x8  }
0x351: {  	v6 =	vand.u32 $0xFF, v6;
	_ =	sdelay $0x4  }
0x352: {  	[tilespmem:v6+s29+$0x0] =	vst.idx.add.s32.msk vm0, v3  }
.LBB2_19:
0x353: {  	s5 =	simm.s32 $0x0  }
0x354: {  	v6 =	vld [tilespmem:s5+$0x8080];
	_ =	sdelay $0x4  }
0x355: {  	(xrf0) =	vadd.scan.msk.s32 $0xffff, v6;
	_ =	sdelay $0x5  }
0x356: {  	s31 =	simm.s32 $0x0;
	v6, _, _ =	vpop (xrf0)  }
0x357: {  	v6 =	vadd.s32 s31, v6  }
0x358: {  	v7 =	vxor.u32 $0x80000000, v6  }
0x359: {  	(xrf0) =	vmax.scan.msk.u32 $0xffff, v7;
	_ =	sdelay $0x5  }
0x35a: {  	v7, _, _ =	vpop (xrf0)  }
0x35b: {  	(v2sf) =	vpush v7, $0xF;
	_ =	sdelay $0x1  }
0x35c: {  	s4 =	sxor.u32 $0x80000000, s4  }
0x35d: {  	s4 =	ssub.s32 s4, s24  }
0x35e: {  	s24 =	simm.s32 $0x10;
	s23 =	sadd.s32 s23, s4;
	s4 =	simm.s32 $0x80;
	[tilespmem:s5+$0x8180] =	vst v6  }
.LBB2_20:
0x35f: {  	p3 =	seq.s32 s4, $0x3C0;
	v6 =	vld [tilespmem:s24+$0x8080];
	_ =	sdelay $0x4  }
0x360: {  	(xrf0) =	vadd.scan.msk.s32 $0xffff, v6;
	_ =	sdelay $0x4  }
0x361: {  	s5 =	spop (v2sf)  }
0x362: {  	v6, _, _ =	vpop (xrf0);
	s5 =	sxor.u32 $0x80000000, s5  }
0x363: {  	v6 =	vadd.s32 s5, v6  }
0x364: {  	[tilespmem:s24+$0x8180] =	vst v6;
	v6 =	vxor.u32 $0x80000000, v6  }
0x365: {  	(xrf0) =	vmax.scan.msk.u32 $0xffff, v6;
	_ =	sdelay $0x5  }
0x366: {  	v6, _, _ =	vpop (xrf0)  }
.Ltmp15:
0x367: {  	(v2sf) =	vpush v6, $0xF;
	(pc) =	sbr.rel @!p3 .LBB2_20-.Ltmp15, $2  }
0x368: {  	_ =	sdelay $0x2  }
0x369: {  	s24 =	sshra.s32 s4, $0x2;
	s4 =	sadd.s32 $0x40, s4  }
0x36a: {  	v6 =	vld [tilespmem:s24+$0x8080];
	_ =	sdelay $0x4  }
0x36b: {  	(xrf0) =	vadd.scan.msk.s32 $0xffff, v6;
	_ =	sdelay $0x4  }
0x36c: {  	s4 =	spop (v2sf)  }
0x36d: {  	v6, _, _ =	vpop (xrf0);
	s4 =	sxor.u32 $0x80000000, s4  }
0x36e: {  	v6 =	vadd.s32 s4, v6  }
0x36f: {  	v7 =	vxor.u32 $0x80000000, v6  }
0x370: {  	(xrf0) =	vmax.scan.msk.u32 $0xffff, v7;
	_ =	sdelay $0x5  }
0x371: {  	v7, _, _ =	vpop (xrf0)  }
0x372: {  	(v2sf) =	vpush v7, $0xF;
	_ =	sdelay $0xb  }
0x373: {  	s5 =	simm.s32 $0x0;
	[tilespmem:s24+$0x8180] =	vst v6  }
0x374: {  	v8 =	vld [tilespmem:s5+$0x8180]  }
0x375: {  	s28 =	simm.s32 $0x10  }
0x376: {  	s30 =	simm.s32 $0x20;
	v9 =	vld [tilespmem:s28+$0x8180];
	s25 =	spop (v2sf)  }
0x377: {  	v10 =	vld [tilespmem:s30+$0x8180];
	s24 =	sxor.u32 $0x80000000, s25  }
0x378: {  	v6 =	vmov s24  }
0x379: {  	v7 =	vmov s23;
	v8 =	vsub.s32 v6, v8  }
0x37a: {  	vm0 =	vge.s32 v8, v7  }
0x37b: {  	v8 =	vsub.s32 v6, v9;
	v9 =	vmpcnt.ones.xlane vm0  }
0x37c: {  	vm13 =	vge.s32 v8, v7;
	v8 =	vsub.s32 v6, v10  }
0x37d: {  	v10 =	vmpcnt.ones.xlane vm13;
	vm14 =	vge.s32 v8, v7;
	v8 =	vxor.u32 $0x80000000, v9  }
0x37e: {  	(xrf0) =	vmax.scan.msk.u32 $0xffff, v8  }
0x37f: {  	v8 =	vxor.u32 $0x80000000, v10  }
0x380: {  	v9 =	vmpcnt.ones.xlane vm14;
	(xrf0) =	vmax.scan.msk.u32 $0xffff, v8;
	_ =	sdelay $0x1  }
0x381: {  	s31 =	simm.s32 $0x30  }
0x382: {  	v11 =	vld [tilespmem:s31+$0x8180]  }
0x383: {  	v8 =	vxor.u32 $0x80000000, v9;
	v9, _, _ =	vpop (xrf0)  }
0x384: {  	(v2sf) =	vpush v9, $0xF  }
0x385: {  	v9, _, _ =	vpop (xrf0)  }
0x386: {  	(v2sf) =	vpush v9, $0xF  }
0x387: {  	(xrf0) =	vmax.scan.msk.u32 $0xffff, v8;
	v8 =	vsub.s32 v6, v11  }
0x388: {  	vm15 =	vge.s32 v8, v7  }
0x389: {  	v8 =	vmpcnt.ones.xlane vm15  }
0x38a: {  	s6 =	simm.s32 $0x40  }
0x38b: {  	v10 =	vxor.u32 $0x80000000, v8;
	v8 =	vld [tilespmem:s6+$0x8180];
	_ =	sdelay $0x3  }
0x38c: {  	s4 =	simm.s32 $0x0;
	s5 =	simm.s32 $0x140;
	(xrf0) =	vmax.scan.msk.u32 $0xffff, v10;
	v9, _, _ =	vpop (xrf0)  }
.LBB2_22:
0x38d: {  	s6 =	sshra.s32 s5, $0x2;
	p3 =	sne.s32 s5, $0x3C0;
	s5 =	sadd.s32 $0x40, s5;
	v10 =	vsub.s32 v6, v8;
	(v2sf) =	vpush v9, $0xF  }
.Ltmp16:
0x38e: {  	v8 =	vld [tilespmem:s6+$0x8180];
	vm0 =	vge.s32 v10, v7;
	(pc) =	sbr.rel @p3 .LBB2_22-.Ltmp16, $4  }
0x38f: {  	v11 =	vmpcnt.ones.xlane vm0  }
0x390: {  	s6 =	spop (v2sf)  }
0x391: {  	v10 =	vxor.u32 $0x80000000, v11;
	s4 =	sadd.s32 s6, s4  }
0x392: {  	(xrf0) =	vmax.scan.msk.u32 $0xffff, v10;
	v9, _, _ =	vpop (xrf0);
	s4 =	sadd.s32 $0x80000000, s4  }
0x393: {  	v6 =	vsub.s32 v6, v8  }
0x394: {  	vm0 =	vge.s32 v6, v7  }
0x395: {  	v6 =	vmpcnt.ones.xlane vm0;
	_ =	sdelay $0x1  }
0x396: {  	v6 =	vxor.u32 $0x80000000, v6  }
0x397: {  	(xrf0) =	vmax.scan.msk.u32 $0xffff, v6;
	_ =	sdelay $0x2  }
0x398: {  	(v2sf) =	vpush v9, $0xF  }
0x399: {  	v6, _, _ =	vpop (xrf0)  }
0x39a: {  	(v2sf) =	vpush v6, $0xF  }
0x39b: {  	v6, _, _ =	vpop (xrf0)  }
0x39c: {  	(v2sf) =	vpush v6, $0xF;
	_ =	sdelay $0x6  }
0x39d: {  	s5 =	spop (v2sf)  }
0x39e: {  	s4 =	sadd.s32 s5, s4  }
0x39f: {  	s4 =	sadd.s32 $0x80000000, s4;
	s18 =	spop (v2sf)  }
0x3a0: {  	s4 =	sadd.s32 s18, s4  }
0x3a1: {  	s4 =	sadd.s32 $0x80000000, s4;
	s25 =	spop (v2sf)  }
0x3a2: {  	s4 =	sadd.s32 s25, s4  }
0x3a3: {  	s4 =	sadd.s32 $0x80000000, s4;
	s28 =	spop (v2sf)  }
0x3a4: {  	s4 =	sadd.s32 s28, s4  }
0x3a5: {  	s4 =	sadd.s32 $0x80000000, s4;
	s30 =	spop (v2sf)  }
0x3a6: {  	s4 =	sadd.s32 s30, s4  }
0x3a7: {  	s4 =	sadd.s32 $0x80000000, s4  }
0x3a8: {  	v6 =	vmov s4;
	_ =	sdelay $0x4  }
0x3a9: {  	v6 =	vld.idx.msk [tilespmem:v6+s7+$0x0], $0xffff;
	_ =	sdelay $0x4  }
0x3aa: {  	v6 =	vxor.u32 $0x80000000, v6  }
0x3ab: {  	(xrf0) =	vmax.scan.msk.u32 $0xffff, v6;
	_ =	sdelay $0x5  }
0x3ac: {  	v6, _, _ =	vpop (xrf0)  }
0x3ad: {  	[tilespmem:$0x8080] =	vst v1;
	(v2sf) =	vpush v6, $0xF  }
0x3ae: {  	[tilespmem:$0x8090] =	vst v1  }
0x3af: {  	[tilespmem:$0x80A0] =	vst v1  }
0x3b0: {  	[tilespmem:$0x80B0] =	vst v1  }
0x3b1: {  	[tilespmem:$0x80C0] =	vst v1  }
0x3b2: {  	[tilespmem:$0x80D0] =	vst v1  }
0x3b3: {  	[tilespmem:$0x80E0] =	vst v1  }
0x3b4: {  	[tilespmem:$0x80F0] =	vst v1  }
0x3b5: {  	[tilespmem:$0x8100] =	vst v1  }
0x3b6: {  	[tilespmem:$0x8110] =	vst v1  }
0x3b7: {  	[tilespmem:$0x8120] =	vst v1  }
.Ltmp17:
0x3b8: {  	[tilespmem:$0x8130] =	vst v1;
	(pc) =	sbr.rel @!p1 .LBB2_27-.Ltmp17, $4  }
0x3b9: {  	[tilespmem:$0x8140] =	vst v1  }
0x3ba: {  	[tilespmem:$0x8150] =	vst v1  }
0x3bb: {  	s31 =	sshll.u32 s4, $0x8;
	[tilespmem:$0x8160] =	vst v1  }
0x3bc: {  	s12 =	sor.u32 s12, s31;
	[tilespmem:$0x8170] =	vst v1;
	s4 =	spop (v2sf)  }
.Ltmp18:
0x3bd: {  	(pc) =	sbr.rel @p2 .LBB2_26-.Ltmp18, $3  }
0x3be: {  	_ =	sdelay $0x1  }
0x3bf: {  	s6 =	sshra.s32 s12, $0x8;
	s5 =	simm.s32 $0x6000  }
0x3c0: {  	v6 =	vmov s6;
	v7 =	vld [tilespmem:s5+$0x0];
	s6 =	sadd.s32 $0xFFFFFFFF, s21  }
.LBB2_25:
0x3c1: {  	p1 =	seq.s32 s6, $0x1;
	_ =	sdelay $0x3  }
0x3c2: {  	v8 =	vshra.s32 v7, $0x8  }
0x3c3: {  	vm0 =	veq.s32 v8, v6  }
0x3c4: {  	v7 =	vand.u32 $0xFF, v7;
	_ =	sdelay $0x1  }
.Ltmp19:
0x3c5: {  	(pc) =	sbr.rel @!p1 .LBB2_25-.Ltmp19, $3  }
0x3c6: {  	_ =	sdelay $0x1  }
0x3c7: {  	s5 =	sadd.s32 $0x10, s5;
	[tilespmem:v7+s29+$0x0] =	vst.idx.add.s32.msk vm0, v3  }
0x3c8: {  	s6 =	sadd.s32 $0xFFFFFFFF, s6;
	v7 =	vld [tilespmem:s5+$0x0]  }
.LBB2_26:
0x3c9: {  	_ =	sdelay $0x3  }
0x3ca: {  	v8 =	vshra.s32 v7, $0x8  }
0x3cb: {  	vm0 =	veq.s32 v8, v6  }
0x3cc: {  	v6 =	vand.u32 $0xFF, v7;
	_ =	sdelay $0x4  }
0x3cd: {  	[tilespmem:v6+s29+$0x0] =	vst.idx.add.s32.msk vm0, v3  }
.LBB2_27:
0x3ce: {  	s5 =	simm.s32 $0x0  }
0x3cf: {  	v6 =	vld [tilespmem:s5+$0x8080];
	_ =	sdelay $0x4  }
0x3d0: {  	(xrf0) =	vadd.scan.msk.s32 $0xffff, v6;
	_ =	sdelay $0x5  }
0x3d1: {  	s31 =	simm.s32 $0x0;
	v6, _, _ =	vpop (xrf0)  }
0x3d2: {  	v6 =	vadd.s32 s31, v6  }
0x3d3: {  	v7 =	vxor.u32 $0x80000000, v6  }
0x3d4: {  	(xrf0) =	vmax.scan.msk.u32 $0xffff, v7;
	_ =	sdelay $0x5  }
0x3d5: {  	v7, _, _ =	vpop (xrf0)  }
0x3d6: {  	(v2sf) =	vpush v7, $0xF;
	_ =	sdelay $0x1  }
0x3d7: {  	s4 =	sxor.u32 $0x80000000, s4  }
0x3d8: {  	s4 =	ssub.s32 s4, s24  }
0x3d9: {  	s21 =	sadd.s32 s23, s4;
	s23 =	simm.s32 $0x10;
	s4 =	simm.s32 $0x80;
	[tilespmem:s5+$0x8180] =	vst v6  }
.LBB2_28:
0x3da: {  	p1 =	seq.s32 s4, $0x3C0;
	v6 =	vld [tilespmem:s23+$0x8080];
	_ =	sdelay $0x4  }
0x3db: {  	(xrf0) =	vadd.scan.msk.s32 $0xffff, v6;
	_ =	sdelay $0x4  }
0x3dc: {  	s5 =	spop (v2sf)  }
0x3dd: {  	v6, _, _ =	vpop (xrf0);
	s5 =	sxor.u32 $0x80000000, s5  }
0x3de: {  	v6 =	vadd.s32 s5, v6  }
0x3df: {  	[tilespmem:s23+$0x8180] =	vst v6;
	v6 =	vxor.u32 $0x80000000, v6  }
0x3e0: {  	(xrf0) =	vmax.scan.msk.u32 $0xffff, v6;
	_ =	sdelay $0x5  }
0x3e1: {  	v6, _, _ =	vpop (xrf0)  }
.Ltmp20:
0x3e2: {  	(v2sf) =	vpush v6, $0xF;
	(pc) =	sbr.rel @!p1 .LBB2_28-.Ltmp20, $2  }
0x3e3: {  	_ =	sdelay $0x2  }
0x3e4: {  	s23 =	sshra.s32 s4, $0x2;
	s4 =	sadd.s32 $0x40, s4  }
0x3e5: {  	v6 =	vld [tilespmem:s23+$0x8080];
	_ =	sdelay $0x4  }
0x3e6: {  	(xrf0) =	vadd.scan.msk.s32 $0xffff, v6;
	_ =	sdelay $0x4  }
0x3e7: {  	s4 =	spop (v2sf)  }
0x3e8: {  	v6, _, _ =	vpop (xrf0);
	s4 =	sxor.u32 $0x80000000, s4  }
0x3e9: {  	v6 =	vadd.s32 s4, v6  }
0x3ea: {  	v7 =	vxor.u32 $0x80000000, v6  }
0x3eb: {  	(xrf0) =	vmax.scan.msk.u32 $0xffff, v7;
	_ =	sdelay $0x5  }
0x3ec: {  	v7, _, _ =	vpop (xrf0)  }
0x3ed: {  	(v2sf) =	vpush v7, $0xF;
	_ =	sdelay $0xb  }
0x3ee: {  	s5 =	simm.s32 $0x0;
	[tilespmem:s23+$0x8180] =	vst v6  }
0x3ef: {  	v8 =	vld [tilespmem:s5+$0x8180]  }
0x3f0: {  	s28 =	simm.s32 $0x10  }
0x3f1: {  	s30 =	simm.s32 $0x20;
	v9 =	vld [tilespmem:s28+$0x8180];
	s25 =	spop (v2sf)  }
0x3f2: {  	v10 =	vld [tilespmem:s30+$0x8180];
	s23 =	sxor.u32 $0x80000000, s25  }
0x3f3: {  	v6 =	vmov s23  }
0x3f4: {  	v7 =	vmov s21;
	v8 =	vsub.s32 v6, v8  }
0x3f5: {  	vm0 =	vge.s32 v8, v7  }
0x3f6: {  	v8 =	vsub.s32 v6, v9;
	v9 =	vmpcnt.ones.xlane vm0  }
0x3f7: {  	vm13 =	vge.s32 v8, v7;
	v8 =	vsub.s32 v6, v10  }
0x3f8: {  	v10 =	vmpcnt.ones.xlane vm13;
	vm14 =	vge.s32 v8, v7;
	v8 =	vxor.u32 $0x80000000, v9  }
0x3f9: {  	(xrf0) =	vmax.scan.msk.u32 $0xffff, v8  }
0x3fa: {  	v8 =	vxor.u32 $0x80000000, v10  }
0x3fb: {  	v9 =	vmpcnt.ones.xlane vm14;
	(xrf0) =	vmax.scan.msk.u32 $0xffff, v8;
	_ =	sdelay $0x1  }
0x3fc: {  	s31 =	simm.s32 $0x30  }
0x3fd: {  	v11 =	vld [tilespmem:s31+$0x8180]  }
0x3fe: {  	v8 =	vxor.u32 $0x80000000, v9;
	v9, _, _ =	vpop (xrf0)  }
0x3ff: {  	(v2sf) =	vpush v9, $0xF  }
0x400: {  	v9, _, _ =	vpop (xrf0)  }
0x401: {  	(v2sf) =	vpush v9, $0xF  }
0x402: {  	(xrf0) =	vmax.scan.msk.u32 $0xffff, v8;
	v8 =	vsub.s32 v6, v11  }
0x403: {  	vm15 =	vge.s32 v8, v7  }
0x404: {  	v8 =	vmpcnt.ones.xlane vm15  }
0x405: {  	s6 =	simm.s32 $0x40  }
0x406: {  	v10 =	vxor.u32 $0x80000000, v8;
	v8 =	vld [tilespmem:s6+$0x8180];
	_ =	sdelay $0x3  }
0x407: {  	s4 =	simm.s32 $0x0;
	s5 =	simm.s32 $0x140;
	(xrf0) =	vmax.scan.msk.u32 $0xffff, v10;
	v9, _, _ =	vpop (xrf0)  }
.LBB2_30:
0x408: {  	s6 =	sshra.s32 s5, $0x2;
	p1 =	sne.s32 s5, $0x3C0;
	s5 =	sadd.s32 $0x40, s5;
	v10 =	vsub.s32 v6, v8;
	(v2sf) =	vpush v9, $0xF  }
.Ltmp21:
0x409: {  	v8 =	vld [tilespmem:s6+$0x8180];
	vm0 =	vge.s32 v10, v7;
	(pc) =	sbr.rel @p1 .LBB2_30-.Ltmp21, $4  }
0x40a: {  	v11 =	vmpcnt.ones.xlane vm0  }
0x40b: {  	s6 =	spop (v2sf)  }
0x40c: {  	v10 =	vxor.u32 $0x80000000, v11;
	s4 =	sadd.s32 s6, s4  }
0x40d: {  	(xrf0) =	vmax.scan.msk.u32 $0xffff, v10;
	v9, _, _ =	vpop (xrf0);
	s4 =	sadd.s32 $0x80000000, s4  }
0x40e: {  	v6 =	vsub.s32 v6, v8  }
0x40f: {  	vm0 =	vge.s32 v6, v7  }
0x410: {  	v6 =	vmpcnt.ones.xlane vm0;
	_ =	sdelay $0x1  }
0x411: {  	v6 =	vxor.u32 $0x80000000, v6  }
0x412: {  	(xrf0) =	vmax.scan.msk.u32 $0xffff, v6;
	_ =	sdelay $0x2  }
0x413: {  	(v2sf) =	vpush v9, $0xF  }
0x414: {  	v6, _, _ =	vpop (xrf0)  }
0x415: {  	(v2sf) =	vpush v6, $0xF  }
0x416: {  	v6, _, _ =	vpop (xrf0)  }
0x417: {  	(v2sf) =	vpush v6, $0xF;
	_ =	sdelay $0x6  }
0x418: {  	s5 =	spop (v2sf)  }
0x419: {  	s4 =	sadd.s32 s5, s4  }
0x41a: {  	s4 =	sadd.s32 $0x80000000, s4;
	s24 =	spop (v2sf)  }
0x41b: {  	s4 =	sadd.s32 s24, s4  }
0x41c: {  	s4 =	sadd.s32 $0x80000000, s4;
	s25 =	spop (v2sf)  }
0x41d: {  	s4 =	sadd.s32 s25, s4  }
0x41e: {  	s4 =	sadd.s32 $0x80000000, s4;
	s28 =	spop (v2sf)  }
0x41f: {  	s4 =	sadd.s32 s28, s4  }
0x420: {  	s4 =	sadd.s32 $0x80000000, s4;
	s30 =	spop (v2sf)  }
0x421: {  	s4 =	sadd.s32 s30, s4  }
0x422: {  	s4 =	sadd.s32 $0x80000000, s4  }
0x423: {  	v6 =	vmov s4;
	_ =	sdelay $0x4  }
0x424: {  	v6 =	vld.idx.msk [tilespmem:v6+s7+$0x0], $0xffff;
	_ =	sdelay $0x4  }
0x425: {  	v6 =	vxor.u32 $0x80000000, v6  }
0x426: {  	(xrf0) =	vmax.scan.msk.u32 $0xffff, v6;
	_ =	sdelay $0x5  }
0x427: {  	v6, _, _ =	vpop (xrf0)  }
0x428: {  	(v2sf) =	vpush v6, $0xF;
	_ =	sdelay $0xe  }
0x429: {  	s6 =	ssub.s32 s21, s23;
	s31 =	spop (v2sf)  }
0x42a: {  	s5 =	sadd.s32 s31, s6  }
0x42b: {  	v9 =	vimm.s32 $0x0;
	s21 =	simm.s32 $0x20;
	s4 =	sor.u32 s12, s4;
	s5 =	sadd.s32 $0x80000000, s5  }
0x42c: {  	s23 =	simm.s32 $0x2020;
	v8 =	vimm.s32 $0x0;
	s24 =	simm.s32 $0x4020;
	s12 =	simm.s32 $0x0;
	v7 =	vmov s4;
	v6 =	vmov s5  }
.LBB2_32:
0x42d: {  	v10 =	vld [tilespmem:s24+$0xFFFFFFE0];
	_ =	sdelay $0x4  }
0x42e: {  	vm1 =	veq.s32 v10, v7  }
0x42f: {  	v11 =	vsel vm1, $0x1, v1  }
0x430: {  	(xrf0) =	vadd.scan.msk.s32 $0xffff, v11;
	_ =	sdelay $0x4  }
0x431: {  	v11 =	vsel vm1, $0xFFFFFFFF, v1  }
0x432: {  	v11 =	vadd.s32 v11, v9;
	v12, _, _ =	vpop (xrf0)  }
0x433: {  	v11 =	vadd.s32 v12, v11  }
0x434: {  	vm0 =	vlt.s32 v11, v6  }
0x435: {  	vm2 =	vgt.s32 v10, v7;
	vm0 =	vmand vm1, vm0  }
0x436: {  	vm2 =	vmor vm2, vm0  }
0x437: {  	v10 =	vsel vm2, $0x1, v1  }
0x438: {  	(xrf0) =	vadd.scan.msk.s32 $0xffff, v10;
	_ =	sdelay $0x4  }
0x439: {  	v10 =	vsel vm2, $0xFFFFFFFF, v1  }
0x43a: {  	v10 =	vadd.s32 v10, v8;
	v11, _, _ =	vpop (xrf0)  }
0x43b: {  	v10 =	vadd.s32 v11, v10;
	_ =	sdelay $0x3  }
0x43c: {  	v11 =	vor.u32 s12, v5  }
0x43d: {  	v56 =	vld [tilespmem:s23+$0xFFFFFFE0];
	[tilespmem:v10+s0+$0x0] =	vst.idx.msk vm2, v11  }
0x43e: {  	v11 =	vld [tilespmem:s21+$0xFFFFFFE0];
	_ =	sdelay $0x3  }
0x43f: {  	vm14 =	vne.s32 v56, $0x0  }
0x440: {  	v12 =	vsel vm14, $0x1, v1;
	[tilespmem:v10+s2+$0x0] =	vst.idx.msk vm2, v11  }
0x441: {  	[tilespmem:v10+s26+$0x0] =	vst.idx.msk vm2, v12  }
0x442: {  	v10 =	vld [tilespmem:s24+$0xFFFFFFF0];
	_ =	sdelay $0x4  }
0x443: {  	vm15 =	veq.s32 v10, v7  }
0x444: {  	v11 =	vsel vm15, $0x1, v1  }
0x445: {  	(xrf0) =	vadd.scan.msk.s32 $0xffff, v11;
	_ =	sdelay $0x2  }
0x446: {  	v11 =	vmpcnt.ones.xlane vm1;
	_ =	sdelay $0x1  }
0x447: {  	v9 =	vadd.s32 v9, v11;
	v11 =	vsel vm15, $0xFFFFFFFF, v1  }
0x448: {  	v11 =	vadd.s32 v11, v9;
	v57, _, _ =	vpop (xrf0)  }
0x449: {  	v11 =	vadd.s32 v57, v11  }
0x44a: {  	vm6 =	vlt.s32 v11, v6  }
0x44b: {  	vm3 =	vgt.s32 v10, v7;
	vm1 =	vmand vm15, vm6  }
0x44c: {  	vm1 =	vmor vm3, vm1  }
0x44d: {  	v10 =	vsel vm1, $0x1, v1  }
0x44e: {  	(xrf0) =	vadd.scan.msk.s32 $0xffff, v10;
	_ =	sdelay $0x2  }
0x44f: {  	v10 =	vmpcnt.ones.xlane vm2;
	_ =	sdelay $0x1  }
0x450: {  	v8 =	vadd.s32 v8, v10;
	v10 =	vsel vm1, $0xFFFFFFFF, v1  }
0x451: {  	v10 =	vadd.s32 v10, v8;
	v11, _, _ =	vpop (xrf0)  }
0x452: {  	v10 =	vadd.s32 v11, v10;
	_ =	sdelay $0x2  }
0x453: {  	s4 =	sadd.s32 $0x10, s12  }
0x454: {  	v11 =	vor.u32 s4, v5  }
0x455: {  	v58 =	vld [tilespmem:s23+$0xFFFFFFF0];
	[tilespmem:v10+s0+$0x0] =	vst.idx.msk vm1, v11  }
0x456: {  	v11 =	vld [tilespmem:s21+$0xFFFFFFF0];
	_ =	sdelay $0x3  }
0x457: {  	vm7 =	vne.s32 v58, $0x0  }
0x458: {  	v12 =	vsel vm7, $0x1, v1;
	[tilespmem:v10+s2+$0x0] =	vst.idx.msk vm1, v11  }
0x459: {  	[tilespmem:v10+s26+$0x0] =	vst.idx.msk vm1, v12  }
0x45a: {  	v10 =	vld [tilespmem:s24+$0x0];
	_ =	sdelay $0x4  }
0x45b: {  	vm8 =	veq.s32 v10, v7  }
0x45c: {  	v11 =	vsel vm8, $0x1, v1  }
0x45d: {  	(xrf0) =	vadd.scan.msk.s32 $0xffff, v11;
	_ =	sdelay $0x2  }
0x45e: {  	v11 =	vmpcnt.ones.xlane vm15;
	_ =	sdelay $0x1  }
0x45f: {  	v9 =	vadd.s32 v9, v11;
	v11 =	vsel vm8, $0xFFFFFFFF, v1  }
0x460: {  	v11 =	vadd.s32 v11, v9;
	v59, _, _ =	vpop (xrf0)  }
0x461: {  	v11 =	vadd.s32 v59, v11  }
0x462: {  	vm9 =	vlt.s32 v11, v6  }
0x463: {  	vm10 =	vgt.s32 v10, v7;
	vm0 =	vmand vm8, vm9  }
0x464: {  	vm0 =	vmor vm10, vm0  }
0x465: {  	v10 =	vsel vm0, $0x1, v1  }
0x466: {  	(xrf0) =	vadd.scan.msk.s32 $0xffff, v10;
	_ =	sdelay $0x2  }
0x467: {  	v10 =	vmpcnt.ones.xlane vm1;
	_ =	sdelay $0x1  }
0x468: {  	v8 =	vadd.s32 v8, v10;
	v10 =	vsel vm0, $0xFFFFFFFF, v1  }
0x469: {  	v10 =	vadd.s32 v10, v8;
	v11, _, _ =	vpop (xrf0)  }
0x46a: {  	v10 =	vadd.s32 v11, v10;
	_ =	sdelay $0x2  }
0x46b: {  	s30 =	sadd.s32 $0x20, s12  }
0x46c: {  	v11 =	vor.u32 s30, v5  }
0x46d: {  	v60 =	vld [tilespmem:s23+$0x0];
	[tilespmem:v10+s0+$0x0] =	vst.idx.msk vm0, v11  }
0x46e: {  	v11 =	vld [tilespmem:s21+$0x0];
	_ =	sdelay $0x3  }
0x46f: {  	vm11 =	vne.s32 v60, $0x0  }
0x470: {  	v12 =	vsel vm11, $0x1, v1;
	[tilespmem:v10+s2+$0x0] =	vst.idx.msk vm0, v11  }
0x471: {  	[tilespmem:v10+s26+$0x0] =	vst.idx.msk vm0, v12  }
0x472: {  	v10 =	vld [tilespmem:s24+$0x10];
	_ =	sdelay $0x4  }
0x473: {  	vm12 =	veq.s32 v10, v7  }
0x474: {  	v11 =	vsel vm12, $0x1, v1  }
0x475: {  	(xrf0) =	vadd.scan.msk.s32 $0xffff, v11;
	_ =	sdelay $0x2  }
0x476: {  	v11 =	vmpcnt.ones.xlane vm8;
	_ =	sdelay $0x1  }
0x477: {  	v9 =	vadd.s32 v9, v11;
	v11 =	vsel vm12, $0xFFFFFFFF, v1  }
0x478: {  	v11 =	vadd.s32 v11, v9;
	v61, _, _ =	vpop (xrf0)  }
0x479: {  	v11 =	vadd.s32 v61, v11  }
0x47a: {  	vm13 =	vlt.s32 v11, v6  }
0x47b: {  	vm14 =	vgt.s32 v10, v7;
	vm2 =	vmand vm12, vm13  }
0x47c: {  	vm2 =	vmor vm14, vm2  }
0x47d: {  	v10 =	vsel vm2, $0x1, v1  }
0x47e: {  	(xrf0) =	vadd.scan.msk.s32 $0xffff, v10;
	_ =	sdelay $0x2  }
0x47f: {  	v10 =	vmpcnt.ones.xlane vm0;
	_ =	sdelay $0x1  }
0x480: {  	v8 =	vadd.s32 v8, v10;
	v10 =	vsel vm2, $0xFFFFFFFF, v1  }
0x481: {  	v10 =	vadd.s32 v10, v8;
	v11, _, _ =	vpop (xrf0)  }
0x482: {  	v10 =	vadd.s32 v11, v10;
	_ =	sdelay $0x2  }
0x483: {  	s31 =	sadd.s32 $0x30, s12  }
0x484: {  	v11 =	vor.u32 s31, v5  }
0x485: {  	v62 =	vld [tilespmem:s23+$0x10];
	[tilespmem:v10+s0+$0x0] =	vst.idx.msk vm2, v11  }
0x486: {  	v11 =	vld [tilespmem:s21+$0x10]  }
0x487: {  	p1 =	sne.s32 s12, $0x1FC0  }
.Ltmp22:
0x488: {  	_ = 	snop;
	(pc) =	sbr.rel @p1 .LBB2_32-.Ltmp22, $4  }
0x489: {  	_ = 	snop  }
0x48a: {  	vm15 =	vne.s32 v62, $0x0;
	v13 =	vmpcnt.ones.xlane vm12;
	v63 =	vmpcnt.ones.xlane vm2  }
0x48b: {  	s12 =	sadd.s32 $0x40, s12;
	[tilespmem:v10+s2+$0x0] =	vst.idx.msk vm2, v11;
	v11 =	vsel vm15, $0x1, v1  }
0x48c: {  	s23 =	sadd.s32 $0x40, s23;
	s24 =	sadd.s32 $0x40, s24;
	v9 =	vadd.s32 v9, v13;
	v8 =	vadd.s32 v8, v63;
	s21 =	sadd.s32 $0x40, s21;
	[tilespmem:v10+s26+$0x0] =	vst.idx.msk vm2, v11  }
0x48d: {  	s4 =	rddreg [dreg:$0xa];
	s6 =	simm.s32 $0x80;
	s5 =	simm.s32 $0x200  }
0x48e: {  	[hbm4b:s4+s6] =	stream.strided.scatter [tilespmem:s0], [sflag:$0x3], $0x800, s5, s6, $0x38;
	[tilespmem:$0x19B80] =	vst v63  }
0x48f: {  	_ =	swait.ge [sflag:s9], $0x800  }
0x490: {  	[sflag:s9] =	ssyncset.done $0x0  }
0x491: {  	s30 =	rddreg [dreg:$0xb];
	[sflag:s9] =	ssyncadd.s32 $0xFFFFF800  }
0x492: {  	[hbm4b:s30+s6] =	stream.strided.scatter [tilespmem:s2], [sflag:$0x3], $0x800, s5, s6, $0x38;
	[tilespmem:$0x19B80] =	vst v63  }
0x493: {  	_ =	swait.ge [sflag:s9], $0x800  }
0x494: {  	[sflag:s9] =	ssyncset.done $0x0  }
.Ltmp23:
0x495: {  	s31 =	rddreg [dreg:$0xc];
	[sflag:s9] =	ssyncadd.s32 $0xFFFFF800;
	(pc) =	sbr.rel .LBB2_34-.Ltmp23, $4  }
0x496: {  	[hbm4b:s31+s6] =	stream.strided.scatter [tilespmem:s26], [sflag:$0x3], $0x800, s5, s6, $0x38;
	[tilespmem:$0x19B80] =	vst v63  }
0x497: {  	_ =	swait.ge [sflag:s9], $0x800  }
0x498: {  	[sflag:s9] =	ssyncset.done $0x0  }
0x499: {  	s12 =	smov.u32 s1;
	s5 =	rddreg [dreg:$0xd];
	[sflag:s9] =	ssyncadd.s32 $0xFFFFF800  }
.LBB2_35:
0x49a: {  	_ =	sfence.sel $0x180000  }
0x49b: {  	[bflag:$0x0] =	sbarrier.arrive $0xFFFF  }
0x49c: {  	_ =	strace $0x90000047  }
0x49d: {  	s0 =	stileid.u32;
	[bflag:$0x2] =	sbarrier.arrive $0xFFFF  }
0x49e: {  	p0 =	sne.s32 s0, $0x0;
	s0 =	rddreg [dreg:$0x6]  }
0x49f: {  	s0 =	sadd.s32 @!p0 $0x100000, s0  }
0x4a0: {  	[sflag:s0] =	ssyncadd.tile.s32 @!p0 $0x1;
	_ =	shalt  }
.Lfunc_end2:
_tile_overlayer_lowered:
.L_overlay_start_2:
0x4a1: {  	(tag) =	ssettag $0x2  }
0x4a2: {  	s0 =	rddreg [dreg:$0x0];
	s2 =	stileid.u32  }
0x4a3: {  	s1 =	rddreg [dreg:$0x1];
	p0 =	sne.s32 s2, $0x0  }
0x4a4: {  	s3 =	rddreg [dreg:$0x2];
	[bflag:$0x3] =	sbarrier.arrive $0xFFFF;
	s2 =	simm.s32 @!p0 $0x1C03  }
0x4a5: {  	[timem:s3], [sflag:s2] =	dma.local @!p0 [hbm:s0], s1  }
0x4a6: {  	s0 =	simm.s32 @!p0 $0x3  }
0x4a7: {  	_ =	swait.ge @!p0 [sflag:s0], s1  }
0x4a8: {  	s1 =	ssub.s32 @!p0 $0x0, s1;
	[sflag:s0] =	ssyncset.done @!p0 $0x0  }
0x4a9: {  	[sflag:s0] =	ssyncadd.s32 @!p0 s1  }
0x4aa: {  	[bflag:$0x3] =	sbarrier.arrive $0xFFFF  }
0x4ab: {  	_ =	shalt  }

</sc_bundles>
